<compile_context>
chip_gen: v7x
topology: tpu7x:2x2x1
jax: 0.10.2.dev20260603
libtpu: 0.0.44.dev20260713+nightly
codegen_flags: <defaults>
</compile_context>

<pallas_src>
import functools

import jax
import jax.numpy as jnp
from jax import lax
from jax.experimental import pallas as pl
from jax.experimental.pallas import tpu as pltpu
from jax.experimental.pallas import tpu_sc as plsc

N = 10000
E = 320000
D_IN = 128
D_CONV = 64
D_OUT = 128

NUM_CORES = 2
NUM_SUBCORES = 16
NW = NUM_CORES * NUM_SUBCORES

CHUNK = 128
FAST_CID = 0
NCF = 91
NCS = 66
EDGES_F = NUM_SUBCORES * NCF * CHUNK
EDGES_S_PAD = NUM_SUBCORES * NCS * CHUNK

N_PAD = 10112
ROWS_PER_TILE = N_PAD // NUM_SUBCORES
_FULL = ROWS_PER_TILE // CHUNK
_REM = ROWS_PER_TILE - _FULL * CHUNK


def _mm_body(x_ref, w_ref, o_ref):
    o_ref[...] = jnp.dot(x_ref[...], w_ref[...],
                         preferred_element_type=jnp.float32)


def _matmul(x, w):
    return pl.pallas_call(
        _mm_body,
        out_shape=jax.ShapeDtypeStruct((x.shape[0], w.shape[1]), jnp.float32),
    )(x, w)


def _fused_body(p_ref, m_ref, w_ref, o_ref):
    h = p_ref[0, :N, :] + p_ref[1, :N, :] + m_ref[...]
    h = jnp.maximum(h, 0.0)
    o_ref[...] = jnp.dot(h, w_ref[...], preferred_element_type=jnp.float32)


def _fused_conv(p, m, w):
    return pl.pallas_call(
        _fused_body,
        out_shape=jax.ShapeDtypeStruct((N, w.shape[1]), jnp.float32),
    )(p, m, w)


def _final_body(p_ref, m_ref, state_ref, out_ref):
    st = p_ref[0, :N, :] + p_ref[1, :N, :] + m_ref[...]
    state_ref[...] = st
    out_ref[...] = jnp.sum(st, axis=0, keepdims=True)


def _final(p, m):
    return pl.pallas_call(
        _final_body,
        out_shape=(
            jax.ShapeDtypeStruct((N, D_OUT), jnp.float32),
            jax.ShapeDtypeStruct((1, D_OUT), jnp.float32),
        ),
    )(p, m)


def _make_seg_kernel(D):
    mesh = plsc.VectorSubcoreMesh(core_axis_name="c", subcore_axis_name="s")

    @functools.partial(
        pl.kernel,
        mesh=mesh,
        out_type=jax.ShapeDtypeStruct((NUM_CORES, N_PAD, D), jnp.float32),
        scratch_types=[
            pltpu.VMEM((NCF, CHUNK), jnp.int32),
            pltpu.VMEM((NCF, CHUNK), jnp.int32),
            pltpu.VMEM((CHUNK, D), jnp.float32),
            pltpu.VMEM_SHARED((N_PAD, D), jnp.float32),
            pltpu.SemaphoreType.DMA,
        ],
    )
    def seg(m_hbm, src_f, dst_f, src_s, dst_s, out_hbm, src_v, dst_v,
            rows_v, agg_sh, sem):
        cid = lax.axis_index("c")
        sid = lax.axis_index("s")
        base = sid * ROWS_PER_TILE

        def _zero_row(i, carry):
            for c16 in range(D // 16):
                rows_v[i, pl.ds(c16 * 16, 16)] = jnp.zeros((16,), jnp.float32)
            return carry

        lax.fori_loop(0, CHUNK, _zero_row, 0)
        for k in range(_FULL):
            pltpu.sync_copy(rows_v, agg_sh.at[pl.ds(base + k * CHUNK, CHUNK)])
        pltpu.sync_copy(rows_v.at[pl.ds(0, _REM)],
                        agg_sh.at[pl.ds(base + _FULL * CHUNK, _REM)])

        @pl.when(cid == FAST_CID)
        def _():
            pltpu.sync_copy(src_f.at[sid], src_v)
            pltpu.sync_copy(dst_f.at[sid], dst_v)

        @pl.when(cid != FAST_CID)
        def _():
            pltpu.sync_copy(src_s.at[sid], src_v.at[pl.ds(0, NCS)])
            pltpu.sync_copy(dst_s.at[sid], dst_v.at[pl.ds(0, NCS)])

        plsc.subcore_barrier()

        def _edges(j, carry):
            pltpu.async_copy(m_hbm.at[src_v.at[j]], rows_v, sem).wait()
            pltpu.sync_copy(rows_v, agg_sh.at[dst_v.at[j]], add=True)
            return carry

        lax.fori_loop(0, NCS, _edges, 0)

        @pl.when(cid == FAST_CID)
        def _():
            lax.fori_loop(NCS, NCF, _edges, 0)

        plsc.subcore_barrier()

        for k in range(_FULL):
            pltpu.sync_copy(agg_sh.at[pl.ds(base + k * CHUNK, CHUNK)], rows_v)
            pltpu.sync_copy(rows_v,
                            out_hbm.at[cid, pl.ds(base + k * CHUNK, CHUNK)])
        pltpu.sync_copy(agg_sh.at[pl.ds(base + _FULL * CHUNK, _REM)],
                        rows_v.at[pl.ds(0, _REM)])
        pltpu.sync_copy(rows_v.at[pl.ds(0, _REM)],
                        out_hbm.at[cid, pl.ds(base + _FULL * CHUNK, _REM)])

    return seg


_seg = _make_seg_kernel(128)


def kernel(x, edge_index, gnn_ind, W1, Wh, W2):
    pad = EDGES_F + EDGES_S_PAD - E
    src_f = edge_index[0][:EDGES_F].reshape(NUM_SUBCORES, NCF, CHUNK)
    dst_f = edge_index[1][:EDGES_F].reshape(NUM_SUBCORES, NCF, CHUNK)
    src_s = jnp.concatenate(
        [edge_index[0][EDGES_F:], jnp.zeros((pad,), jnp.int32)]
    ).reshape(NUM_SUBCORES, NCS, CHUNK)
    dst_s = jnp.concatenate(
        [edge_index[1][EDGES_F:], jnp.full((pad,), N, jnp.int32)]
    ).reshape(NUM_SUBCORES, NCS, CHUNK)

    W1p = jnp.pad(W1, ((0, 0), (0, 128 - D_CONV)))
    Whp = jnp.pad(Wh, ((0, 128 - D_CONV), (0, 128 - D_CONV)))
    W2p = jnp.pad(W2, ((0, 128 - D_CONV), (0, 0)))

    m1 = _matmul(x, W1p)
    p1 = _seg(m1, src_f, dst_f, src_s, dst_s)
    m2 = _fused_conv(p1, m1, Whp)
    p2 = _seg(m2, src_f, dst_f, src_s, dst_s)
    m3 = _fused_conv(p2, m2, W2p)
    p3 = _seg(m3, src_f, dst_f, src_s, dst_s)
    state, out = _final(p3, m3)
    return (state, out)

# --- scband reference (transcript-rebuilt; emitter-appended) ---
"""Pipeline reference for scband-ground-truth-encoder-43447889166791 (READ-ONLY COPY).

The authoritative reference and input builder live on the scoring server;
editing this copy changes nothing except your own understanding.
"""

import jax, jax.numpy as jnp
import numpy as np

N = 10000
E = 320000
D_IN = 128
D_CONV = 64
D_OUT = 128
G = 64  # number of graphs addressed by gnn_ind


def setup_inputs(seed: int = 0) -> dict:
    key = jax.random.key(seed)
    ks = jax.random.split(key, 6)
    x = jax.random.normal(ks[0], (N, D_IN), dtype=jnp.float32)
    edge_index = jax.random.randint(ks[1], (2, E), 0, N, dtype=jnp.int32)
    gnn_ind = jnp.sort(jax.random.randint(ks[2], (N,), 0, G, dtype=jnp.int32))
    # learned parameters of the GCN GraphEncoder (num_in->conv_dim, hidden conv_dim->conv_dim, conv_dim->num_out)
    W1 = jax.random.normal(ks[3], (D_IN, D_CONV), dtype=jnp.float32) * 0.05
    Wh = jax.random.normal(ks[4], (D_CONV, D_CONV), dtype=jnp.float32) * 0.05
    W2 = jax.random.normal(ks[5], (D_CONV, D_OUT), dtype=jnp.float32) * 0.05
    return {"x": x, "edge_index": edge_index, "gnn_ind": gnn_ind, "W1": W1, "Wh": Wh, "W2": W2}


def _gcn_conv(h, W, src, dst):
    # linear transform, gather along src edges, scatter-add to dst nodes, plus self-connection
    m = h @ W
    agg = jax.ops.segment_sum(m[src], dst, num_segments=N)
    return agg + m


def reference(x, edge_index, gnn_ind, W1, Wh, W2):
    src = edge_index[0]
    dst = edge_index[1]
    # GraphEncoder (GCN): input conv -> hidden conv (hidden_layers=1) -> output conv
    h = jax.nn.relu(_gcn_conv(x, W1, src, dst))
    h = jax.nn.relu(_gcn_conv(h, Wh, src, dst))
    state_tensor = _gcn_conv(h, W2, src, dst)
    # out = scatter_add(state_tensor, gnn_ind, 0)
    out = jax.ops.segment_sum(state_tensor, gnn_ind, num_segments=G)
    # batch_gnn_ind is None and attention_keys is None -> out = sum(out, 0, keepdim=True)
    out = jnp.sum(out, axis=0, keepdims=True)
    return (state_tensor, out)

if __name__ == "__main__":
    import jax
    _d = setup_inputs()
    print(jax.jit(kernel)(*tuple(_d.values())))

</pallas_src>

<mosaic_0001>
#map = affine_map<(d0, d1) -> (0, 0)>
#map1 = affine_map<(d0, d1) -> (0, 0, 0)>
module attributes {stable_mosaic.version = 14 : i64} {
  func.func @seg(%arg0: i32, %arg1: i32, %arg2: memref<10000x128xf32, #tpu.memory_space<hbm>>, %arg3: memref<16x91x128xi32, #tpu.memory_space<hbm>>, %arg4: memref<16x91x128xi32, #tpu.memory_space<hbm>>, %arg5: memref<16x66x128xi32, #tpu.memory_space<hbm>>, %arg6: memref<16x66x128xi32, #tpu.memory_space<hbm>>, %arg7: memref<2x10112x128xf32, #tpu.memory_space<hbm>>, %arg8: memref<91x128xi32, #tpu.memory_space<vmem>>, %arg9: memref<91x128xi32, #tpu.memory_space<vmem>>, %arg10: memref<128x128xf32, #tpu.memory_space<vmem>>, %arg11: memref<10112x128xf32, #tpu.memory_space<vmem_shared>>, %arg12: memref<!tpu.dma_semaphore, #tpu.memory_space<semaphore_mem>>) attributes {dimension_semantics = [#tpu.dimension_semantics<core_parallel>, #tpu.dimension_semantics<subcore_parallel>], iteration_bounds = array<i64: 2, 16>, scalar_prefetch = 0 : i64, scratch_operands = 5 : i64, tpu.core_type = #tpu.core_type<sc_vector_subcore>, window_params = [{transform_indices = #map}, {transform_indices = #map1}, {transform_indices = #map1}, {transform_indices = #map1}, {transform_indices = #map1}, {transform_indices = #map1}]} {
    %mul3A = arith.constant 632 : i32
    %mul3A_0 = arith.muli %arg1, %mul3A : i32
    %scan3A = arith.constant 0 : i32
    %scan3A_1 = arith.constant 0 : i32
    %scan3A_2 = arith.constant 128 : i32
    %scan3A_3 = arith.addi %scan3A_1, %scan3A_2 : i32
    %scan3A_4 = arith.constant 1 : i32
    scf.for %scan3A_53 = %scan3A_1 to %scan3A_3 step %scan3A_4  : i32 {
      %broadcast_in_dim3A = arith.constant 0.000000e+00 : f32
      %broadcast_in_dim3A_54 = vector.broadcast %broadcast_in_dim3A : f32 to vector<16xf32>
      %swap3A = arith.index_cast %scan3A_53 : i32 to index
      %swap3A_55 = arith.constant 0 : index
      %swap3A_56 = tpu.vector_load %arg10[%swap3A, %swap3A_55] {strides = array<i32>} : memref<128x128xf32, #tpu.memory_space<vmem>>, vector<1x16xf32>,
      %swap3A_57 = vector.shape_cast %swap3A_56 : vector<1x16xf32> to vector<16xf32>
      %swap3A_58 = vector.shape_cast %broadcast_in_dim3A_54 : vector<16xf32> to vector<1x16xf32>
      tpu.vector_store %arg10[%swap3A, %swap3A_55], %swap3A_58 {strides = array<i32>} : memref<128x128xf32, #tpu.memory_space<vmem>>, vector<1x16xf32>,
      %broadcast_in_dim3A_59 = arith.constant 0.000000e+00 : f32
      %broadcast_in_dim3A_60 = vector.broadcast %broadcast_in_dim3A_59 : f32 to vector<16xf32>
      %swap3A_61 = arith.index_cast %scan3A_53 : i32 to index
      %swap3A_62 = arith.constant 16 : index
      %swap3A_63 = tpu.vector_load %arg10[%swap3A_61, %swap3A_62] {strides = array<i32>} : memref<128x128xf32, #tpu.memory_space<vmem>>, vector<1x16xf32>,
      %swap3A_64 = vector.shape_cast %swap3A_63 : vector<1x16xf32> to vector<16xf32>
      %swap3A_65 = vector.shape_cast %broadcast_in_dim3A_60 : vector<16xf32> to vector<1x16xf32>
      tpu.vector_store %arg10[%swap3A_61, %swap3A_62], %swap3A_65 {strides = array<i32>} : memref<128x128xf32, #tpu.memory_space<vmem>>, vector<1x16xf32>,
      %broadcast_in_dim3A_66 = arith.constant 0.000000e+00 : f32
      %broadcast_in_dim3A_67 = vector.broadcast %broadcast_in_dim3A_66 : f32 to vector<16xf32>
      %swap3A_68 = arith.index_cast %scan3A_53 : i32 to index
      %swap3A_69 = arith.constant 32 : index
      %swap3A_70 = tpu.vector_load %arg10[%swap3A_68, %swap3A_69] {strides = array<i32>} : memref<128x128xf32, #tpu.memory_space<vmem>>, vector<1x16xf32>,
      %swap3A_71 = vector.shape_cast %swap3A_70 : vector<1x16xf32> to vector<16xf32>
      %swap3A_72 = vector.shape_cast %broadcast_in_dim3A_67 : vector<16xf32> to vector<1x16xf32>
      tpu.vector_store %arg10[%swap3A_68, %swap3A_69], %swap3A_72 {strides = array<i32>} : memref<128x128xf32, #tpu.memory_space<vmem>>, vector<1x16xf32>,
      %broadcast_in_dim3A_73 = arith.constant 0.000000e+00 : f32
      %broadcast_in_dim3A_74 = vector.broadcast %broadcast_in_dim3A_73 : f32 to vector<16xf32>
      %swap3A_75 = arith.index_cast %scan3A_53 : i32 to index
      %swap3A_76 = arith.constant 48 : index
      %swap3A_77 = tpu.vector_load %arg10[%swap3A_75, %swap3A_76] {strides = array<i32>} : memref<128x128xf32, #tpu.memory_space<vmem>>, vector<1x16xf32>,
      %swap3A_78 = vector.shape_cast %swap3A_77 : vector<1x16xf32> to vector<16xf32>
      %swap3A_79 = vector.shape_cast %broadcast_in_dim3A_74 : vector<16xf32> to vector<1x16xf32>
      tpu.vector_store %arg10[%swap3A_75, %swap3A_76], %swap3A_79 {strides = array<i32>} : memref<128x128xf32, #tpu.memory_space<vmem>>, vector<1x16xf32>,
      %broadcast_in_dim3A_80 = arith.constant 0.000000e+00 : f32
      %broadcast_in_dim3A_81 = vector.broadcast %broadcast_in_dim3A_80 : f32 to vector<16xf32>
      %swap3A_82 = arith.index_cast %scan3A_53 : i32 to index
      %swap3A_83 = arith.constant 64 : index
      %swap3A_84 = tpu.vector_load %arg10[%swap3A_82, %swap3A_83] {strides = array<i32>} : memref<128x128xf32, #tpu.memory_space<vmem>>, vector<1x16xf32>,
      %swap3A_85 = vector.shape_cast %swap3A_84 : vector<1x16xf32> to vector<16xf32>
      %swap3A_86 = vector.shape_cast %broadcast_in_dim3A_81 : vector<16xf32> to vector<1x16xf32>
      tpu.vector_store %arg10[%swap3A_82, %swap3A_83], %swap3A_86 {strides = array<i32>} : memref<128x128xf32, #tpu.memory_space<vmem>>, vector<1x16xf32>,
      %broadcast_in_dim3A_87 = arith.constant 0.000000e+00 : f32
      %broadcast_in_dim3A_88 = vector.broadcast %broadcast_in_dim3A_87 : f32 to vector<16xf32>
      %swap3A_89 = arith.index_cast %scan3A_53 : i32 to index
      %swap3A_90 = arith.constant 80 : index
      %swap3A_91 = tpu.vector_load %arg10[%swap3A_89, %swap3A_90] {strides = array<i32>} : memref<128x128xf32, #tpu.memory_space<vmem>>, vector<1x16xf32>,
      %swap3A_92 = vector.shape_cast %swap3A_91 : vector<1x16xf32> to vector<16xf32>
      %swap3A_93 = vector.shape_cast %broadcast_in_dim3A_88 : vector<16xf32> to vector<1x16xf32>
      tpu.vector_store %arg10[%swap3A_89, %swap3A_90], %swap3A_93 {strides = array<i32>} : memref<128x128xf32, #tpu.memory_space<vmem>>, vector<1x16xf32>,
      %broadcast_in_dim3A_94 = arith.constant 0.000000e+00 : f32
      %broadcast_in_dim3A_95 = vector.broadcast %broadcast_in_dim3A_94 : f32 to vector<16xf32>
      %swap3A_96 = arith.index_cast %scan3A_53 : i32 to index
      %swap3A_97 = arith.constant 96 : index
      %swap3A_98 = tpu.vector_load %arg10[%swap3A_96, %swap3A_97] {strides = array<i32>} : memref<128x128xf32, #tpu.memory_space<vmem>>, vector<1x16xf32>,
      %swap3A_99 = vector.shape_cast %swap3A_98 : vector<1x16xf32> to vector<16xf32>
      %swap3A_100 = vector.shape_cast %broadcast_in_dim3A_95 : vector<16xf32> to vector<1x16xf32>
      tpu.vector_store %arg10[%swap3A_96, %swap3A_97], %swap3A_100 {strides = array<i32>} : memref<128x128xf32, #tpu.memory_space<vmem>>, vector<1x16xf32>,
      %broadcast_in_dim3A_101 = arith.constant 0.000000e+00 : f32
      %broadcast_in_dim3A_102 = vector.broadcast %broadcast_in_dim3A_101 : f32 to vector<16xf32>
      %swap3A_103 = arith.index_cast %scan3A_53 : i32 to index
      %swap3A_104 = arith.constant 112 : index
      %swap3A_105 = tpu.vector_load %arg10[%swap3A_103, %swap3A_104] {strides = array<i32>} : memref<128x128xf32, #tpu.memory_space<vmem>>, vector<1x16xf32>,
      %swap3A_106 = vector.shape_cast %swap3A_105 : vector<1x16xf32> to vector<16xf32>
      %swap3A_107 = vector.shape_cast %broadcast_in_dim3A_102 : vector<16xf32> to vector<1x16xf32>
      tpu.vector_store %arg10[%swap3A_103, %swap3A_104], %swap3A_107 {strides = array<i32>} : memref<128x128xf32, #tpu.memory_space<vmem>>, vector<1x16xf32>,
    }
    %scan3A_5 = arith.constant 128 : i32
    %add3A = arith.constant 0 : i32
    %add3A_6 = arith.addi %mul3A_0, %add3A : i32
    "tpu.region"() ({
      %run_scoped3A = tpu.sem_alloc : memref<!tpu.dma_semaphore, #tpu.memory_space<semaphore_mem>>
      %dma_start3A = arith.constant 0 : i32
      %dma_start3A_53 = tpu.memref_slice %arg11[%add3A_6, %dma_start3A] : memref<10112x128xf32, #tpu.memory_space<vmem_shared>> -> memref<128x128xf32, #tpu.memory_space<vmem_shared>>
      %dma_start3A_54 = arith.constant 0 : i32
      %dma_start3A_55 = tpu.memref_slice %arg11[%add3A_6, %dma_start3A_54] : memref<10112x128xf32, #tpu.memory_space<vmem_shared>> -> memref<128x128xf32, #tpu.memory_space<vmem_shared>>
      tpu.enqueue_dma source(%arg10 : memref<128x128xf32, #tpu.memory_space<vmem>>) target(%dma_start3A_55 : memref<128x128xf32, #tpu.memory_space<vmem_shared>>) target_semaphore(%run_scoped3A : memref<!tpu.dma_semaphore, #tpu.memory_space<semaphore_mem>>)
      %dma_wait3A = arith.constant 0 : i32
      %dma_wait3A_56 = tpu.memref_slice %arg11[%add3A_6, %dma_wait3A] : memref<10112x128xf32, #tpu.memory_space<vmem_shared>> -> memref<128x128xf32, #tpu.memory_space<vmem_shared>>
      %dma_wait3A_57 = arith.constant 0 : i32
      %dma_wait3A_58 = tpu.memref_slice %arg11[%add3A_6, %dma_wait3A_57] : memref<10112x128xf32, #tpu.memory_space<vmem_shared>> -> memref<128x128xf32, #tpu.memory_space<vmem_shared>>
      tpu.wait_dma2 semaphore(%run_scoped3A : memref<!tpu.dma_semaphore, #tpu.memory_space<semaphore_mem>>) src(%arg10 : memref<128x128xf32, #tpu.memory_space<vmem>>) dst(%dma_wait3A_58 : memref<128x128xf32, #tpu.memory_space<vmem_shared>>)
      tpu.yield
    }) : () -> ()
    %add3A_7 = arith.constant 128 : i32
    %add3A_8 = arith.addi %mul3A_0, %add3A_7 : i32
    "tpu.region"() ({
      %run_scoped3A = tpu.sem_alloc : memref<!tpu.dma_semaphore, #tpu.memory_space<semaphore_mem>>
      %dma_start3A = arith.constant 0 : i32
      %dma_start3A_53 = tpu.memref_slice %arg11[%add3A_8, %dma_start3A] : memref<10112x128xf32, #tpu.memory_space<vmem_shared>> -> memref<128x128xf32, #tpu.memory_space<vmem_shared>>
      %dma_start3A_54 = arith.constant 0 : i32
      %dma_start3A_55 = tpu.memref_slice %arg11[%add3A_8, %dma_start3A_54] : memref<10112x128xf32, #tpu.memory_space<vmem_shared>> -> memref<128x128xf32, #tpu.memory_space<vmem_shared>>
      tpu.enqueue_dma source(%arg10 : memref<128x128xf32, #tpu.memory_space<vmem>>) target(%dma_start3A_55 : memref<128x128xf32, #tpu.memory_space<vmem_shared>>) target_semaphore(%run_scoped3A : memref<!tpu.dma_semaphore, #tpu.memory_space<semaphore_mem>>)
      %dma_wait3A = arith.constant 0 : i32
      %dma_wait3A_56 = tpu.memref_slice %arg11[%add3A_8, %dma_wait3A] : memref<10112x128xf32, #tpu.memory_space<vmem_shared>> -> memref<128x128xf32, #tpu.memory_space<vmem_shared>>
      %dma_wait3A_57 = arith.constant 0 : i32
      %dma_wait3A_58 = tpu.memref_slice %arg11[%add3A_8, %dma_wait3A_57] : memref<10112x128xf32, #tpu.memory_space<vmem_shared>> -> memref<128x128xf32, #tpu.memory_space<vmem_shared>>
      tpu.wait_dma2 semaphore(%run_scoped3A : memref<!tpu.dma_semaphore, #tpu.memory_space<semaphore_mem>>) src(%arg10 : memref<128x128xf32, #tpu.memory_space<vmem>>) dst(%dma_wait3A_58 : memref<128x128xf32, #tpu.memory_space<vmem_shared>>)
      tpu.yield
    }) : () -> ()
    %add3A_9 = arith.constant 256 : i32
    %add3A_10 = arith.addi %mul3A_0, %add3A_9 : i32
    "tpu.region"() ({
      %run_scoped3A = tpu.sem_alloc : memref<!tpu.dma_semaphore, #tpu.memory_space<semaphore_mem>>
      %dma_start3A = arith.constant 0 : i32
      %dma_start3A_53 = tpu.memref_slice %arg11[%add3A_10, %dma_start3A] : memref<10112x128xf32, #tpu.memory_space<vmem_shared>> -> memref<128x128xf32, #tpu.memory_space<vmem_shared>>
      %dma_start3A_54 = arith.constant 0 : i32
      %dma_start3A_55 = tpu.memref_slice %arg11[%add3A_10, %dma_start3A_54] : memref<10112x128xf32, #tpu.memory_space<vmem_shared>> -> memref<128x128xf32, #tpu.memory_space<vmem_shared>>
      tpu.enqueue_dma source(%arg10 : memref<128x128xf32, #tpu.memory_space<vmem>>) target(%dma_start3A_55 : memref<128x128xf32, #tpu.memory_space<vmem_shared>>) target_semaphore(%run_scoped3A : memref<!tpu.dma_semaphore, #tpu.memory_space<semaphore_mem>>)
      %dma_wait3A = arith.constant 0 : i32
      %dma_wait3A_56 = tpu.memref_slice %arg11[%add3A_10, %dma_wait3A] : memref<10112x128xf32, #tpu.memory_space<vmem_shared>> -> memref<128x128xf32, #tpu.memory_space<vmem_shared>>
      %dma_wait3A_57 = arith.constant 0 : i32
      %dma_wait3A_58 = tpu.memref_slice %arg11[%add3A_10, %dma_wait3A_57] : memref<10112x128xf32, #tpu.memory_space<vmem_shared>> -> memref<128x128xf32, #tpu.memory_space<vmem_shared>>
      tpu.wait_dma2 semaphore(%run_scoped3A : memref<!tpu.dma_semaphore, #tpu.memory_space<semaphore_mem>>) src(%arg10 : memref<128x128xf32, #tpu.memory_space<vmem>>) dst(%dma_wait3A_58 : memref<128x128xf32, #tpu.memory_space<vmem_shared>>)
      tpu.yield
    }) : () -> ()
    %add3A_11 = arith.constant 384 : i32
    %add3A_12 = arith.addi %mul3A_0, %add3A_11 : i32
    "tpu.region"() ({
      %run_scoped3A = tpu.sem_alloc : memref<!tpu.dma_semaphore, #tpu.memory_space<semaphore_mem>>
      %dma_start3A = arith.constant 0 : i32
      %dma_start3A_53 = tpu.memref_slice %arg11[%add3A_12, %dma_start3A] : memref<10112x128xf32, #tpu.memory_space<vmem_shared>> -> memref<128x128xf32, #tpu.memory_space<vmem_shared>>
      %dma_start3A_54 = arith.constant 0 : i32
      %dma_start3A_55 = tpu.memref_slice %arg11[%add3A_12, %dma_start3A_54] : memref<10112x128xf32, #tpu.memory_space<vmem_shared>> -> memref<128x128xf32, #tpu.memory_space<vmem_shared>>
      tpu.enqueue_dma source(%arg10 : memref<128x128xf32, #tpu.memory_space<vmem>>) target(%dma_start3A_55 : memref<128x128xf32, #tpu.memory_space<vmem_shared>>) target_semaphore(%run_scoped3A : memref<!tpu.dma_semaphore, #tpu.memory_space<semaphore_mem>>)
      %dma_wait3A = arith.constant 0 : i32
      %dma_wait3A_56 = tpu.memref_slice %arg11[%add3A_12, %dma_wait3A] : memref<10112x128xf32, #tpu.memory_space<vmem_shared>> -> memref<128x128xf32, #tpu.memory_space<vmem_shared>>
      %dma_wait3A_57 = arith.constant 0 : i32
      %dma_wait3A_58 = tpu.memref_slice %arg11[%add3A_12, %dma_wait3A_57] : memref<10112x128xf32, #tpu.memory_space<vmem_shared>> -> memref<128x128xf32, #tpu.memory_space<vmem_shared>>
      tpu.wait_dma2 semaphore(%run_scoped3A : memref<!tpu.dma_semaphore, #tpu.memory_space<semaphore_mem>>) src(%arg10 : memref<128x128xf32, #tpu.memory_space<vmem>>) dst(%dma_wait3A_58 : memref<128x128xf32, #tpu.memory_space<vmem_shared>>)
      tpu.yield
    }) : () -> ()
    %add3A_13 = arith.constant 512 : i32
    %add3A_14 = arith.addi %mul3A_0, %add3A_13 : i32
    "tpu.region"() ({
      %run_scoped3A = tpu.sem_alloc : memref<!tpu.dma_semaphore, #tpu.memory_space<semaphore_mem>>
      %dma_start3A = arith.constant 0 : i32
      %dma_start3A_53 = arith.constant 0 : i32
      %dma_start3A_54 = tpu.memref_slice %arg10[%dma_start3A, %dma_start3A_53] : memref<128x128xf32, #tpu.memory_space<vmem>> -> memref<120x128xf32, #tpu.memory_space<vmem>>
      %dma_start3A_55 = arith.constant 0 : i32
      %dma_start3A_56 = tpu.memref_slice %arg11[%add3A_14, %dma_start3A_55] : memref<10112x128xf32, #tpu.memory_space<vmem_shared>> -> memref<120x128xf32, #tpu.memory_space<vmem_shared>>
      %dma_start3A_57 = arith.constant 0 : i32
      %dma_start3A_58 = tpu.memref_slice %arg11[%add3A_14, %dma_start3A_57] : memref<10112x128xf32, #tpu.memory_space<vmem_shared>> -> memref<120x128xf32, #tpu.memory_space<vmem_shared>>
      %dma_start3A_59 = arith.constant 0 : i32
      %dma_start3A_60 = arith.constant 0 : i32
      %dma_start3A_61 = tpu.memref_slice %arg10[%dma_start3A_59, %dma_start3A_60] : memref<128x128xf32, #tpu.memory_space<vmem>> -> memref<120x128xf32, #tpu.memory_space<vmem>>
      tpu.enqueue_dma source(%dma_start3A_61 : memref<120x128xf32, #tpu.memory_space<vmem>>) target(%dma_start3A_58 : memref<120x128xf32, #tpu.memory_space<vmem_shared>>) target_semaphore(%run_scoped3A : memref<!tpu.dma_semaphore, #tpu.memory_space<semaphore_mem>>)
      %dma_wait3A = arith.constant 0 : i32
      %dma_wait3A_62 = arith.constant 0 : i32
      %dma_wait3A_63 = tpu.memref_slice %arg10[%dma_wait3A, %dma_wait3A_62] : memref<128x128xf32, #tpu.memory_space<vmem>> -> memref<120x128xf32, #tpu.memory_space<vmem>>
      %dma_wait3A_64 = arith.constant 0 : i32
      %dma_wait3A_65 = tpu.memref_slice %arg11[%add3A_14, %dma_wait3A_64] : memref<10112x128xf32, #tpu.memory_space<vmem_shared>> -> memref<120x128xf32, #tpu.memory_space<vmem_shared>>
      %dma_wait3A_66 = arith.constant 0 : i32
      %dma_wait3A_67 = tpu.memref_slice %arg11[%add3A_14, %dma_wait3A_66] : memref<10112x128xf32, #tpu.memory_space<vmem_shared>> -> memref<120x128xf32, #tpu.memory_space<vmem_shared>>
      %dma_wait3A_68 = arith.constant 0 : i32
      %dma_wait3A_69 = arith.constant 0 : i32
      %dma_wait3A_70 = tpu.memref_slice %arg10[%dma_wait3A_68, %dma_wait3A_69] : memref<128x128xf32, #tpu.memory_space<vmem>> -> memref<120x128xf32, #tpu.memory_space<vmem>>
      tpu.wait_dma2 semaphore(%run_scoped3A : memref<!tpu.dma_semaphore, #tpu.memory_space<semaphore_mem>>) src(%dma_wait3A_70 : memref<120x128xf32, #tpu.memory_space<vmem>>) dst(%dma_wait3A_67 : memref<120x128xf32, #tpu.memory_space<vmem_shared>>)
      tpu.yield
    }) : () -> ()
    %eq3A = arith.constant 0 : i32
    %eq3A_15 = arith.cmpi eq, %arg0, %eq3A : i32
    %convert_element_type3A = arith.extui %eq3A_15 : i1 to i32
    %cond3A = arith.constant 0 : i32
    %cond3A_16 = arith.cmpi ne, %convert_element_type3A, %cond3A : i32
    scf.if %cond3A_16 {
      "tpu.region"() ({
        %run_scoped3A = tpu.sem_alloc : memref<!tpu.dma_semaphore, #tpu.memory_space<semaphore_mem>>
        %dma_start3A = arith.constant 0 : i32
        %dma_start3A_53 = arith.constant 0 : i32
        %dma_start3A_54 = tpu.memref_slice %arg3[%arg1, %dma_start3A, %dma_start3A_53] : memref<16x91x128xi32, #tpu.memory_space<hbm>> -> memref<1x91x128xi32, #tpu.memory_space<hbm>>
        %dma_start3A_55 = tpu.memref_squeeze %dma_start3A_54 : memref<1x91x128xi32, #tpu.memory_space<hbm>> -> memref<91x128xi32, #tpu.memory_space<hbm>>
        %dma_start3A_56 = arith.constant 0 : i32
        %dma_start3A_57 = arith.constant 0 : i32
        %dma_start3A_58 = tpu.memref_slice %arg3[%arg1, %dma_start3A_56, %dma_start3A_57] : memref<16x91x128xi32, #tpu.memory_space<hbm>> -> memref<1x91x128xi32, #tpu.memory_space<hbm>>
        %dma_start3A_59 = tpu.memref_squeeze %dma_start3A_58 : memref<1x91x128xi32, #tpu.memory_space<hbm>> -> memref<91x128xi32, #tpu.memory_space<hbm>>
        tpu.enqueue_dma source(%dma_start3A_59 : memref<91x128xi32, #tpu.memory_space<hbm>>) target(%arg8 : memref<91x128xi32, #tpu.memory_space<vmem>>) target_semaphore(%run_scoped3A : memref<!tpu.dma_semaphore, #tpu.memory_space<semaphore_mem>>)
        %dma_wait3A = arith.constant 0 : i32
        %dma_wait3A_60 = arith.constant 0 : i32
        %dma_wait3A_61 = tpu.memref_slice %arg3[%arg1, %dma_wait3A, %dma_wait3A_60] : memref<16x91x128xi32, #tpu.memory_space<hbm>> -> memref<1x91x128xi32, #tpu.memory_space<hbm>>
        %dma_wait3A_62 = tpu.memref_squeeze %dma_wait3A_61 : memref<1x91x128xi32, #tpu.memory_space<hbm>> -> memref<91x128xi32, #tpu.memory_space<hbm>>
        %dma_wait3A_63 = arith.constant 0 : i32
        %dma_wait3A_64 = arith.constant 0 : i32
        %dma_wait3A_65 = tpu.memref_slice %arg3[%arg1, %dma_wait3A_63, %dma_wait3A_64] : memref<16x91x128xi32, #tpu.memory_space<hbm>> -> memref<1x91x128xi32, #tpu.memory_space<hbm>>
        %dma_wait3A_66 = tpu.memref_squeeze %dma_wait3A_65 : memref<1x91x128xi32, #tpu.memory_space<hbm>> -> memref<91x128xi32, #tpu.memory_space<hbm>>
        tpu.wait_dma2 semaphore(%run_scoped3A : memref<!tpu.dma_semaphore, #tpu.memory_space<semaphore_mem>>) src(%dma_wait3A_66 : memref<91x128xi32, #tpu.memory_space<hbm>>) dst(%arg8 : memref<91x128xi32, #tpu.memory_space<vmem>>)
        tpu.yield
      }) : () -> ()
      "tpu.region"() ({
        %run_scoped3A = tpu.sem_alloc : memref<!tpu.dma_semaphore, #tpu.memory_space<semaphore_mem>>
        %dma_start3A = arith.constant 0 : i32
        %dma_start3A_53 = arith.constant 0 : i32
        %dma_start3A_54 = tpu.memref_slice %arg4[%arg1, %dma_start3A, %dma_start3A_53] : memref<16x91x128xi32, #tpu.memory_space<hbm>> -> memref<1x91x128xi32, #tpu.memory_space<hbm>>
        %dma_start3A_55 = tpu.memref_squeeze %dma_start3A_54 : memref<1x91x128xi32, #tpu.memory_space<hbm>> -> memref<91x128xi32, #tpu.memory_space<hbm>>
        %dma_start3A_56 = arith.constant 0 : i32
        %dma_start3A_57 = arith.constant 0 : i32
        %dma_start3A_58 = tpu.memref_slice %arg4[%arg1, %dma_start3A_56, %dma_start3A_57] : memref<16x91x128xi32, #tpu.memory_space<hbm>> -> memref<1x91x128xi32, #tpu.memory_space<hbm>>
        %dma_start3A_59 = tpu.memref_squeeze %dma_start3A_58 : memref<1x91x128xi32, #tpu.memory_space<hbm>> -> memref<91x128xi32, #tpu.memory_space<hbm>>
        tpu.enqueue_dma source(%dma_start3A_59 : memref<91x128xi32, #tpu.memory_space<hbm>>) target(%arg9 : memref<91x128xi32, #tpu.memory_space<vmem>>) target_semaphore(%run_scoped3A : memref<!tpu.dma_semaphore, #tpu.memory_space<semaphore_mem>>)
        %dma_wait3A = arith.constant 0 : i32
        %dma_wait3A_60 = arith.constant 0 : i32
        %dma_wait3A_61 = tpu.memref_slice %arg4[%arg1, %dma_wait3A, %dma_wait3A_60] : memref<16x91x128xi32, #tpu.memory_space<hbm>> -> memref<1x91x128xi32, #tpu.memory_space<hbm>>
        %dma_wait3A_62 = tpu.memref_squeeze %dma_wait3A_61 : memref<1x91x128xi32, #tpu.memory_space<hbm>> -> memref<91x128xi32, #tpu.memory_space<hbm>>
        %dma_wait3A_63 = arith.constant 0 : i32
        %dma_wait3A_64 = arith.constant 0 : i32
        %dma_wait3A_65 = tpu.memref_slice %arg4[%arg1, %dma_wait3A_63, %dma_wait3A_64] : memref<16x91x128xi32, #tpu.memory_space<hbm>> -> memref<1x91x128xi32, #tpu.memory_space<hbm>>
        %dma_wait3A_66 = tpu.memref_squeeze %dma_wait3A_65 : memref<1x91x128xi32, #tpu.memory_space<hbm>> -> memref<91x128xi32, #tpu.memory_space<hbm>>
        tpu.wait_dma2 semaphore(%run_scoped3A : memref<!tpu.dma_semaphore, #tpu.memory_space<semaphore_mem>>) src(%dma_wait3A_66 : memref<91x128xi32, #tpu.memory_space<hbm>>) dst(%arg9 : memref<91x128xi32, #tpu.memory_space<vmem>>)
        tpu.yield
      }) : () -> ()
    } else {
    }
    %ne3A = arith.constant 0 : i32
    %ne3A_17 = arith.cmpi ne, %arg0, %ne3A : i32
    %convert_element_type3A_18 = arith.extui %ne3A_17 : i1 to i32
    %cond3A_19 = arith.constant 0 : i32
    %cond3A_20 = arith.cmpi ne, %convert_element_type3A_18, %cond3A_19 : i32
    scf.if %cond3A_20 {
      "tpu.region"() ({
        %run_scoped3A = tpu.sem_alloc : memref<!tpu.dma_semaphore, #tpu.memory_space<semaphore_mem>>
        %dma_start3A = arith.constant 0 : i32
        %dma_start3A_53 = arith.constant 0 : i32
        %dma_start3A_54 = tpu.memref_slice %arg8[%dma_start3A, %dma_start3A_53] : memref<91x128xi32, #tpu.memory_space<vmem>> -> memref<66x128xi32, #tpu.memory_space<vmem>>
        %dma_start3A_55 = arith.constant 0 : i32
        %dma_start3A_56 = arith.constant 0 : i32
        %dma_start3A_57 = tpu.memref_slice %arg5[%arg1, %dma_start3A_55, %dma_start3A_56] : memref<16x66x128xi32, #tpu.memory_space<hbm>> -> memref<1x66x128xi32, #tpu.memory_space<hbm>>
        %dma_start3A_58 = tpu.memref_squeeze %dma_start3A_57 : memref<1x66x128xi32, #tpu.memory_space<hbm>> -> memref<66x128xi32, #tpu.memory_space<hbm>>
        %dma_start3A_59 = arith.constant 0 : i32
        %dma_start3A_60 = arith.constant 0 : i32
        %dma_start3A_61 = tpu.memref_slice %arg8[%dma_start3A_59, %dma_start3A_60] : memref<91x128xi32, #tpu.memory_space<vmem>> -> memref<66x128xi32, #tpu.memory_space<vmem>>
        %dma_start3A_62 = arith.constant 0 : i32
        %dma_start3A_63 = arith.constant 0 : i32
        %dma_start3A_64 = tpu.memref_slice %arg5[%arg1, %dma_start3A_62, %dma_start3A_63] : memref<16x66x128xi32, #tpu.memory_space<hbm>> -> memref<1x66x128xi32, #tpu.memory_space<hbm>>
        %dma_start3A_65 = tpu.memref_squeeze %dma_start3A_64 : memref<1x66x128xi32, #tpu.memory_space<hbm>> -> memref<66x128xi32, #tpu.memory_space<hbm>>
        tpu.enqueue_dma source(%dma_start3A_65 : memref<66x128xi32, #tpu.memory_space<hbm>>) target(%dma_start3A_61 : memref<66x128xi32, #tpu.memory_space<vmem>>) target_semaphore(%run_scoped3A : memref<!tpu.dma_semaphore, #tpu.memory_space<semaphore_mem>>)
        %dma_wait3A = arith.constant 0 : i32
        %dma_wait3A_66 = arith.constant 0 : i32
        %dma_wait3A_67 = tpu.memref_slice %arg8[%dma_wait3A, %dma_wait3A_66] : memref<91x128xi32, #tpu.memory_space<vmem>> -> memref<66x128xi32, #tpu.memory_space<vmem>>
        %dma_wait3A_68 = arith.constant 0 : i32
        %dma_wait3A_69 = arith.constant 0 : i32
        %dma_wait3A_70 = tpu.memref_slice %arg5[%arg1, %dma_wait3A_68, %dma_wait3A_69] : memref<16x66x128xi32, #tpu.memory_space<hbm>> -> memref<1x66x128xi32, #tpu.memory_space<hbm>>
        %dma_wait3A_71 = tpu.memref_squeeze %dma_wait3A_70 : memref<1x66x128xi32, #tpu.memory_space<hbm>> -> memref<66x128xi32, #tpu.memory_space<hbm>>
        %dma_wait3A_72 = arith.constant 0 : i32
        %dma_wait3A_73 = arith.constant 0 : i32
        %dma_wait3A_74 = tpu.memref_slice %arg8[%dma_wait3A_72, %dma_wait3A_73] : memref<91x128xi32, #tpu.memory_space<vmem>> -> memref<66x128xi32, #tpu.memory_space<vmem>>
        %dma_wait3A_75 = arith.constant 0 : i32
        %dma_wait3A_76 = arith.constant 0 : i32
        %dma_wait3A_77 = tpu.memref_slice %arg5[%arg1, %dma_wait3A_75, %dma_wait3A_76] : memref<16x66x128xi32, #tpu.memory_space<hbm>> -> memref<1x66x128xi32, #tpu.memory_space<hbm>>
        %dma_wait3A_78 = tpu.memref_squeeze %dma_wait3A_77 : memref<1x66x128xi32, #tpu.memory_space<hbm>> -> memref<66x128xi32, #tpu.memory_space<hbm>>
        tpu.wait_dma2 semaphore(%run_scoped3A : memref<!tpu.dma_semaphore, #tpu.memory_space<semaphore_mem>>) src(%dma_wait3A_78 : memref<66x128xi32, #tpu.memory_space<hbm>>) dst(%dma_wait3A_74 : memref<66x128xi32, #tpu.memory_space<vmem>>)
        tpu.yield
      }) : () -> ()
      "tpu.region"() ({
        %run_scoped3A = tpu.sem_alloc : memref<!tpu.dma_semaphore, #tpu.memory_space<semaphore_mem>>
        %dma_start3A = arith.constant 0 : i32
        %dma_start3A_53 = arith.constant 0 : i32
        %dma_start3A_54 = tpu.memref_slice %arg9[%dma_start3A, %dma_start3A_53] : memref<91x128xi32, #tpu.memory_space<vmem>> -> memref<66x128xi32, #tpu.memory_space<vmem>>
        %dma_start3A_55 = arith.constant 0 : i32
        %dma_start3A_56 = arith.constant 0 : i32
        %dma_start3A_57 = tpu.memref_slice %arg6[%arg1, %dma_start3A_55, %dma_start3A_56] : memref<16x66x128xi32, #tpu.memory_space<hbm>> -> memref<1x66x128xi32, #tpu.memory_space<hbm>>
        %dma_start3A_58 = tpu.memref_squeeze %dma_start3A_57 : memref<1x66x128xi32, #tpu.memory_space<hbm>> -> memref<66x128xi32, #tpu.memory_space<hbm>>
        %dma_start3A_59 = arith.constant 0 : i32
        %dma_start3A_60 = arith.constant 0 : i32
        %dma_start3A_61 = tpu.memref_slice %arg9[%dma_start3A_59, %dma_start3A_60] : memref<91x128xi32, #tpu.memory_space<vmem>> -> memref<66x128xi32, #tpu.memory_space<vmem>>
        %dma_start3A_62 = arith.constant 0 : i32
        %dma_start3A_63 = arith.constant 0 : i32
        %dma_start3A_64 = tpu.memref_slice %arg6[%arg1, %dma_start3A_62, %dma_start3A_63] : memref<16x66x128xi32, #tpu.memory_space<hbm>> -> memref<1x66x128xi32, #tpu.memory_space<hbm>>
        %dma_start3A_65 = tpu.memref_squeeze %dma_start3A_64 : memref<1x66x128xi32, #tpu.memory_space<hbm>> -> memref<66x128xi32, #tpu.memory_space<hbm>>
        tpu.enqueue_dma source(%dma_start3A_65 : memref<66x128xi32, #tpu.memory_space<hbm>>) target(%dma_start3A_61 : memref<66x128xi32, #tpu.memory_space<vmem>>) target_semaphore(%run_scoped3A : memref<!tpu.dma_semaphore, #tpu.memory_space<semaphore_mem>>)
        %dma_wait3A = arith.constant 0 : i32
        %dma_wait3A_66 = arith.constant 0 : i32
        %dma_wait3A_67 = tpu.memref_slice %arg9[%dma_wait3A, %dma_wait3A_66] : memref<91x128xi32, #tpu.memory_space<vmem>> -> memref<66x128xi32, #tpu.memory_space<vmem>>
        %dma_wait3A_68 = arith.constant 0 : i32
        %dma_wait3A_69 = arith.constant 0 : i32
        %dma_wait3A_70 = tpu.memref_slice %arg6[%arg1, %dma_wait3A_68, %dma_wait3A_69] : memref<16x66x128xi32, #tpu.memory_space<hbm>> -> memref<1x66x128xi32, #tpu.memory_space<hbm>>
        %dma_wait3A_71 = tpu.memref_squeeze %dma_wait3A_70 : memref<1x66x128xi32, #tpu.memory_space<hbm>> -> memref<66x128xi32, #tpu.memory_space<hbm>>
        %dma_wait3A_72 = arith.constant 0 : i32
        %dma_wait3A_73 = arith.constant 0 : i32
        %dma_wait3A_74 = tpu.memref_slice %arg9[%dma_wait3A_72, %dma_wait3A_73] : memref<91x128xi32, #tpu.memory_space<vmem>> -> memref<66x128xi32, #tpu.memory_space<vmem>>
        %dma_wait3A_75 = arith.constant 0 : i32
        %dma_wait3A_76 = arith.constant 0 : i32
        %dma_wait3A_77 = tpu.memref_slice %arg6[%arg1, %dma_wait3A_75, %dma_wait3A_76] : memref<16x66x128xi32, #tpu.memory_space<hbm>> -> memref<1x66x128xi32, #tpu.memory_space<hbm>>
        %dma_wait3A_78 = tpu.memref_squeeze %dma_wait3A_77 : memref<1x66x128xi32, #tpu.memory_space<hbm>> -> memref<66x128xi32, #tpu.memory_space<hbm>>
        tpu.wait_dma2 semaphore(%run_scoped3A : memref<!tpu.dma_semaphore, #tpu.memory_space<semaphore_mem>>) src(%dma_wait3A_78 : memref<66x128xi32, #tpu.memory_space<hbm>>) dst(%dma_wait3A_74 : memref<66x128xi32, #tpu.memory_space<vmem>>)
        tpu.yield
      }) : () -> ()
    } else {
    }
    %barrier3A = arith.constant 0 : index
    tpu.barrier barrier_id(%barrier3A)
    %scan3A_21 = arith.constant 0 : i32
    %scan3A_22 = arith.constant 0 : i32
    %scan3A_23 = arith.constant 66 : i32
    %scan3A_24 = arith.addi %scan3A_22, %scan3A_23 : i32
    %scan3A_25 = arith.constant 1 : i32
    scf.for %scan3A_53 = %scan3A_22 to %scan3A_24 step %scan3A_25  : i32 {
      %dma_start3A = arith.constant 0 : i32
      %dma_start3A_54 = tpu.memref_slice %arg8[%scan3A_53, %dma_start3A] : memref<91x128xi32, #tpu.memory_space<vmem>> -> memref<1x128xi32, #tpu.memory_space<vmem>>
      %dma_start3A_55 = tpu.memref_squeeze %dma_start3A_54 : memref<1x128xi32, #tpu.memory_space<vmem>> -> memref<128xi32, #tpu.memory_space<vmem>>
      %dma_start3A_56 = arith.constant 0 : i32
      %dma_start3A_57 = arith.constant 0 : i32
      %dma_start3A_58 = tpu.memref_slice %arg2[%dma_start3A_56, %dma_start3A_57] : memref<10000x128xf32, #tpu.memory_space<hbm>> -> memref<10000x128xf32, #tpu.memory_space<hbm>>
      tpu.enqueue_indirect_dma source(%dma_start3A_58 : memref<10000x128xf32, #tpu.memory_space<hbm>>) target(%arg10 : memref<128x128xf32, #tpu.memory_space<vmem>>) offsets(%dma_start3A_55 : memref<128xi32, #tpu.memory_space<vmem>>) semaphore(%arg12 : memref<!tpu.dma_semaphore, #tpu.memory_space<semaphore_mem>>)
      %dma_wait3A = arith.constant 0 : i32
      %dma_wait3A_59 = tpu.memref_slice %arg8[%scan3A_53, %dma_wait3A] : memref<91x128xi32, #tpu.memory_space<vmem>> -> memref<1x128xi32, #tpu.memory_space<vmem>>
      %dma_wait3A_60 = tpu.memref_squeeze %dma_wait3A_59 : memref<1x128xi32, #tpu.memory_space<vmem>> -> memref<128xi32, #tpu.memory_space<vmem>>
      %dma_wait3A_61 = arith.constant 0 : i32
      %dma_wait3A_62 = arith.constant 0 : i32
      %dma_wait3A_63 = tpu.memref_slice %arg2[%dma_wait3A_61, %dma_wait3A_62] : memref<10000x128xf32, #tpu.memory_space<hbm>> -> memref<10000x128xf32, #tpu.memory_space<hbm>>
      tpu.wait_indirect_dma semaphore(%arg12 : memref<!tpu.dma_semaphore, #tpu.memory_space<semaphore_mem>>) src(%dma_wait3A_63 : memref<10000x128xf32, #tpu.memory_space<hbm>>) dst(%arg10 : memref<128x128xf32, #tpu.memory_space<vmem>>)
      "tpu.region"() ({
        %run_scoped3A = tpu.sem_alloc : memref<!tpu.dma_semaphore, #tpu.memory_space<semaphore_mem>>
        %dma_start3A_64 = arith.constant 0 : i32
        %dma_start3A_65 = tpu.memref_slice %arg9[%scan3A_53, %dma_start3A_64] : memref<91x128xi32, #tpu.memory_space<vmem>> -> memref<1x128xi32, #tpu.memory_space<vmem>>
        %dma_start3A_66 = tpu.memref_squeeze %dma_start3A_65 : memref<1x128xi32, #tpu.memory_space<vmem>> -> memref<128xi32, #tpu.memory_space<vmem>>
        %dma_start3A_67 = arith.constant 0 : i32
        %dma_start3A_68 = arith.constant 0 : i32
        %dma_start3A_69 = tpu.memref_slice %arg11[%dma_start3A_67, %dma_start3A_68] : memref<10112x128xf32, #tpu.memory_space<vmem_shared>> -> memref<10112x128xf32, #tpu.memory_space<vmem_shared>>
        tpu.enqueue_indirect_dma source(%arg10 : memref<128x128xf32, #tpu.memory_space<vmem>>) target(%dma_start3A_69 : memref<10112x128xf32, #tpu.memory_space<vmem_shared>>) offsets(%dma_start3A_66 : memref<128xi32, #tpu.memory_space<vmem>>) semaphore(%run_scoped3A : memref<!tpu.dma_semaphore, #tpu.memory_space<semaphore_mem>>) {add = true}
        %dma_wait3A_70 = arith.constant 0 : i32
        %dma_wait3A_71 = tpu.memref_slice %arg9[%scan3A_53, %dma_wait3A_70] : memref<91x128xi32, #tpu.memory_space<vmem>> -> memref<1x128xi32, #tpu.memory_space<vmem>>
        %dma_wait3A_72 = tpu.memref_squeeze %dma_wait3A_71 : memref<1x128xi32, #tpu.memory_space<vmem>> -> memref<128xi32, #tpu.memory_space<vmem>>
        %dma_wait3A_73 = arith.constant 0 : i32
        %dma_wait3A_74 = arith.constant 0 : i32
        %dma_wait3A_75 = tpu.memref_slice %arg11[%dma_wait3A_73, %dma_wait3A_74] : memref<10112x128xf32, #tpu.memory_space<vmem_shared>> -> memref<10112x128xf32, #tpu.memory_space<vmem_shared>>
        tpu.wait_indirect_dma semaphore(%run_scoped3A : memref<!tpu.dma_semaphore, #tpu.memory_space<semaphore_mem>>) src(%arg10 : memref<128x128xf32, #tpu.memory_space<vmem>>) dst(%dma_wait3A_75 : memref<10112x128xf32, #tpu.memory_space<vmem_shared>>)
        tpu.yield
      }) : () -> ()
    }
    %scan3A_26 = arith.constant 66 : i32
    %eq3A_27 = arith.constant 0 : i32
    %eq3A_28 = arith.cmpi eq, %arg0, %eq3A_27 : i32
    %convert_element_type3A_29 = arith.extui %eq3A_28 : i1 to i32
    %cond3A_30 = arith.constant 0 : i32
    %cond3A_31 = arith.cmpi ne, %convert_element_type3A_29, %cond3A_30 : i32
    scf.if %cond3A_31 {
      %scan3A_53 = arith.constant 0 : i32
      %scan3A_54 = arith.constant 66 : i32
      %scan3A_55 = arith.constant 25 : i32
      %scan3A_56 = arith.addi %scan3A_54, %scan3A_55 : i32
      %scan3A_57 = arith.constant 1 : i32
      scf.for %scan3A_59 = %scan3A_54 to %scan3A_56 step %scan3A_57  : i32 {
        %dma_start3A = arith.constant 0 : i32
        %dma_start3A_60 = tpu.memref_slice %arg8[%scan3A_59, %dma_start3A] : memref<91x128xi32, #tpu.memory_space<vmem>> -> memref<1x128xi32, #tpu.memory_space<vmem>>
        %dma_start3A_61 = tpu.memref_squeeze %dma_start3A_60 : memref<1x128xi32, #tpu.memory_space<vmem>> -> memref<128xi32, #tpu.memory_space<vmem>>
        %dma_start3A_62 = arith.constant 0 : i32
        %dma_start3A_63 = arith.constant 0 : i32
        %dma_start3A_64 = tpu.memref_slice %arg2[%dma_start3A_62, %dma_start3A_63] : memref<10000x128xf32, #tpu.memory_space<hbm>> -> memref<10000x128xf32, #tpu.memory_space<hbm>>
        tpu.enqueue_indirect_dma source(%dma_start3A_64 : memref<10000x128xf32, #tpu.memory_space<hbm>>) target(%arg10 : memref<128x128xf32, #tpu.memory_space<vmem>>) offsets(%dma_start3A_61 : memref<128xi32, #tpu.memory_space<vmem>>) semaphore(%arg12 : memref<!tpu.dma_semaphore, #tpu.memory_space<semaphore_mem>>)
        %dma_wait3A = arith.constant 0 : i32
        %dma_wait3A_65 = tpu.memref_slice %arg8[%scan3A_59, %dma_wait3A] : memref<91x128xi32, #tpu.memory_space<vmem>> -> memref<1x128xi32, #tpu.memory_space<vmem>>
        %dma_wait3A_66 = tpu.memref_squeeze %dma_wait3A_65 : memref<1x128xi32, #tpu.memory_space<vmem>> -> memref<128xi32, #tpu.memory_space<vmem>>
        %dma_wait3A_67 = arith.constant 0 : i32
        %dma_wait3A_68 = arith.constant 0 : i32
        %dma_wait3A_69 = tpu.memref_slice %arg2[%dma_wait3A_67, %dma_wait3A_68] : memref<10000x128xf32, #tpu.memory_space<hbm>> -> memref<10000x128xf32, #tpu.memory_space<hbm>>
        tpu.wait_indirect_dma semaphore(%arg12 : memref<!tpu.dma_semaphore, #tpu.memory_space<semaphore_mem>>) src(%dma_wait3A_69 : memref<10000x128xf32, #tpu.memory_space<hbm>>) dst(%arg10 : memref<128x128xf32, #tpu.memory_space<vmem>>)
        "tpu.region"() ({
          %run_scoped3A = tpu.sem_alloc : memref<!tpu.dma_semaphore, #tpu.memory_space<semaphore_mem>>
          %dma_start3A_70 = arith.constant 0 : i32
          %dma_start3A_71 = tpu.memref_slice %arg9[%scan3A_59, %dma_start3A_70] : memref<91x128xi32, #tpu.memory_space<vmem>> -> memref<1x128xi32, #tpu.memory_space<vmem>>
          %dma_start3A_72 = tpu.memref_squeeze %dma_start3A_71 : memref<1x128xi32, #tpu.memory_space<vmem>> -> memref<128xi32, #tpu.memory_space<vmem>>
          %dma_start3A_73 = arith.constant 0 : i32
          %dma_start3A_74 = arith.constant 0 : i32
          %dma_start3A_75 = tpu.memref_slice %arg11[%dma_start3A_73, %dma_start3A_74] : memref<10112x128xf32, #tpu.memory_space<vmem_shared>> -> memref<10112x128xf32, #tpu.memory_space<vmem_shared>>
          tpu.enqueue_indirect_dma source(%arg10 : memref<128x128xf32, #tpu.memory_space<vmem>>) target(%dma_start3A_75 : memref<10112x128xf32, #tpu.memory_space<vmem_shared>>) offsets(%dma_start3A_72 : memref<128xi32, #tpu.memory_space<vmem>>) semaphore(%run_scoped3A : memref<!tpu.dma_semaphore, #tpu.memory_space<semaphore_mem>>) {add = true}
          %dma_wait3A_76 = arith.constant 0 : i32
          %dma_wait3A_77 = tpu.memref_slice %arg9[%scan3A_59, %dma_wait3A_76] : memref<91x128xi32, #tpu.memory_space<vmem>> -> memref<1x128xi32, #tpu.memory_space<vmem>>
          %dma_wait3A_78 = tpu.memref_squeeze %dma_wait3A_77 : memref<1x128xi32, #tpu.memory_space<vmem>> -> memref<128xi32, #tpu.memory_space<vmem>>
          %dma_wait3A_79 = arith.constant 0 : i32
          %dma_wait3A_80 = arith.constant 0 : i32
          %dma_wait3A_81 = tpu.memref_slice %arg11[%dma_wait3A_79, %dma_wait3A_80] : memref<10112x128xf32, #tpu.memory_space<vmem_shared>> -> memref<10112x128xf32, #tpu.memory_space<vmem_shared>>
          tpu.wait_indirect_dma semaphore(%run_scoped3A : memref<!tpu.dma_semaphore, #tpu.memory_space<semaphore_mem>>) src(%arg10 : memref<128x128xf32, #tpu.memory_space<vmem>>) dst(%dma_wait3A_81 : memref<10112x128xf32, #tpu.memory_space<vmem_shared>>)
          tpu.yield
        }) : () -> ()
      }
      %scan3A_58 = arith.constant 25 : i32
    } else {
    }
    %barrier3A_32 = arith.constant 0 : index
    tpu.barrier barrier_id(%barrier3A_32)
    %add3A_33 = arith.constant 0 : i32
    %add3A_34 = arith.addi %mul3A_0, %add3A_33 : i32
    "tpu.region"() ({
      %run_scoped3A = tpu.sem_alloc : memref<!tpu.dma_semaphore, #tpu.memory_space<semaphore_mem>>
      %dma_start3A = arith.constant 0 : i32
      %dma_start3A_53 = tpu.memref_slice %arg11[%add3A_34, %dma_start3A] : memref<10112x128xf32, #tpu.memory_space<vmem_shared>> -> memref<128x128xf32, #tpu.memory_space<vmem_shared>>
      %dma_start3A_54 = arith.constant 0 : i32
      %dma_start3A_55 = tpu.memref_slice %arg11[%add3A_34, %dma_start3A_54] : memref<10112x128xf32, #tpu.memory_space<vmem_shared>> -> memref<128x128xf32, #tpu.memory_space<vmem_shared>>
      tpu.enqueue_dma source(%dma_start3A_55 : memref<128x128xf32, #tpu.memory_space<vmem_shared>>) target(%arg10 : memref<128x128xf32, #tpu.memory_space<vmem>>) target_semaphore(%run_scoped3A : memref<!tpu.dma_semaphore, #tpu.memory_space<semaphore_mem>>)
      %dma_wait3A = arith.constant 0 : i32
      %dma_wait3A_56 = tpu.memref_slice %arg11[%add3A_34, %dma_wait3A] : memref<10112x128xf32, #tpu.memory_space<vmem_shared>> -> memref<128x128xf32, #tpu.memory_space<vmem_shared>>
      %dma_wait3A_57 = arith.constant 0 : i32
      %dma_wait3A_58 = tpu.memref_slice %arg11[%add3A_34, %dma_wait3A_57] : memref<10112x128xf32, #tpu.memory_space<vmem_shared>> -> memref<128x128xf32, #tpu.memory_space<vmem_shared>>
      tpu.wait_dma2 semaphore(%run_scoped3A : memref<!tpu.dma_semaphore, #tpu.memory_space<semaphore_mem>>) src(%dma_wait3A_58 : memref<128x128xf32, #tpu.memory_space<vmem_shared>>) dst(%arg10 : memref<128x128xf32, #tpu.memory_space<vmem>>)
      tpu.yield
    }) : () -> ()
    %add3A_35 = arith.constant 0 : i32
    %add3A_36 = arith.addi %mul3A_0, %add3A_35 : i32
    "tpu.region"() ({
      %run_scoped3A = tpu.sem_alloc : memref<!tpu.dma_semaphore, #tpu.memory_space<semaphore_mem>>
      %dma_start3A = arith.constant 0 : i32
      %dma_start3A_53 = tpu.memref_slice %arg7[%arg0, %add3A_36, %dma_start3A] : memref<2x10112x128xf32, #tpu.memory_space<hbm>> -> memref<1x128x128xf32, #tpu.memory_space<hbm>>
      %dma_start3A_54 = tpu.memref_squeeze %dma_start3A_53 : memref<1x128x128xf32, #tpu.memory_space<hbm>> -> memref<128x128xf32, #tpu.memory_space<hbm>>
      %dma_start3A_55 = arith.constant 0 : i32
      %dma_start3A_56 = tpu.memref_slice %arg7[%arg0, %add3A_36, %dma_start3A_55] : memref<2x10112x128xf32, #tpu.memory_space<hbm>> -> memref<1x128x128xf32, #tpu.memory_space<hbm>>
      %dma_start3A_57 = tpu.memref_squeeze %dma_start3A_56 : memref<1x128x128xf32, #tpu.memory_space<hbm>> -> memref<128x128xf32, #tpu.memory_space<hbm>>
      tpu.enqueue_dma source(%arg10 : memref<128x128xf32, #tpu.memory_space<vmem>>) target(%dma_start3A_57 : memref<128x128xf32, #tpu.memory_space<hbm>>) target_semaphore(%run_scoped3A : memref<!tpu.dma_semaphore, #tpu.memory_space<semaphore_mem>>)
      %dma_wait3A = arith.constant 0 : i32
      %dma_wait3A_58 = tpu.memref_slice %arg7[%arg0, %add3A_36, %dma_wait3A] : memref<2x10112x128xf32, #tpu.memory_space<hbm>> -> memref<1x128x128xf32, #tpu.memory_space<hbm>>
      %dma_wait3A_59 = tpu.memref_squeeze %dma_wait3A_58 : memref<1x128x128xf32, #tpu.memory_space<hbm>> -> memref<128x128xf32, #tpu.memory_space<hbm>>
      %dma_wait3A_60 = arith.constant 0 : i32
      %dma_wait3A_61 = tpu.memref_slice %arg7[%arg0, %add3A_36, %dma_wait3A_60] : memref<2x10112x128xf32, #tpu.memory_space<hbm>> -> memref<1x128x128xf32, #tpu.memory_space<hbm>>
      %dma_wait3A_62 = tpu.memref_squeeze %dma_wait3A_61 : memref<1x128x128xf32, #tpu.memory_space<hbm>> -> memref<128x128xf32, #tpu.memory_space<hbm>>
      tpu.wait_dma2 semaphore(%run_scoped3A : memref<!tpu.dma_semaphore, #tpu.memory_space<semaphore_mem>>) src(%arg10 : memref<128x128xf32, #tpu.memory_space<vmem>>) dst(%dma_wait3A_62 : memref<128x128xf32, #tpu.memory_space<hbm>>)
      tpu.yield
    }) : () -> ()
    %add3A_37 = arith.constant 128 : i32
    %add3A_38 = arith.addi %mul3A_0, %add3A_37 : i32
    "tpu.region"() ({
      %run_scoped3A = tpu.sem_alloc : memref<!tpu.dma_semaphore, #tpu.memory_space<semaphore_mem>>
      %dma_start3A = arith.constant 0 : i32
      %dma_start3A_53 = tpu.memref_slice %arg11[%add3A_38, %dma_start3A] : memref<10112x128xf32, #tpu.memory_space<vmem_shared>> -> memref<128x128xf32, #tpu.memory_space<vmem_shared>>
      %dma_start3A_54 = arith.constant 0 : i32
      %dma_start3A_55 = tpu.memref_slice %arg11[%add3A_38, %dma_start3A_54] : memref<10112x128xf32, #tpu.memory_space<vmem_shared>> -> memref<128x128xf32, #tpu.memory_space<vmem_shared>>
      tpu.enqueue_dma source(%dma_start3A_55 : memref<128x128xf32, #tpu.memory_space<vmem_shared>>) target(%arg10 : memref<128x128xf32, #tpu.memory_space<vmem>>) target_semaphore(%run_scoped3A : memref<!tpu.dma_semaphore, #tpu.memory_space<semaphore_mem>>)
      %dma_wait3A = arith.constant 0 : i32
      %dma_wait3A_56 = tpu.memref_slice %arg11[%add3A_38, %dma_wait3A] : memref<10112x128xf32, #tpu.memory_space<vmem_shared>> -> memref<128x128xf32, #tpu.memory_space<vmem_shared>>
      %dma_wait3A_57 = arith.constant 0 : i32
      %dma_wait3A_58 = tpu.memref_slice %arg11[%add3A_38, %dma_wait3A_57] : memref<10112x128xf32, #tpu.memory_space<vmem_shared>> -> memref<128x128xf32, #tpu.memory_space<vmem_shared>>
      tpu.wait_dma2 semaphore(%run_scoped3A : memref<!tpu.dma_semaphore, #tpu.memory_space<semaphore_mem>>) src(%dma_wait3A_58 : memref<128x128xf32, #tpu.memory_space<vmem_shared>>) dst(%arg10 : memref<128x128xf32, #tpu.memory_space<vmem>>)
      tpu.yield
    }) : () -> ()
    %add3A_39 = arith.constant 128 : i32
    %add3A_40 = arith.addi %mul3A_0, %add3A_39 : i32
    "tpu.region"() ({
      %run_scoped3A = tpu.sem_alloc : memref<!tpu.dma_semaphore, #tpu.memory_space<semaphore_mem>>
      %dma_start3A = arith.constant 0 : i32
      %dma_start3A_53 = tpu.memref_slice %arg7[%arg0, %add3A_40, %dma_start3A] : memref<2x10112x128xf32, #tpu.memory_space<hbm>> -> memref<1x128x128xf32, #tpu.memory_space<hbm>>
      %dma_start3A_54 = tpu.memref_squeeze %dma_start3A_53 : memref<1x128x128xf32, #tpu.memory_space<hbm>> -> memref<128x128xf32, #tpu.memory_space<hbm>>
      %dma_start3A_55 = arith.constant 0 : i32
      %dma_start3A_56 = tpu.memref_slice %arg7[%arg0, %add3A_40, %dma_start3A_55] : memref<2x10112x128xf32, #tpu.memory_space<hbm>> -> memref<1x128x128xf32, #tpu.memory_space<hbm>>
      %dma_start3A_57 = tpu.memref_squeeze %dma_start3A_56 : memref<1x128x128xf32, #tpu.memory_space<hbm>> -> memref<128x128xf32, #tpu.memory_space<hbm>>
      tpu.enqueue_dma source(%arg10 : memref<128x128xf32, #tpu.memory_space<vmem>>) target(%dma_start3A_57 : memref<128x128xf32, #tpu.memory_space<hbm>>) target_semaphore(%run_scoped3A : memref<!tpu.dma_semaphore, #tpu.memory_space<semaphore_mem>>)
      %dma_wait3A = arith.constant 0 : i32
      %dma_wait3A_58 = tpu.memref_slice %arg7[%arg0, %add3A_40, %dma_wait3A] : memref<2x10112x128xf32, #tpu.memory_space<hbm>> -> memref<1x128x128xf32, #tpu.memory_space<hbm>>
      %dma_wait3A_59 = tpu.memref_squeeze %dma_wait3A_58 : memref<1x128x128xf32, #tpu.memory_space<hbm>> -> memref<128x128xf32, #tpu.memory_space<hbm>>
      %dma_wait3A_60 = arith.constant 0 : i32
      %dma_wait3A_61 = tpu.memref_slice %arg7[%arg0, %add3A_40, %dma_wait3A_60] : memref<2x10112x128xf32, #tpu.memory_space<hbm>> -> memref<1x128x128xf32, #tpu.memory_space<hbm>>
      %dma_wait3A_62 = tpu.memref_squeeze %dma_wait3A_61 : memref<1x128x128xf32, #tpu.memory_space<hbm>> -> memref<128x128xf32, #tpu.memory_space<hbm>>
      tpu.wait_dma2 semaphore(%run_scoped3A : memref<!tpu.dma_semaphore, #tpu.memory_space<semaphore_mem>>) src(%arg10 : memref<128x128xf32, #tpu.memory_space<vmem>>) dst(%dma_wait3A_62 : memref<128x128xf32, #tpu.memory_space<hbm>>)
      tpu.yield
    }) : () -> ()
    %add3A_41 = arith.constant 256 : i32
    %add3A_42 = arith.addi %mul3A_0, %add3A_41 : i32
    "tpu.region"() ({
      %run_scoped3A = tpu.sem_alloc : memref<!tpu.dma_semaphore, #tpu.memory_space<semaphore_mem>>
      %dma_start3A = arith.constant 0 : i32
      %dma_start3A_53 = tpu.memref_slice %arg11[%add3A_42, %dma_start3A] : memref<10112x128xf32, #tpu.memory_space<vmem_shared>> -> memref<128x128xf32, #tpu.memory_space<vmem_shared>>
      %dma_start3A_54 = arith.constant 0 : i32
      %dma_start3A_55 = tpu.memref_slice %arg11[%add3A_42, %dma_start3A_54] : memref<10112x128xf32, #tpu.memory_space<vmem_shared>> -> memref<128x128xf32, #tpu.memory_space<vmem_shared>>
      tpu.enqueue_dma source(%dma_start3A_55 : memref<128x128xf32, #tpu.memory_space<vmem_shared>>) target(%arg10 : memref<128x128xf32, #tpu.memory_space<vmem>>) target_semaphore(%run_scoped3A : memref<!tpu.dma_semaphore, #tpu.memory_space<semaphore_mem>>)
      %dma_wait3A = arith.constant 0 : i32
      %dma_wait3A_56 = tpu.memref_slice %arg11[%add3A_42, %dma_wait3A] : memref<10112x128xf32, #tpu.memory_space<vmem_shared>> -> memref<128x128xf32, #tpu.memory_space<vmem_shared>>
      %dma_wait3A_57 = arith.constant 0 : i32
      %dma_wait3A_58 = tpu.memref_slice %arg11[%add3A_42, %dma_wait3A_57] : memref<10112x128xf32, #tpu.memory_space<vmem_shared>> -> memref<128x128xf32, #tpu.memory_space<vmem_shared>>
      tpu.wait_dma2 semaphore(%run_scoped3A : memref<!tpu.dma_semaphore, #tpu.memory_space<semaphore_mem>>) src(%dma_wait3A_58 : memref<128x128xf32, #tpu.memory_space<vmem_shared>>) dst(%arg10 : memref<128x128xf32, #tpu.memory_space<vmem>>)
      tpu.yield
    }) : () -> ()
    %add3A_43 = arith.constant 256 : i32
    %add3A_44 = arith.addi %mul3A_0, %add3A_43 : i32
    "tpu.region"() ({
      %run_scoped3A = tpu.sem_alloc : memref<!tpu.dma_semaphore, #tpu.memory_space<semaphore_mem>>
      %dma_start3A = arith.constant 0 : i32
      %dma_start3A_53 = tpu.memref_slice %arg7[%arg0, %add3A_44, %dma_start3A] : memref<2x10112x128xf32, #tpu.memory_space<hbm>> -> memref<1x128x128xf32, #tpu.memory_space<hbm>>
      %dma_start3A_54 = tpu.memref_squeeze %dma_start3A_53 : memref<1x128x128xf32, #tpu.memory_space<hbm>> -> memref<128x128xf32, #tpu.memory_space<hbm>>
      %dma_start3A_55 = arith.constant 0 : i32
      %dma_start3A_56 = tpu.memref_slice %arg7[%arg0, %add3A_44, %dma_start3A_55] : memref<2x10112x128xf32, #tpu.memory_space<hbm>> -> memref<1x128x128xf32, #tpu.memory_space<hbm>>
      %dma_start3A_57 = tpu.memref_squeeze %dma_start3A_56 : memref<1x128x128xf32, #tpu.memory_space<hbm>> -> memref<128x128xf32, #tpu.memory_space<hbm>>
      tpu.enqueue_dma source(%arg10 : memref<128x128xf32, #tpu.memory_space<vmem>>) target(%dma_start3A_57 : memref<128x128xf32, #tpu.memory_space<hbm>>) target_semaphore(%run_scoped3A : memref<!tpu.dma_semaphore, #tpu.memory_space<semaphore_mem>>)
      %dma_wait3A = arith.constant 0 : i32
      %dma_wait3A_58 = tpu.memref_slice %arg7[%arg0, %add3A_44, %dma_wait3A] : memref<2x10112x128xf32, #tpu.memory_space<hbm>> -> memref<1x128x128xf32, #tpu.memory_space<hbm>>
      %dma_wait3A_59 = tpu.memref_squeeze %dma_wait3A_58 : memref<1x128x128xf32, #tpu.memory_space<hbm>> -> memref<128x128xf32, #tpu.memory_space<hbm>>
      %dma_wait3A_60 = arith.constant 0 : i32
      %dma_wait3A_61 = tpu.memref_slice %arg7[%arg0, %add3A_44, %dma_wait3A_60] : memref<2x10112x128xf32, #tpu.memory_space<hbm>> -> memref<1x128x128xf32, #tpu.memory_space<hbm>>
      %dma_wait3A_62 = tpu.memref_squeeze %dma_wait3A_61 : memref<1x128x128xf32, #tpu.memory_space<hbm>> -> memref<128x128xf32, #tpu.memory_space<hbm>>
      tpu.wait_dma2 semaphore(%run_scoped3A : memref<!tpu.dma_semaphore, #tpu.memory_space<semaphore_mem>>) src(%arg10 : memref<128x128xf32, #tpu.memory_space<vmem>>) dst(%dma_wait3A_62 : memref<128x128xf32, #tpu.memory_space<hbm>>)
      tpu.yield
    }) : () -> ()
    %add3A_45 = arith.constant 384 : i32
    %add3A_46 = arith.addi %mul3A_0, %add3A_45 : i32
    "tpu.region"() ({
      %run_scoped3A = tpu.sem_alloc : memref<!tpu.dma_semaphore, #tpu.memory_space<semaphore_mem>>
      %dma_start3A = arith.constant 0 : i32
      %dma_start3A_53 = tpu.memref_slice %arg11[%add3A_46, %dma_start3A] : memref<10112x128xf32, #tpu.memory_space<vmem_shared>> -> memref<128x128xf32, #tpu.memory_space<vmem_shared>>
      %dma_start3A_54 = arith.constant 0 : i32
      %dma_start3A_55 = tpu.memref_slice %arg11[%add3A_46, %dma_start3A_54] : memref<10112x128xf32, #tpu.memory_space<vmem_shared>> -> memref<128x128xf32, #tpu.memory_space<vmem_shared>>
      tpu.enqueue_dma source(%dma_start3A_55 : memref<128x128xf32, #tpu.memory_space<vmem_shared>>) target(%arg10 : memref<128x128xf32, #tpu.memory_space<vmem>>) target_semaphore(%run_scoped3A : memref<!tpu.dma_semaphore, #tpu.memory_space<semaphore_mem>>)
      %dma_wait3A = arith.constant 0 : i32
      %dma_wait3A_56 = tpu.memref_slice %arg11[%add3A_46, %dma_wait3A] : memref<10112x128xf32, #tpu.memory_space<vmem_shared>> -> memref<128x128xf32, #tpu.memory_space<vmem_shared>>
      %dma_wait3A_57 = arith.constant 0 : i32
      %dma_wait3A_58 = tpu.memref_slice %arg11[%add3A_46, %dma_wait3A_57] : memref<10112x128xf32, #tpu.memory_space<vmem_shared>> -> memref<128x128xf32, #tpu.memory_space<vmem_shared>>
      tpu.wait_dma2 semaphore(%run_scoped3A : memref<!tpu.dma_semaphore, #tpu.memory_space<semaphore_mem>>) src(%dma_wait3A_58 : memref<128x128xf32, #tpu.memory_space<vmem_shared>>) dst(%arg10 : memref<128x128xf32, #tpu.memory_space<vmem>>)
      tpu.yield
    }) : () -> ()
    %add3A_47 = arith.constant 384 : i32
    %add3A_48 = arith.addi %mul3A_0, %add3A_47 : i32
    "tpu.region"() ({
      %run_scoped3A = tpu.sem_alloc : memref<!tpu.dma_semaphore, #tpu.memory_space<semaphore_mem>>
      %dma_start3A = arith.constant 0 : i32
      %dma_start3A_53 = tpu.memref_slice %arg7[%arg0, %add3A_48, %dma_start3A] : memref<2x10112x128xf32, #tpu.memory_space<hbm>> -> memref<1x128x128xf32, #tpu.memory_space<hbm>>
      %dma_start3A_54 = tpu.memref_squeeze %dma_start3A_53 : memref<1x128x128xf32, #tpu.memory_space<hbm>> -> memref<128x128xf32, #tpu.memory_space<hbm>>
      %dma_start3A_55 = arith.constant 0 : i32
      %dma_start3A_56 = tpu.memref_slice %arg7[%arg0, %add3A_48, %dma_start3A_55] : memref<2x10112x128xf32, #tpu.memory_space<hbm>> -> memref<1x128x128xf32, #tpu.memory_space<hbm>>
      %dma_start3A_57 = tpu.memref_squeeze %dma_start3A_56 : memref<1x128x128xf32, #tpu.memory_space<hbm>> -> memref<128x128xf32, #tpu.memory_space<hbm>>
      tpu.enqueue_dma source(%arg10 : memref<128x128xf32, #tpu.memory_space<vmem>>) target(%dma_start3A_57 : memref<128x128xf32, #tpu.memory_space<hbm>>) target_semaphore(%run_scoped3A : memref<!tpu.dma_semaphore, #tpu.memory_space<semaphore_mem>>)
      %dma_wait3A = arith.constant 0 : i32
      %dma_wait3A_58 = tpu.memref_slice %arg7[%arg0, %add3A_48, %dma_wait3A] : memref<2x10112x128xf32, #tpu.memory_space<hbm>> -> memref<1x128x128xf32, #tpu.memory_space<hbm>>
      %dma_wait3A_59 = tpu.memref_squeeze %dma_wait3A_58 : memref<1x128x128xf32, #tpu.memory_space<hbm>> -> memref<128x128xf32, #tpu.memory_space<hbm>>
      %dma_wait3A_60 = arith.constant 0 : i32
      %dma_wait3A_61 = tpu.memref_slice %arg7[%arg0, %add3A_48, %dma_wait3A_60] : memref<2x10112x128xf32, #tpu.memory_space<hbm>> -> memref<1x128x128xf32, #tpu.memory_space<hbm>>
      %dma_wait3A_62 = tpu.memref_squeeze %dma_wait3A_61 : memref<1x128x128xf32, #tpu.memory_space<hbm>> -> memref<128x128xf32, #tpu.memory_space<hbm>>
      tpu.wait_dma2 semaphore(%run_scoped3A : memref<!tpu.dma_semaphore, #tpu.memory_space<semaphore_mem>>) src(%arg10 : memref<128x128xf32, #tpu.memory_space<vmem>>) dst(%dma_wait3A_62 : memref<128x128xf32, #tpu.memory_space<hbm>>)
      tpu.yield
    }) : () -> ()
    %add3A_49 = arith.constant 512 : i32
    %add3A_50 = arith.addi %mul3A_0, %add3A_49 : i32
    "tpu.region"() ({
      %run_scoped3A = tpu.sem_alloc : memref<!tpu.dma_semaphore, #tpu.memory_space<semaphore_mem>>
      %dma_start3A = arith.constant 0 : i32
      %dma_start3A_53 = arith.constant 0 : i32
      %dma_start3A_54 = tpu.memref_slice %arg10[%dma_start3A, %dma_start3A_53] : memref<128x128xf32, #tpu.memory_space<vmem>> -> memref<120x128xf32, #tpu.memory_space<vmem>>
      %dma_start3A_55 = arith.constant 0 : i32
      %dma_start3A_56 = tpu.memref_slice %arg11[%add3A_50, %dma_start3A_55] : memref<10112x128xf32, #tpu.memory_space<vmem_shared>> -> memref<120x128xf32, #tpu.memory_space<vmem_shared>>
      %dma_start3A_57 = arith.constant 0 : i32
      %dma_start3A_58 = arith.constant 0 : i32
      %dma_start3A_59 = tpu.memref_slice %arg10[%dma_start3A_57, %dma_start3A_58] : memref<128x128xf32, #tpu.memory_space<vmem>> -> memref<120x128xf32, #tpu.memory_space<vmem>>
      %dma_start3A_60 = arith.constant 0 : i32
      %dma_start3A_61 = tpu.memref_slice %arg11[%add3A_50, %dma_start3A_60] : memref<10112x128xf32, #tpu.memory_space<vmem_shared>> -> memref<120x128xf32, #tpu.memory_space<vmem_shared>>
      tpu.enqueue_dma source(%dma_start3A_61 : memref<120x128xf32, #tpu.memory_space<vmem_shared>>) target(%dma_start3A_59 : memref<120x128xf32, #tpu.memory_space<vmem>>) target_semaphore(%run_scoped3A : memref<!tpu.dma_semaphore, #tpu.memory_space<semaphore_mem>>)
      %dma_wait3A = arith.constant 0 : i32
      %dma_wait3A_62 = arith.constant 0 : i32
      %dma_wait3A_63 = tpu.memref_slice %arg10[%dma_wait3A, %dma_wait3A_62] : memref<128x128xf32, #tpu.memory_space<vmem>> -> memref<120x128xf32, #tpu.memory_space<vmem>>
      %dma_wait3A_64 = arith.constant 0 : i32
      %dma_wait3A_65 = tpu.memref_slice %arg11[%add3A_50, %dma_wait3A_64] : memref<10112x128xf32, #tpu.memory_space<vmem_shared>> -> memref<120x128xf32, #tpu.memory_space<vmem_shared>>
      %dma_wait3A_66 = arith.constant 0 : i32
      %dma_wait3A_67 = arith.constant 0 : i32
      %dma_wait3A_68 = tpu.memref_slice %arg10[%dma_wait3A_66, %dma_wait3A_67] : memref<128x128xf32, #tpu.memory_space<vmem>> -> memref<120x128xf32, #tpu.memory_space<vmem>>
      %dma_wait3A_69 = arith.constant 0 : i32
      %dma_wait3A_70 = tpu.memref_slice %arg11[%add3A_50, %dma_wait3A_69] : memref<10112x128xf32, #tpu.memory_space<vmem_shared>> -> memref<120x128xf32, #tpu.memory_space<vmem_shared>>
      tpu.wait_dma2 semaphore(%run_scoped3A : memref<!tpu.dma_semaphore, #tpu.memory_space<semaphore_mem>>) src(%dma_wait3A_70 : memref<120x128xf32, #tpu.memory_space<vmem_shared>>) dst(%dma_wait3A_68 : memref<120x128xf32, #tpu.memory_space<vmem>>)
      tpu.yield
    }) : () -> ()
    %add3A_51 = arith.constant 512 : i32
    %add3A_52 = arith.addi %mul3A_0, %add3A_51 : i32
    "tpu.region"() ({
      %run_scoped3A = tpu.sem_alloc : memref<!tpu.dma_semaphore, #tpu.memory_space<semaphore_mem>>
      %dma_start3A = arith.constant 0 : i32
      %dma_start3A_53 = arith.constant 0 : i32
      %dma_start3A_54 = tpu.memref_slice %arg10[%dma_start3A, %dma_start3A_53] : memref<128x128xf32, #tpu.memory_space<vmem>> -> memref<120x128xf32, #tpu.memory_space<vmem>>
      %dma_start3A_55 = arith.constant 0 : i32
      %dma_start3A_56 = tpu.memref_slice %arg7[%arg0, %add3A_52, %dma_start3A_55] : memref<2x10112x128xf32, #tpu.memory_space<hbm>> -> memref<1x120x128xf32, #tpu.memory_space<hbm>>
      %dma_start3A_57 = tpu.memref_squeeze %dma_start3A_56 : memref<1x120x128xf32, #tpu.memory_space<hbm>> -> memref<120x128xf32, #tpu.memory_space<hbm>>
      %dma_start3A_58 = arith.constant 0 : i32
      %dma_start3A_59 = tpu.memref_slice %arg7[%arg0, %add3A_52, %dma_start3A_58] : memref<2x10112x128xf32, #tpu.memory_space<hbm>> -> memref<1x120x128xf32, #tpu.memory_space<hbm>>
      %dma_start3A_60 = tpu.memref_squeeze %dma_start3A_59 : memref<1x120x128xf32, #tpu.memory_space<hbm>> -> memref<120x128xf32, #tpu.memory_space<hbm>>
      %dma_start3A_61 = arith.constant 0 : i32
      %dma_start3A_62 = arith.constant 0 : i32
      %dma_start3A_63 = tpu.memref_slice %arg10[%dma_start3A_61, %dma_start3A_62] : memref<128x128xf32, #tpu.memory_space<vmem>> -> memref<120x128xf32, #tpu.memory_space<vmem>>
      tpu.enqueue_dma source(%dma_start3A_63 : memref<120x128xf32, #tpu.memory_space<vmem>>) target(%dma_start3A_60 : memref<120x128xf32, #tpu.memory_space<hbm>>) target_semaphore(%run_scoped3A : memref<!tpu.dma_semaphore, #tpu.memory_space<semaphore_mem>>)
      %dma_wait3A = arith.constant 0 : i32
      %dma_wait3A_64 = arith.constant 0 : i32
      %dma_wait3A_65 = tpu.memref_slice %arg10[%dma_wait3A, %dma_wait3A_64] : memref<128x128xf32, #tpu.memory_space<vmem>> -> memref<120x128xf32, #tpu.memory_space<vmem>>
      %dma_wait3A_66 = arith.constant 0 : i32
      %dma_wait3A_67 = tpu.memref_slice %arg7[%arg0, %add3A_52, %dma_wait3A_66] : memref<2x10112x128xf32, #tpu.memory_space<hbm>> -> memref<1x120x128xf32, #tpu.memory_space<hbm>>
      %dma_wait3A_68 = tpu.memref_squeeze %dma_wait3A_67 : memref<1x120x128xf32, #tpu.memory_space<hbm>> -> memref<120x128xf32, #tpu.memory_space<hbm>>
      %dma_wait3A_69 = arith.constant 0 : i32
      %dma_wait3A_70 = tpu.memref_slice %arg7[%arg0, %add3A_52, %dma_wait3A_69] : memref<2x10112x128xf32, #tpu.memory_space<hbm>> -> memref<1x120x128xf32, #tpu.memory_space<hbm>>
      %dma_wait3A_71 = tpu.memref_squeeze %dma_wait3A_70 : memref<1x120x128xf32, #tpu.memory_space<hbm>> -> memref<120x128xf32, #tpu.memory_space<hbm>>
      %dma_wait3A_72 = arith.constant 0 : i32
      %dma_wait3A_73 = arith.constant 0 : i32
      %dma_wait3A_74 = tpu.memref_slice %arg10[%dma_wait3A_72, %dma_wait3A_73] : memref<128x128xf32, #tpu.memory_space<vmem>> -> memref<120x128xf32, #tpu.memory_space<vmem>>
      tpu.wait_dma2 semaphore(%run_scoped3A : memref<!tpu.dma_semaphore, #tpu.memory_space<semaphore_mem>>) src(%dma_wait3A_74 : memref<120x128xf32, #tpu.memory_space<vmem>>) dst(%dma_wait3A_71 : memref<120x128xf32, #tpu.memory_space<hbm>>)
      tpu.yield
    }) : () -> ()
    return
  }
}

#map = affine_map<(d0, d1) -> (0, 0)>
#map1 = affine_map<(d0, d1) -> (0, 0, 0)>
module attributes {stable_mosaic.version = 14 : i64} {
  func.func @seg(%arg0: i32, %arg1: i32, %arg2: memref<10000x128xf32, #tpu.memory_space<hbm>>, %arg3: memref<16x91x128xi32, #tpu.memory_space<hbm>>, %arg4: memref<16x91x128xi32, #tpu.memory_space<hbm>>, %arg5: memref<16x66x128xi32, #tpu.memory_space<hbm>>, %arg6: memref<16x66x128xi32, #tpu.memory_space<hbm>>, %arg7: memref<2x10112x128xf32, #tpu.memory_space<hbm>>, %arg8: memref<91x128xi32, #tpu.memory_space<vmem>>, %arg9: memref<91x128xi32, #tpu.memory_space<vmem>>, %arg10: memref<128x128xf32, #tpu.memory_space<vmem>>, %arg11: memref<10112x128xf32, #tpu.memory_space<vmem_shared>>, %arg12: memref<!tpu.dma_semaphore, #tpu.memory_space<semaphore_mem>>) attributes {dimension_semantics = [#tpu.dimension_semantics<core_parallel>, #tpu.dimension_semantics<subcore_parallel>], iteration_bounds = array<i64: 2, 16>, scalar_prefetch = 0 : i64, scratch_operands = 5 : i64, tpu.core_type = #tpu.core_type<sc_vector_subcore>, window_params = [{transform_indices = #map}, {transform_indices = #map1}, {transform_indices = #map1}, {transform_indices = #map1}, {transform_indices = #map1}, {transform_indices = #map1}]} {
    %mul3A = arith.constant 632 : i32
    %mul3A_0 = arith.muli %arg1, %mul3A : i32
    %scan3A = arith.constant 0 : i32
    %scan3A_1 = arith.constant 0 : i32
    %scan3A_2 = arith.constant 128 : i32
    %scan3A_3 = arith.addi %scan3A_1, %scan3A_2 : i32
    %scan3A_4 = arith.constant 1 : i32
    scf.for %scan3A_53 = %scan3A_1 to %scan3A_3 step %scan3A_4  : i32 {
      %broadcast_in_dim3A = arith.constant 0.000000e+00 : f32
      %broadcast_in_dim3A_54 = vector.broadcast %broadcast_in_dim3A : f32 to vector<16xf32>
      %swap3A = arith.index_cast %scan3A_53 : i32 to index
      %swap3A_55 = arith.constant 0 : index
      %swap3A_56 = tpu.vector_load %arg10[%swap3A, %swap3A_55] {strides = array<i32>} : memref<128x128xf32, #tpu.memory_space<vmem>>, vector<1x16xf32>,
      %swap3A_57 = vector.shape_cast %swap3A_56 : vector<1x16xf32> to vector<16xf32>
      %swap3A_58 = vector.shape_cast %broadcast_in_dim3A_54 : vector<16xf32> to vector<1x16xf32>
      tpu.vector_store %arg10[%swap3A, %swap3A_55], %swap3A_58 {strides = array<i32>} : memref<128x128xf32, #tpu.memory_space<vmem>>, vector<1x16xf32>,
      %broadcast_in_dim3A_59 = arith.constant 0.000000e+00 : f32
      %broadcast_in_dim3A_60 = vector.broadcast %broadcast_in_dim3A_59 : f32 to vector<16xf32>
      %swap3A_61 = arith.index_cast %scan3A_53 : i32 to index
      %swap3A_62 = arith.constant 16 : index
      %swap3A_63 = tpu.vector_load %arg10[%swap3A_61, %swap3A_62] {strides = array<i32>} : memref<128x128xf32, #tpu.memory_space<vmem>>, vector<1x16xf32>,
      %swap3A_64 = vector.shape_cast %swap3A_63 : vector<1x16xf32> to vector<16xf32>
      %swap3A_65 = vector.shape_cast %broadcast_in_dim3A_60 : vector<16xf32> to vector<1x16xf32>
      tpu.vector_store %arg10[%swap3A_61, %swap3A_62], %swap3A_65 {strides = array<i32>} : memref<128x128xf32, #tpu.memory_space<vmem>>, vector<1x16xf32>,
      %broadcast_in_dim3A_66 = arith.constant 0.000000e+00 : f32
      %broadcast_in_dim3A_67 = vector.broadcast %broadcast_in_dim3A_66 : f32 to vector<16xf32>
      %swap3A_68 = arith.index_cast %scan3A_53 : i32 to index
      %swap3A_69 = arith.constant 32 : index
      %swap3A_70 = tpu.vector_load %arg10[%swap3A_68, %swap3A_69] {strides = array<i32>} : memref<128x128xf32, #tpu.memory_space<vmem>>, vector<1x16xf32>,
      %swap3A_71 = vector.shape_cast %swap3A_70 : vector<1x16xf32> to vector<16xf32>
      %swap3A_72 = vector.shape_cast %broadcast_in_dim3A_67 : vector<16xf32> to vector<1x16xf32>
      tpu.vector_store %arg10[%swap3A_68, %swap3A_69], %swap3A_72 {strides = array<i32>} : memref<128x128xf32, #tpu.memory_space<vmem>>, vector<1x16xf32>,
      %broadcast_in_dim3A_73 = arith.constant 0.000000e+00 : f32
      %broadcast_in_dim3A_74 = vector.broadcast %broadcast_in_dim3A_73 : f32 to vector<16xf32>
      %swap3A_75 = arith.index_cast %scan3A_53 : i32 to index
      %swap3A_76 = arith.constant 48 : index
      %swap3A_77 = tpu.vector_load %arg10[%swap3A_75, %swap3A_76] {strides = array<i32>} : memref<128x128xf32, #tpu.memory_space<vmem>>, vector<1x16xf32>,
      %swap3A_78 = vector.shape_cast %swap3A_77 : vector<1x16xf32> to vector<16xf32>
      %swap3A_79 = vector.shape_cast %broadcast_in_dim3A_74 : vector<16xf32> to vector<1x16xf32>
      tpu.vector_store %arg10[%swap3A_75, %swap3A_76], %swap3A_79 {strides = array<i32>} : memref<128x128xf32, #tpu.memory_space<vmem>>, vector<1x16xf32>,
      %broadcast_in_dim3A_80 = arith.constant 0.000000e+00 : f32
      %broadcast_in_dim3A_81 = vector.broadcast %broadcast_in_dim3A_80 : f32 to vector<16xf32>
      %swap3A_82 = arith.index_cast %scan3A_53 : i32 to index
      %swap3A_83 = arith.constant 64 : index
      %swap3A_84 = tpu.vector_load %arg10[%swap3A_82, %swap3A_83] {strides = array<i32>} : memref<128x128xf32, #tpu.memory_space<vmem>>, vector<1x16xf32>,
      %swap3A_85 = vector.shape_cast %swap3A_84 : vector<1x16xf32> to vector<16xf32>
      %swap3A_86 = vector.shape_cast %broadcast_in_dim3A_81 : vector<16xf32> to vector<1x16xf32>
      tpu.vector_store %arg10[%swap3A_82, %swap3A_83], %swap3A_86 {strides = array<i32>} : memref<128x128xf32, #tpu.memory_space<vmem>>, vector<1x16xf32>,
      %broadcast_in_dim3A_87 = arith.constant 0.000000e+00 : f32
      %broadcast_in_dim3A_88 = vector.broadcast %broadcast_in_dim3A_87 : f32 to vector<16xf32>
      %swap3A_89 = arith.index_cast %scan3A_53 : i32 to index
      %swap3A_90 = arith.constant 80 : index
      %swap3A_91 = tpu.vector_load %arg10[%swap3A_89, %swap3A_90] {strides = array<i32>} : memref<128x128xf32, #tpu.memory_space<vmem>>, vector<1x16xf32>,
      %swap3A_92 = vector.shape_cast %swap3A_91 : vector<1x16xf32> to vector<16xf32>
      %swap3A_93 = vector.shape_cast %broadcast_in_dim3A_88 : vector<16xf32> to vector<1x16xf32>
      tpu.vector_store %arg10[%swap3A_89, %swap3A_90], %swap3A_93 {strides = array<i32>} : memref<128x128xf32, #tpu.memory_space<vmem>>, vector<1x16xf32>,
      %broadcast_in_dim3A_94 = arith.constant 0.000000e+00 : f32
      %broadcast_in_dim3A_95 = vector.broadcast %broadcast_in_dim3A_94 : f32 to vector<16xf32>
      %swap3A_96 = arith.index_cast %scan3A_53 : i32 to index
      %swap3A_97 = arith.constant 96 : index
      %swap3A_98 = tpu.vector_load %arg10[%swap3A_96, %swap3A_97] {strides = array<i32>} : memref<128x128xf32, #tpu.memory_space<vmem>>, vector<1x16xf32>,
      %swap3A_99 = vector.shape_cast %swap3A_98 : vector<1x16xf32> to vector<16xf32>
      %swap3A_100 = vector.shape_cast %broadcast_in_dim3A_95 : vector<16xf32> to vector<1x16xf32>
      tpu.vector_store %arg10[%swap3A_96, %swap3A_97], %swap3A_100 {strides = array<i32>} : memref<128x128xf32, #tpu.memory_space<vmem>>, vector<1x16xf32>,
      %broadcast_in_dim3A_101 = arith.constant 0.000000e+00 : f32
      %broadcast_in_dim3A_102 = vector.broadcast %broadcast_in_dim3A_101 : f32 to vector<16xf32>
      %swap3A_103 = arith.index_cast %scan3A_53 : i32 to index
      %swap3A_104 = arith.constant 112 : index
      %swap3A_105 = tpu.vector_load %arg10[%swap3A_103, %swap3A_104] {strides = array<i32>} : memref<128x128xf32, #tpu.memory_space<vmem>>, vector<1x16xf32>,
      %swap3A_106 = vector.shape_cast %swap3A_105 : vector<1x16xf32> to vector<16xf32>
      %swap3A_107 = vector.shape_cast %broadcast_in_dim3A_102 : vector<16xf32> to vector<1x16xf32>
      tpu.vector_store %arg10[%swap3A_103, %swap3A_104], %swap3A_107 {strides = array<i32>} : memref<128x128xf32, #tpu.memory_space<vmem>>, vector<1x16xf32>,
    }
    %scan3A_5 = arith.constant 128 : i32
    %add3A = arith.constant 0 : i32
    %add3A_6 = arith.addi %mul3A_0, %add3A : i32
    "tpu.region"() ({
      %run_scoped3A = tpu.sem_alloc : memref<!tpu.dma_semaphore, #tpu.memory_space<semaphore_mem>>
      %dma_start3A = arith.constant 0 : i32
      %dma_start3A_53 = tpu.memref_slice %arg11[%add3A_6, %dma_start3A] : memref<10112x128xf32, #tpu.memory_space<vmem_shared>> -> memref<128x128xf32, #tpu.memory_space<vmem_shared>>
      %dma_start3A_54 = arith.constant 0 : i32
      %dma_start3A_55 = tpu.memref_slice %arg11[%add3A_6, %dma_start3A_54] : memref<10112x128xf32, #tpu.memory_space<vmem_shared>> -> memref<128x128xf32, #tpu.memory_space<vmem_shared>>
      tpu.enqueue_dma source(%arg10 : memref<128x128xf32, #tpu.memory_space<vmem>>) target(%dma_start3A_55 : memref<128x128xf32, #tpu.memory_space<vmem_shared>>) target_semaphore(%run_scoped3A : memref<!tpu.dma_semaphore, #tpu.memory_space<semaphore_mem>>)
      %dma_wait3A = arith.constant 0 : i32
      %dma_wait3A_56 = tpu.memref_slice %arg11[%add3A_6, %dma_wait3A] : memref<10112x128xf32, #tpu.memory_space<vmem_shared>> -> memref<128x128xf32, #tpu.memory_space<vmem_shared>>
      %dma_wait3A_57 = arith.constant 0 : i32
      %dma_wait3A_58 = tpu.memref_slice %arg11[%add3A_6, %dma_wait3A_57] : memref<10112x128xf32, #tpu.memory_space<vmem_shared>> -> memref<128x128xf32, #tpu.memory_space<vmem_shared>>
      tpu.wait_dma2 semaphore(%run_scoped3A : memref<!tpu.dma_semaphore, #tpu.memory_space<semaphore_mem>>) src(%arg10 : memref<128x128xf32, #tpu.memory_space<vmem>>) dst(%dma_wait3A_58 : memref<128x128xf32, #tpu.memory_space<vmem_shared>>)
      tpu.yield
    }) : () -> ()
    %add3A_7 = arith.constant 128 : i32
    %add3A_8 = arith.addi %mul3A_0, %add3A_7 : i32
    "tpu.region"() ({
      %run_scoped3A = tpu.sem_alloc : memref<!tpu.dma_semaphore, #tpu.memory_space<semaphore_mem>>
      %dma_start3A = arith.constant 0 : i32
      %dma_start3A_53 = tpu.memref_slice %arg11[%add3A_8, %dma_start3A] : memref<10112x128xf32, #tpu.memory_space<vmem_shared>> -> memref<128x128xf32, #tpu.memory_space<vmem_shared>>
      %dma_start3A_54 = arith.constant 0 : i32
      %dma_start3A_55 = tpu.memref_slice %arg11[%add3A_8, %dma_start3A_54] : memref<10112x128xf32, #tpu.memory_space<vmem_shared>> -> memref<128x128xf32, #tpu.memory_space<vmem_shared>>
      tpu.enqueue_dma source(%arg10 : memref<128x128xf32, #tpu.memory_space<vmem>>) target(%dma_start3A_55 : memref<128x128xf32, #tpu.memory_space<vmem_shared>>) target_semaphore(%run_scoped3A : memref<!tpu.dma_semaphore, #tpu.memory_space<semaphore_mem>>)
      %dma_wait3A = arith.constant 0 : i32
      %dma_wait3A_56 = tpu.memref_slice %arg11[%add3A_8, %dma_wait3A] : memref<10112x128xf32, #tpu.memory_space<vmem_shared>> -> memref<128x128xf32, #tpu.memory_space<vmem_shared>>
      %dma_wait3A_57 = arith.constant 0 : i32
      %dma_wait3A_58 = tpu.memref_slice %arg11[%add3A_8, %dma_wait3A_57] : memref<10112x128xf32, #tpu.memory_space<vmem_shared>> -> memref<128x128xf32, #tpu.memory_space<vmem_shared>>
      tpu.wait_dma2 semaphore(%run_scoped3A : memref<!tpu.dma_semaphore, #tpu.memory_space<semaphore_mem>>) src(%arg10 : memref<128x128xf32, #tpu.memory_space<vmem>>) dst(%dma_wait3A_58 : memref<128x128xf32, #tpu.memory_space<vmem_shared>>)
      tpu.yield
    }) : () -> ()
    %add3A_9 = arith.constant 256 : i32
    %add3A_10 = arith.addi %mul3A_0, %add3A_9 : i32
    "tpu.region"() ({
      %run_scoped3A = tpu.sem_alloc : memref<!tpu.dma_semaphore, #tpu.memory_space<semaphore_mem>>
      %dma_start3A = arith.constant 0 : i32
      %dma_start3A_53 = tpu.memref_slice %arg11[%add3A_10, %dma_start3A] : memref<10112x128xf32, #tpu.memory_space<vmem_shared>> -> memref<128x128xf32, #tpu.memory_space<vmem_shared>>
      %dma_start3A_54 = arith.constant 0 : i32
      %dma_start3A_55 = tpu.memref_slice %arg11[%add3A_10, %dma_start3A_54] : memref<10112x128xf32, #tpu.memory_space<vmem_shared>> -> memref<128x128xf32, #tpu.memory_space<vmem_shared>>
      tpu.enqueue_dma source(%arg10 : memref<128x128xf32, #tpu.memory_space<vmem>>) target(%dma_start3A_55 : memref<128x128xf32, #tpu.memory_space<vmem_shared>>) target_semaphore(%run_scoped3A : memref<!tpu.dma_semaphore, #tpu.memory_space<semaphore_mem>>)
      %dma_wait3A = arith.constant 0 : i32
      %dma_wait3A_56 = tpu.memref_slice %arg11[%add3A_10, %dma_wait3A] : memref<10112x128xf32, #tpu.memory_space<vmem_shared>> -> memref<128x128xf32, #tpu.memory_space<vmem_shared>>
      %dma_wait3A_57 = arith.constant 0 : i32
      %dma_wait3A_58 = tpu.memref_slice %arg11[%add3A_10, %dma_wait3A_57] : memref<10112x128xf32, #tpu.memory_space<vmem_shared>> -> memref<128x128xf32, #tpu.memory_space<vmem_shared>>
      tpu.wait_dma2 semaphore(%run_scoped3A : memref<!tpu.dma_semaphore, #tpu.memory_space<semaphore_mem>>) src(%arg10 : memref<128x128xf32, #tpu.memory_space<vmem>>) dst(%dma_wait3A_58 : memref<128x128xf32, #tpu.memory_space<vmem_shared>>)
      tpu.yield
    }) : () -> ()
    %add3A_11 = arith.constant 384 : i32
    %add3A_12 = arith.addi %mul3A_0, %add3A_11 : i32
    "tpu.region"() ({
      %run_scoped3A = tpu.sem_alloc : memref<!tpu.dma_semaphore, #tpu.memory_space<semaphore_mem>>
      %dma_start3A = arith.constant 0 : i32
      %dma_start3A_53 = tpu.memref_slice %arg11[%add3A_12, %dma_start3A] : memref<10112x128xf32, #tpu.memory_space<vmem_shared>> -> memref<128x128xf32, #tpu.memory_space<vmem_shared>>
      %dma_start3A_54 = arith.constant 0 : i32
      %dma_start3A_55 = tpu.memref_slice %arg11[%add3A_12, %dma_start3A_54] : memref<10112x128xf32, #tpu.memory_space<vmem_shared>> -> memref<128x128xf32, #tpu.memory_space<vmem_shared>>
      tpu.enqueue_dma source(%arg10 : memref<128x128xf32, #tpu.memory_space<vmem>>) target(%dma_start3A_55 : memref<128x128xf32, #tpu.memory_space<vmem_shared>>) target_semaphore(%run_scoped3A : memref<!tpu.dma_semaphore, #tpu.memory_space<semaphore_mem>>)
      %dma_wait3A = arith.constant 0 : i32
      %dma_wait3A_56 = tpu.memref_slice %arg11[%add3A_12, %dma_wait3A] : memref<10112x128xf32, #tpu.memory_space<vmem_shared>> -> memref<128x128xf32, #tpu.memory_space<vmem_shared>>
      %dma_wait3A_57 = arith.constant 0 : i32
      %dma_wait3A_58 = tpu.memref_slice %arg11[%add3A_12, %dma_wait3A_57] : memref<10112x128xf32, #tpu.memory_space<vmem_shared>> -> memref<128x128xf32, #tpu.memory_space<vmem_shared>>
      tpu.wait_dma2 semaphore(%run_scoped3A : memref<!tpu.dma_semaphore, #tpu.memory_space<semaphore_mem>>) src(%arg10 : memref<128x128xf32, #tpu.memory_space<vmem>>) dst(%dma_wait3A_58 : memref<128x128xf32, #tpu.memory_space<vmem_shared>>)
      tpu.yield
    }) : () -> ()
    %add3A_13 = arith.constant 512 : i32
    %add3A_14 = arith.addi %mul3A_0, %add3A_13 : i32
    "tpu.region"() ({
      %run_scoped3A = tpu.sem_alloc : memref<!tpu.dma_semaphore, #tpu.memory_space<semaphore_mem>>
      %dma_start3A = arith.constant 0 : i32
      %dma_start3A_53 = arith.constant 0 : i32
      %dma_start3A_54 = tpu.memref_slice %arg10[%dma_start3A, %dma_start3A_53] : memref<128x128xf32, #tpu.memory_space<vmem>> -> memref<120x128xf32, #tpu.memory_space<vmem>>
      %dma_start3A_55 = arith.constant 0 : i32
      %dma_start3A_56 = tpu.memref_slice %arg11[%add3A_14, %dma_start3A_55] : memref<10112x128xf32, #tpu.memory_space<vmem_shared>> -> memref<120x128xf32, #tpu.memory_space<vmem_shared>>
      %dma_start3A_57 = arith.constant 0 : i32
      %dma_start3A_58 = tpu.memref_slice %arg11[%add3A_14, %dma_start3A_57] : memref<10112x128xf32, #tpu.memory_space<vmem_shared>> -> memref<120x128xf32, #tpu.memory_space<vmem_shared>>
      %dma_start3A_59 = arith.constant 0 : i32
      %dma_start3A_60 = arith.constant 0 : i32
      %dma_start3A_61 = tpu.memref_slice %arg10[%dma_start3A_59, %dma_start3A_60] : memref<128x128xf32, #tpu.memory_space<vmem>> -> memref<120x128xf32, #tpu.memory_space<vmem>>
      tpu.enqueue_dma source(%dma_start3A_61 : memref<120x128xf32, #tpu.memory_space<vmem>>) target(%dma_start3A_58 : memref<120x128xf32, #tpu.memory_space<vmem_shared>>) target_semaphore(%run_scoped3A : memref<!tpu.dma_semaphore, #tpu.memory_space<semaphore_mem>>)
      %dma_wait3A = arith.constant 0 : i32
      %dma_wait3A_62 = arith.constant 0 : i32
      %dma_wait3A_63 = tpu.memref_slice %arg10[%dma_wait3A, %dma_wait3A_62] : memref<128x128xf32, #tpu.memory_space<vmem>> -> memref<120x128xf32, #tpu.memory_space<vmem>>
      %dma_wait3A_64 = arith.constant 0 : i32
      %dma_wait3A_65 = tpu.memref_slice %arg11[%add3A_14, %dma_wait3A_64] : memref<10112x128xf32, #tpu.memory_space<vmem_shared>> -> memref<120x128xf32, #tpu.memory_space<vmem_shared>>
      %dma_wait3A_66 = arith.constant 0 : i32
      %dma_wait3A_67 = tpu.memref_slice %arg11[%add3A_14, %dma_wait3A_66] : memref<10112x128xf32, #tpu.memory_space<vmem_shared>> -> memref<120x128xf32, #tpu.memory_space<vmem_shared>>
      %dma_wait3A_68 = arith.constant 0 : i32
      %dma_wait3A_69 = arith.constant 0 : i32
      %dma_wait3A_70 = tpu.memref_slice %arg10[%dma_wait3A_68, %dma_wait3A_69] : memref<128x128xf32, #tpu.memory_space<vmem>> -> memref<120x128xf32, #tpu.memory_space<vmem>>
      tpu.wait_dma2 semaphore(%run_scoped3A : memref<!tpu.dma_semaphore, #tpu.memory_space<semaphore_mem>>) src(%dma_wait3A_70 : memref<120x128xf32, #tpu.memory_space<vmem>>) dst(%dma_wait3A_67 : memref<120x128xf32, #tpu.memory_space<vmem_shared>>)
      tpu.yield
    }) : () -> ()
    %eq3A = arith.constant 0 : i32
    %eq3A_15 = arith.cmpi eq, %arg0, %eq3A : i32
    %convert_element_type3A = arith.extui %eq3A_15 : i1 to i32
    %cond3A = arith.constant 0 : i32
    %cond3A_16 = arith.cmpi ne, %convert_element_type3A, %cond3A : i32
    scf.if %cond3A_16 {
      "tpu.region"() ({
        %run_scoped3A = tpu.sem_alloc : memref<!tpu.dma_semaphore, #tpu.memory_space<semaphore_mem>>
        %dma_start3A = arith.constant 0 : i32
        %dma_start3A_53 = arith.constant 0 : i32
        %dma_start3A_54 = tpu.memref_slice %arg3[%arg1, %dma_start3A, %dma_start3A_53] : memref<16x91x128xi32, #tpu.memory_space<hbm>> -> memref<1x91x128xi32, #tpu.memory_space<hbm>>
        %dma_start3A_55 = tpu.memref_squeeze %dma_start3A_54 : memref<1x91x128xi32, #tpu.memory_space<hbm>> -> memref<91x128xi32, #tpu.memory_space<hbm>>
        %dma_start3A_56 = arith.constant 0 : i32
        %dma_start3A_57 = arith.constant 0 : i32
        %dma_start3A_58 = tpu.memref_slice %arg3[%arg1, %dma_start3A_56, %dma_start3A_57] : memref<16x91x128xi32, #tpu.memory_space<hbm>> -> memref<1x91x128xi32, #tpu.memory_space<hbm>>
        %dma_start3A_59 = tpu.memref_squeeze %dma_start3A_58 : memref<1x91x128xi32, #tpu.memory_space<hbm>> -> memref<91x128xi32, #tpu.memory_space<hbm>>
        tpu.enqueue_dma source(%dma_start3A_59 : memref<91x128xi32, #tpu.memory_space<hbm>>) target(%arg8 : memref<91x128xi32, #tpu.memory_space<vmem>>) target_semaphore(%run_scoped3A : memref<!tpu.dma_semaphore, #tpu.memory_space<semaphore_mem>>)
        %dma_wait3A = arith.constant 0 : i32
        %dma_wait3A_60 = arith.constant 0 : i32
        %dma_wait3A_61 = tpu.memref_slice %arg3[%arg1, %dma_wait3A, %dma_wait3A_60] : memref<16x91x128xi32, #tpu.memory_space<hbm>> -> memref<1x91x128xi32, #tpu.memory_space<hbm>>
        %dma_wait3A_62 = tpu.memref_squeeze %dma_wait3A_61 : memref<1x91x128xi32, #tpu.memory_space<hbm>> -> memref<91x128xi32, #tpu.memory_space<hbm>>
        %dma_wait3A_63 = arith.constant 0 : i32
        %dma_wait3A_64 = arith.constant 0 : i32
        %dma_wait3A_65 = tpu.memref_slice %arg3[%arg1, %dma_wait3A_63, %dma_wait3A_64] : memref<16x91x128xi32, #tpu.memory_space<hbm>> -> memref<1x91x128xi32, #tpu.memory_space<hbm>>
        %dma_wait3A_66 = tpu.memref_squeeze %dma_wait3A_65 : memref<1x91x128xi32, #tpu.memory_space<hbm>> -> memref<91x128xi32, #tpu.memory_space<hbm>>
        tpu.wait_dma2 semaphore(%run_scoped3A : memref<!tpu.dma_semaphore, #tpu.memory_space<semaphore_mem>>) src(%dma_wait3A_66 : memref<91x128xi32, #tpu.memory_space<hbm>>) dst(%arg8 : memref<91x128xi32, #tpu.memory_space<vmem>>)
        tpu.yield
      }) : () -> ()
      "tpu.region"() ({
        %run_scoped3A = tpu.sem_alloc : memref<!tpu.dma_semaphore, #tpu.memory_space<semaphore_mem>>
        %dma_start3A = arith.constant 0 : i32
        %dma_start3A_53 = arith.constant 0 : i32
        %dma_start3A_54 = tpu.memref_slice %arg4[%arg1, %dma_start3A, %dma_start3A_53] : memref<16x91x128xi32, #tpu.memory_space<hbm>> -> memref<1x91x128xi32, #tpu.memory_space<hbm>>
        %dma_start3A_55 = tpu.memref_squeeze %dma_start3A_54 : memref<1x91x128xi32, #tpu.memory_space<hbm>> -> memref<91x128xi32, #tpu.memory_space<hbm>>
        %dma_start3A_56 = arith.constant 0 : i32
        %dma_start3A_57 = arith.constant 0 : i32
        %dma_start3A_58 = tpu.memref_slice %arg4[%arg1, %dma_start3A_56, %dma_start3A_57] : memref<16x91x128xi32, #tpu.memory_space<hbm>> -> memref<1x91x128xi32, #tpu.memory_space<hbm>>
        %dma_start3A_59 = tpu.memref_squeeze %dma_start3A_58 : memref<1x91x128xi32, #tpu.memory_space<hbm>> -> memref<91x128xi32, #tpu.memory_space<hbm>>
        tpu.enqueue_dma source(%dma_start3A_59 : memref<91x128xi32, #tpu.memory_space<hbm>>) target(%arg9 : memref<91x128xi32, #tpu.memory_space<vmem>>) target_semaphore(%run_scoped3A : memref<!tpu.dma_semaphore, #tpu.memory_space<semaphore_mem>>)
        %dma_wait3A = arith.constant 0 : i32
        %dma_wait3A_60 = arith.constant 0 : i32
        %dma_wait3A_61 = tpu.memref_slice %arg4[%arg1, %dma_wait3A, %dma_wait3A_60] : memref<16x91x128xi32, #tpu.memory_space<hbm>> -> memref<1x91x128xi32, #tpu.memory_space<hbm>>
        %dma_wait3A_62 = tpu.memref_squeeze %dma_wait3A_61 : memref<1x91x128xi32, #tpu.memory_space<hbm>> -> memref<91x128xi32, #tpu.memory_space<hbm>>
        %dma_wait3A_63 = arith.constant 0 : i32
        %dma_wait3A_64 = arith.constant 0 : i32
        %dma_wait3A_65 = tpu.memref_slice %arg4[%arg1, %dma_wait3A_63, %dma_wait3A_64] : memref<16x91x128xi32, #tpu.memory_space<hbm>> -> memref<1x91x128xi32, #tpu.memory_space<hbm>>
        %dma_wait3A_66 = tpu.memref_squeeze %dma_wait3A_65 : memref<1x91x128xi32, #tpu.memory_space<hbm>> -> memref<91x128xi32, #tpu.memory_space<hbm>>
        tpu.wait_dma2 semaphore(%run_scoped3A : memref<!tpu.dma_semaphore, #tpu.memory_space<semaphore_mem>>) src(%dma_wait3A_66 : memref<91x128xi32, #tpu.memory_space<hbm>>) dst(%arg9 : memref<91x128xi32, #tpu.memory_space<vmem>>)
        tpu.yield
      }) : () -> ()
    } else {
    }
    %ne3A = arith.constant 0 : i32
    %ne3A_17 = arith.cmpi ne, %arg0, %ne3A : i32
    %convert_element_type3A_18 = arith.extui %ne3A_17 : i1 to i32
    %cond3A_19 = arith.constant 0 : i32
    %cond3A_20 = arith.cmpi ne, %convert_element_type3A_18, %cond3A_19 : i32
    scf.if %cond3A_20 {
      "tpu.region"() ({
        %run_scoped3A = tpu.sem_alloc : memref<!tpu.dma_semaphore, #tpu.memory_space<semaphore_mem>>
        %dma_start3A = arith.constant 0 : i32
        %dma_start3A_53 = arith.constant 0 : i32
        %dma_start3A_54 = tpu.memref_slice %arg8[%dma_start3A, %dma_start3A_53] : memref<91x128xi32, #tpu.memory_space<vmem>> -> memref<66x128xi32, #tpu.memory_space<vmem>>
        %dma_start3A_55 = arith.constant 0 : i32
        %dma_start3A_56 = arith.constant 0 : i32
        %dma_start3A_57 = tpu.memref_slice %arg5[%arg1, %dma_start3A_55, %dma_start3A_56] : memref<16x66x128xi32, #tpu.memory_space<hbm>> -> memref<1x66x128xi32, #tpu.memory_space<hbm>>
        %dma_start3A_58 = tpu.memref_squeeze %dma_start3A_57 : memref<1x66x128xi32, #tpu.memory_space<hbm>> -> memref<66x128xi32, #tpu.memory_space<hbm>>
        %dma_start3A_59 = arith.constant 0 : i32
        %dma_start3A_60 = arith.constant 0 : i32
        %dma_start3A_61 = tpu.memref_slice %arg8[%dma_start3A_59, %dma_start3A_60] : memref<91x128xi32, #tpu.memory_space<vmem>> -> memref<66x128xi32, #tpu.memory_space<vmem>>
        %dma_start3A_62 = arith.constant 0 : i32
        %dma_start3A_63 = arith.constant 0 : i32
        %dma_start3A_64 = tpu.memref_slice %arg5[%arg1, %dma_start3A_62, %dma_start3A_63] : memref<16x66x128xi32, #tpu.memory_space<hbm>> -> memref<1x66x128xi32, #tpu.memory_space<hbm>>
        %dma_start3A_65 = tpu.memref_squeeze %dma_start3A_64 : memref<1x66x128xi32, #tpu.memory_space<hbm>> -> memref<66x128xi32, #tpu.memory_space<hbm>>
        tpu.enqueue_dma source(%dma_start3A_65 : memref<66x128xi32, #tpu.memory_space<hbm>>) target(%dma_start3A_61 : memref<66x128xi32, #tpu.memory_space<vmem>>) target_semaphore(%run_scoped3A : memref<!tpu.dma_semaphore, #tpu.memory_space<semaphore_mem>>)
        %dma_wait3A = arith.constant 0 : i32
        %dma_wait3A_66 = arith.constant 0 : i32
        %dma_wait3A_67 = tpu.memref_slice %arg8[%dma_wait3A, %dma_wait3A_66] : memref<91x128xi32, #tpu.memory_space<vmem>> -> memref<66x128xi32, #tpu.memory_space<vmem>>
        %dma_wait3A_68 = arith.constant 0 : i32
        %dma_wait3A_69 = arith.constant 0 : i32
        %dma_wait3A_70 = tpu.memref_slice %arg5[%arg1, %dma_wait3A_68, %dma_wait3A_69] : memref<16x66x128xi32, #tpu.memory_space<hbm>> -> memref<1x66x128xi32, #tpu.memory_space<hbm>>
        %dma_wait3A_71 = tpu.memref_squeeze %dma_wait3A_70 : memref<1x66x128xi32, #tpu.memory_space<hbm>> -> memref<66x128xi32, #tpu.memory_space<hbm>>
        %dma_wait3A_72 = arith.constant 0 : i32
        %dma_wait3A_73 = arith.constant 0 : i32
        %dma_wait3A_74 = tpu.memref_slice %arg8[%dma_wait3A_72, %dma_wait3A_73] : memref<91x128xi32, #tpu.memory_space<vmem>> -> memref<66x128xi32, #tpu.memory_space<vmem>>
        %dma_wait3A_75 = arith.constant 0 : i32
        %dma_wait3A_76 = arith.constant 0 : i32
        %dma_wait3A_77 = tpu.memref_slice %arg5[%arg1, %dma_wait3A_75, %dma_wait3A_76] : memref<16x66x128xi32, #tpu.memory_space<hbm>> -> memref<1x66x128xi32, #tpu.memory_space<hbm>>
        %dma_wait3A_78 = tpu.memref_squeeze %dma_wait3A_77 : memref<1x66x128xi32, #tpu.memory_space<hbm>> -> memref<66x128xi32, #tpu.memory_space<hbm>>
        tpu.wait_dma2 semaphore(%run_scoped3A : memref<!tpu.dma_semaphore, #tpu.memory_space<semaphore_mem>>) src(%dma_wait3A_78 : memref<66x128xi32, #tpu.memory_space<hbm>>) dst(%dma_wait3A_74 : memref<66x128xi32, #tpu.memory_space<vmem>>)
        tpu.yield
      }) : () -> ()
      "tpu.region"() ({
        %run_scoped3A = tpu.sem_alloc : memref<!tpu.dma_semaphore, #tpu.memory_space<semaphore_mem>>
        %dma_start3A = arith.constant 0 : i32
        %dma_start3A_53 = arith.constant 0 : i32
        %dma_start3A_54 = tpu.memref_slice %arg9[%dma_start3A, %dma_start3A_53] : memref<91x128xi32, #tpu.memory_space<vmem>> -> memref<66x128xi32, #tpu.memory_space<vmem>>
        %dma_start3A_55 = arith.constant 0 : i32
        %dma_start3A_56 = arith.constant 0 : i32
        %dma_start3A_57 = tpu.memref_slice %arg6[%arg1, %dma_start3A_55, %dma_start3A_56] : memref<16x66x128xi32, #tpu.memory_space<hbm>> -> memref<1x66x128xi32, #tpu.memory_space<hbm>>
        %dma_start3A_58 = tpu.memref_squeeze %dma_start3A_57 : memref<1x66x128xi32, #tpu.memory_space<hbm>> -> memref<66x128xi32, #tpu.memory_space<hbm>>
        %dma_start3A_59 = arith.constant 0 : i32
        %dma_start3A_60 = arith.constant 0 : i32
        %dma_start3A_61 = tpu.memref_slice %arg9[%dma_start3A_59, %dma_start3A_60] : memref<91x128xi32, #tpu.memory_space<vmem>> -> memref<66x128xi32, #tpu.memory_space<vmem>>
        %dma_start3A_62 = arith.constant 0 : i32
        %dma_start3A_63 = arith.constant 0 : i32
        %dma_start3A_64 = tpu.memref_slice %arg6[%arg1, %dma_start3A_62, %dma_start3A_63] : memref<16x66x128xi32, #tpu.memory_space<hbm>> -> memref<1x66x128xi32, #tpu.memory_space<hbm>>
        %dma_start3A_65 = tpu.memref_squeeze %dma_start3A_64 : memref<1x66x128xi32, #tpu.memory_space<hbm>> -> memref<66x128xi32, #tpu.memory_space<hbm>>
        tpu.enqueue_dma source(%dma_start3A_65 : memref<66x128xi32, #tpu.memory_space<hbm>>) target(%dma_start3A_61 : memref<66x128xi32, #tpu.memory_space<vmem>>) target_semaphore(%run_scoped3A : memref<!tpu.dma_semaphore, #tpu.memory_space<semaphore_mem>>)
        %dma_wait3A = arith.constant 0 : i32
        %dma_wait3A_66 = arith.constant 0 : i32
        %dma_wait3A_67 = tpu.memref_slice %arg9[%dma_wait3A, %dma_wait3A_66] : memref<91x128xi32, #tpu.memory_space<vmem>> -> memref<66x128xi32, #tpu.memory_space<vmem>>
        %dma_wait3A_68 = arith.constant 0 : i32
        %dma_wait3A_69 = arith.constant 0 : i32
        %dma_wait3A_70 = tpu.memref_slice %arg6[%arg1, %dma_wait3A_68, %dma_wait3A_69] : memref<16x66x128xi32, #tpu.memory_space<hbm>> -> memref<1x66x128xi32, #tpu.memory_space<hbm>>
        %dma_wait3A_71 = tpu.memref_squeeze %dma_wait3A_70 : memref<1x66x128xi32, #tpu.memory_space<hbm>> -> memref<66x128xi32, #tpu.memory_space<hbm>>
        %dma_wait3A_72 = arith.constant 0 : i32
        %dma_wait3A_73 = arith.constant 0 : i32
        %dma_wait3A_74 = tpu.memref_slice %arg9[%dma_wait3A_72, %dma_wait3A_73] : memref<91x128xi32, #tpu.memory_space<vmem>> -> memref<66x128xi32, #tpu.memory_space<vmem>>
        %dma_wait3A_75 = arith.constant 0 : i32
        %dma_wait3A_76 = arith.constant 0 : i32
        %dma_wait3A_77 = tpu.memref_slice %arg6[%arg1, %dma_wait3A_75, %dma_wait3A_76] : memref<16x66x128xi32, #tpu.memory_space<hbm>> -> memref<1x66x128xi32, #tpu.memory_space<hbm>>
        %dma_wait3A_78 = tpu.memref_squeeze %dma_wait3A_77 : memref<1x66x128xi32, #tpu.memory_space<hbm>> -> memref<66x128xi32, #tpu.memory_space<hbm>>
        tpu.wait_dma2 semaphore(%run_scoped3A : memref<!tpu.dma_semaphore, #tpu.memory_space<semaphore_mem>>) src(%dma_wait3A_78 : memref<66x128xi32, #tpu.memory_space<hbm>>) dst(%dma_wait3A_74 : memref<66x128xi32, #tpu.memory_space<vmem>>)
        tpu.yield
      }) : () -> ()
    } else {
    }
    %barrier3A = arith.constant 0 : index
    tpu.barrier barrier_id(%barrier3A)
    %scan3A_21 = arith.constant 0 : i32
    %scan3A_22 = arith.constant 0 : i32
    %scan3A_23 = arith.constant 66 : i32
    %scan3A_24 = arith.addi %scan3A_22, %scan3A_23 : i32
    %scan3A_25 = arith.constant 1 : i32
    scf.for %scan3A_53 = %scan3A_22 to %scan3A_24 step %scan3A_25  : i32 {
      %dma_start3A = arith.constant 0 : i32
      %dma_start3A_54 = tpu.memref_slice %arg8[%scan3A_53, %dma_start3A] : memref<91x128xi32, #tpu.memory_space<vmem>> -> memref<1x128xi32, #tpu.memory_space<vmem>>
      %dma_start3A_55 = tpu.memref_squeeze %dma_start3A_54 : memref<1x128xi32, #tpu.memory_space<vmem>> -> memref<128xi32, #tpu.memory_space<vmem>>
      %dma_start3A_56 = arith.constant 0 : i32
      %dma_start3A_57 = arith.constant 0 : i32
      %dma_start3A_58 = tpu.memref_slice %arg2[%dma_start3A_56, %dma_start3A_57] : memref<10000x128xf32, #tpu.memory_space<hbm>> -> memref<10000x128xf32, #tpu.memory_space<hbm>>
      tpu.enqueue_indirect_dma source(%dma_start3A_58 : memref<10000x128xf32, #tpu.memory_space<hbm>>) target(%arg10 : memref<128x128xf32, #tpu.memory_space<vmem>>) offsets(%dma_start3A_55 : memref<128xi32, #tpu.memory_space<vmem>>) semaphore(%arg12 : memref<!tpu.dma_semaphore, #tpu.memory_space<semaphore_mem>>)
      %dma_wait3A = arith.constant 0 : i32
      %dma_wait3A_59 = tpu.memref_slice %arg8[%scan3A_53, %dma_wait3A] : memref<91x128xi32, #tpu.memory_space<vmem>> -> memref<1x128xi32, #tpu.memory_space<vmem>>
      %dma_wait3A_60 = tpu.memref_squeeze %dma_wait3A_59 : memref<1x128xi32, #tpu.memory_space<vmem>> -> memref<128xi32, #tpu.memory_space<vmem>>
      %dma_wait3A_61 = arith.constant 0 : i32
      %dma_wait3A_62 = arith.constant 0 : i32
      %dma_wait3A_63 = tpu.memref_slice %arg2[%dma_wait3A_61, %dma_wait3A_62] : memref<10000x128xf32, #tpu.memory_space<hbm>> -> memref<10000x128xf32, #tpu.memory_space<hbm>>
      tpu.wait_indirect_dma semaphore(%arg12 : memref<!tpu.dma_semaphore, #tpu.memory_space<semaphore_mem>>) src(%dma_wait3A_63 : memref<10000x128xf32, #tpu.memory_space<hbm>>) dst(%arg10 : memref<128x128xf32, #tpu.memory_space<vmem>>)
      "tpu.region"() ({
        %run_scoped3A = tpu.sem_alloc : memref<!tpu.dma_semaphore, #tpu.memory_space<semaphore_mem>>
        %dma_start3A_64 = arith.constant 0 : i32
        %dma_start3A_65 = tpu.memref_slice %arg9[%scan3A_53, %dma_start3A_64] : memref<91x128xi32, #tpu.memory_space<vmem>> -> memref<1x128xi32, #tpu.memory_space<vmem>>
        %dma_start3A_66 = tpu.memref_squeeze %dma_start3A_65 : memref<1x128xi32, #tpu.memory_space<vmem>> -> memref<128xi32, #tpu.memory_space<vmem>>
        %dma_start3A_67 = arith.constant 0 : i32
        %dma_start3A_68 = arith.constant 0 : i32
        %dma_start3A_69 = tpu.memref_slice %arg11[%dma_start3A_67, %dma_start3A_68] : memref<10112x128xf32, #tpu.memory_space<vmem_shared>> -> memref<10112x128xf32, #tpu.memory_space<vmem_shared>>
        tpu.enqueue_indirect_dma source(%arg10 : memref<128x128xf32, #tpu.memory_space<vmem>>) target(%dma_start3A_69 : memref<10112x128xf32, #tpu.memory_space<vmem_shared>>) offsets(%dma_start3A_66 : memref<128xi32, #tpu.memory_space<vmem>>) semaphore(%run_scoped3A : memref<!tpu.dma_semaphore, #tpu.memory_space<semaphore_mem>>) {add = true}
        %dma_wait3A_70 = arith.constant 0 : i32
        %dma_wait3A_71 = tpu.memref_slice %arg9[%scan3A_53, %dma_wait3A_70] : memref<91x128xi32, #tpu.memory_space<vmem>> -> memref<1x128xi32, #tpu.memory_space<vmem>>
        %dma_wait3A_72 = tpu.memref_squeeze %dma_wait3A_71 : memref<1x128xi32, #tpu.memory_space<vmem>> -> memref<128xi32, #tpu.memory_space<vmem>>
        %dma_wait3A_73 = arith.constant 0 : i32
        %dma_wait3A_74 = arith.constant 0 : i32
        %dma_wait3A_75 = tpu.memref_slice %arg11[%dma_wait3A_73, %dma_wait3A_74] : memref<10112x128xf32, #tpu.memory_space<vmem_shared>> -> memref<10112x128xf32, #tpu.memory_space<vmem_shared>>
        tpu.wait_indirect_dma semaphore(%run_scoped3A : memref<!tpu.dma_semaphore, #tpu.memory_space<semaphore_mem>>) src(%arg10 : memref<128x128xf32, #tpu.memory_space<vmem>>) dst(%dma_wait3A_75 : memref<10112x128xf32, #tpu.memory_space<vmem_shared>>)
        tpu.yield
      }) : () -> ()
    }
    %scan3A_26 = arith.constant 66 : i32
    %eq3A_27 = arith.constant 0 : i32
    %eq3A_28 = arith.cmpi eq, %arg0, %eq3A_27 : i32
    %convert_element_type3A_29 = arith.extui %eq3A_28 : i1 to i32
    %cond3A_30 = arith.constant 0 : i32
    %cond3A_31 = arith.cmpi ne, %convert_element_type3A_29, %cond3A_30 : i32
    scf.if %cond3A_31 {
      %scan3A_53 = arith.constant 0 : i32
      %scan3A_54 = arith.constant 66 : i32
      %scan3A_55 = arith.constant 25 : i32
      %scan3A_56 = arith.addi %scan3A_54, %scan3A_55 : i32
      %scan3A_57 = arith.constant 1 : i32
      scf.for %scan3A_59 = %scan3A_54 to %scan3A_56 step %scan3A_57  : i32 {
        %dma_start3A = arith.constant 0 : i32
        %dma_start3A_60 = tpu.memref_slice %arg8[%scan3A_59, %dma_start3A] : memref<91x128xi32, #tpu.memory_space<vmem>> -> memref<1x128xi32, #tpu.memory_space<vmem>>
        %dma_start3A_61 = tpu.memref_squeeze %dma_start3A_60 : memref<1x128xi32, #tpu.memory_space<vmem>> -> memref<128xi32, #tpu.memory_space<vmem>>
        %dma_start3A_62 = arith.constant 0 : i32
        %dma_start3A_63 = arith.constant 0 : i32
        %dma_start3A_64 = tpu.memref_slice %arg2[%dma_start3A_62, %dma_start3A_63] : memref<10000x128xf32, #tpu.memory_space<hbm>> -> memref<10000x128xf32, #tpu.memory_space<hbm>>
        tpu.enqueue_indirect_dma source(%dma_start3A_64 : memref<10000x128xf32, #tpu.memory_space<hbm>>) target(%arg10 : memref<128x128xf32, #tpu.memory_space<vmem>>) offsets(%dma_start3A_61 : memref<128xi32, #tpu.memory_space<vmem>>) semaphore(%arg12 : memref<!tpu.dma_semaphore, #tpu.memory_space<semaphore_mem>>)
        %dma_wait3A = arith.constant 0 : i32
        %dma_wait3A_65 = tpu.memref_slice %arg8[%scan3A_59, %dma_wait3A] : memref<91x128xi32, #tpu.memory_space<vmem>> -> memref<1x128xi32, #tpu.memory_space<vmem>>
        %dma_wait3A_66 = tpu.memref_squeeze %dma_wait3A_65 : memref<1x128xi32, #tpu.memory_space<vmem>> -> memref<128xi32, #tpu.memory_space<vmem>>
        %dma_wait3A_67 = arith.constant 0 : i32
        %dma_wait3A_68 = arith.constant 0 : i32
        %dma_wait3A_69 = tpu.memref_slice %arg2[%dma_wait3A_67, %dma_wait3A_68] : memref<10000x128xf32, #tpu.memory_space<hbm>> -> memref<10000x128xf32, #tpu.memory_space<hbm>>
        tpu.wait_indirect_dma semaphore(%arg12 : memref<!tpu.dma_semaphore, #tpu.memory_space<semaphore_mem>>) src(%dma_wait3A_69 : memref<10000x128xf32, #tpu.memory_space<hbm>>) dst(%arg10 : memref<128x128xf32, #tpu.memory_space<vmem>>)
        "tpu.region"() ({
          %run_scoped3A = tpu.sem_alloc : memref<!tpu.dma_semaphore, #tpu.memory_space<semaphore_mem>>
          %dma_start3A_70 = arith.constant 0 : i32
          %dma_start3A_71 = tpu.memref_slice %arg9[%scan3A_59, %dma_start3A_70] : memref<91x128xi32, #tpu.memory_space<vmem>> -> memref<1x128xi32, #tpu.memory_space<vmem>>
          %dma_start3A_72 = tpu.memref_squeeze %dma_start3A_71 : memref<1x128xi32, #tpu.memory_space<vmem>> -> memref<128xi32, #tpu.memory_space<vmem>>
          %dma_start3A_73 = arith.constant 0 : i32
          %dma_start3A_74 = arith.constant 0 : i32
          %dma_start3A_75 = tpu.memref_slice %arg11[%dma_start3A_73, %dma_start3A_74] : memref<10112x128xf32, #tpu.memory_space<vmem_shared>> -> memref<10112x128xf32, #tpu.memory_space<vmem_shared>>
          tpu.enqueue_indirect_dma source(%arg10 : memref<128x128xf32, #tpu.memory_space<vmem>>) target(%dma_start3A_75 : memref<10112x128xf32, #tpu.memory_space<vmem_shared>>) offsets(%dma_start3A_72 : memref<128xi32, #tpu.memory_space<vmem>>) semaphore(%run_scoped3A : memref<!tpu.dma_semaphore, #tpu.memory_space<semaphore_mem>>) {add = true}
          %dma_wait3A_76 = arith.constant 0 : i32
          %dma_wait3A_77 = tpu.memref_slice %arg9[%scan3A_59, %dma_wait3A_76] : memref<91x128xi32, #tpu.memory_space<vmem>> -> memref<1x128xi32, #tpu.memory_space<vmem>>
          %dma_wait3A_78 = tpu.memref_squeeze %dma_wait3A_77 : memref<1x128xi32, #tpu.memory_space<vmem>> -> memref<128xi32, #tpu.memory_space<vmem>>
          %dma_wait3A_79 = arith.constant 0 : i32
          %dma_wait3A_80 = arith.constant 0 : i32
          %dma_wait3A_81 = tpu.memref_slice %arg11[%dma_wait3A_79, %dma_wait3A_80] : memref<10112x128xf32, #tpu.memory_space<vmem_shared>> -> memref<10112x128xf32, #tpu.memory_space<vmem_shared>>
          tpu.wait_indirect_dma semaphore(%run_scoped3A : memref<!tpu.dma_semaphore, #tpu.memory_space<semaphore_mem>>) src(%arg10 : memref<128x128xf32, #tpu.memory_space<vmem>>) dst(%dma_wait3A_81 : memref<10112x128xf32, #tpu.memory_space<vmem_shared>>)
          tpu.yield
        }) : () -> ()
      }
      %scan3A_58 = arith.constant 25 : i32
    } else {
    }
    %barrier3A_32 = arith.constant 0 : index
    tpu.barrier barrier_id(%barrier3A_32)
    %add3A_33 = arith.constant 0 : i32
    %add3A_34 = arith.addi %mul3A_0, %add3A_33 : i32
    "tpu.region"() ({
      %run_scoped3A = tpu.sem_alloc : memref<!tpu.dma_semaphore, #tpu.memory_space<semaphore_mem>>
      %dma_start3A = arith.constant 0 : i32
      %dma_start3A_53 = tpu.memref_slice %arg11[%add3A_34, %dma_start3A] : memref<10112x128xf32, #tpu.memory_space<vmem_shared>> -> memref<128x128xf32, #tpu.memory_space<vmem_shared>>
      %dma_start3A_54 = arith.constant 0 : i32
      %dma_start3A_55 = tpu.memref_slice %arg11[%add3A_34, %dma_start3A_54] : memref<10112x128xf32, #tpu.memory_space<vmem_shared>> -> memref<128x128xf32, #tpu.memory_space<vmem_shared>>
      tpu.enqueue_dma source(%dma_start3A_55 : memref<128x128xf32, #tpu.memory_space<vmem_shared>>) target(%arg10 : memref<128x128xf32, #tpu.memory_space<vmem>>) target_semaphore(%run_scoped3A : memref<!tpu.dma_semaphore, #tpu.memory_space<semaphore_mem>>)
      %dma_wait3A = arith.constant 0 : i32
      %dma_wait3A_56 = tpu.memref_slice %arg11[%add3A_34, %dma_wait3A] : memref<10112x128xf32, #tpu.memory_space<vmem_shared>> -> memref<128x128xf32, #tpu.memory_space<vmem_shared>>
      %dma_wait3A_57 = arith.constant 0 : i32
      %dma_wait3A_58 = tpu.memref_slice %arg11[%add3A_34, %dma_wait3A_57] : memref<10112x128xf32, #tpu.memory_space<vmem_shared>> -> memref<128x128xf32, #tpu.memory_space<vmem_shared>>
      tpu.wait_dma2 semaphore(%run_scoped3A : memref<!tpu.dma_semaphore, #tpu.memory_space<semaphore_mem>>) src(%dma_wait3A_58 : memref<128x128xf32, #tpu.memory_space<vmem_shared>>) dst(%arg10 : memref<128x128xf32, #tpu.memory_space<vmem>>)
      tpu.yield
    }) : () -> ()
    %add3A_35 = arith.constant 0 : i32
    %add3A_36 = arith.addi %mul3A_0, %add3A_35 : i32
    "tpu.region"() ({
      %run_scoped3A = tpu.sem_alloc : memref<!tpu.dma_semaphore, #tpu.memory_space<semaphore_mem>>
      %dma_start3A = arith.constant 0 : i32
      %dma_start3A_53 = tpu.memref_slice %arg7[%arg0, %add3A_36, %dma_start3A] : memref<2x10112x128xf32, #tpu.memory_space<hbm>> -> memref<1x128x128xf32, #tpu.memory_space<hbm>>
      %dma_start3A_54 = tpu.memref_squeeze %dma_start3A_53 : memref<1x128x128xf32, #tpu.memory_space<hbm>> -> memref<128x128xf32, #tpu.memory_space<hbm>>
      %dma_start3A_55 = arith.constant 0 : i32
      %dma_start3A_56 = tpu.memref_slice %arg7[%arg0, %add3A_36, %dma_start3A_55] : memref<2x10112x128xf32, #tpu.memory_space<hbm>> -> memref<1x128x128xf32, #tpu.memory_space<hbm>>
      %dma_start3A_57 = tpu.memref_squeeze %dma_start3A_56 : memref<1x128x128xf32, #tpu.memory_space<hbm>> -> memref<128x128xf32, #tpu.memory_space<hbm>>
      tpu.enqueue_dma source(%arg10 : memref<128x128xf32, #tpu.memory_space<vmem>>) target(%dma_start3A_57 : memref<128x128xf32, #tpu.memory_space<hbm>>) target_semaphore(%run_scoped3A : memref<!tpu.dma_semaphore, #tpu.memory_space<semaphore_mem>>)
      %dma_wait3A = arith.constant 0 : i32
      %dma_wait3A_58 = tpu.memref_slice %arg7[%arg0, %add3A_36, %dma_wait3A] : memref<2x10112x128xf32, #tpu.memory_space<hbm>> -> memref<1x128x128xf32, #tpu.memory_space<hbm>>
      %dma_wait3A_59 = tpu.memref_squeeze %dma_wait3A_58 : memref<1x128x128xf32, #tpu.memory_space<hbm>> -> memref<128x128xf32, #tpu.memory_space<hbm>>
      %dma_wait3A_60 = arith.constant 0 : i32
      %dma_wait3A_61 = tpu.memref_slice %arg7[%arg0, %add3A_36, %dma_wait3A_60] : memref<2x10112x128xf32, #tpu.memory_space<hbm>> -> memref<1x128x128xf32, #tpu.memory_space<hbm>>
      %dma_wait3A_62 = tpu.memref_squeeze %dma_wait3A_61 : memref<1x128x128xf32, #tpu.memory_space<hbm>> -> memref<128x128xf32, #tpu.memory_space<hbm>>
      tpu.wait_dma2 semaphore(%run_scoped3A : memref<!tpu.dma_semaphore, #tpu.memory_space<semaphore_mem>>) src(%arg10 : memref<128x128xf32, #tpu.memory_space<vmem>>) dst(%dma_wait3A_62 : memref<128x128xf32, #tpu.memory_space<hbm>>)
      tpu.yield
    }) : () -> ()
    %add3A_37 = arith.constant 128 : i32
    %add3A_38 = arith.addi %mul3A_0, %add3A_37 : i32
    "tpu.region"() ({
      %run_scoped3A = tpu.sem_alloc : memref<!tpu.dma_semaphore, #tpu.memory_space<semaphore_mem>>
      %dma_start3A = arith.constant 0 : i32
      %dma_start3A_53 = tpu.memref_slice %arg11[%add3A_38, %dma_start3A] : memref<10112x128xf32, #tpu.memory_space<vmem_shared>> -> memref<128x128xf32, #tpu.memory_space<vmem_shared>>
      %dma_start3A_54 = arith.constant 0 : i32
      %dma_start3A_55 = tpu.memref_slice %arg11[%add3A_38, %dma_start3A_54] : memref<10112x128xf32, #tpu.memory_space<vmem_shared>> -> memref<128x128xf32, #tpu.memory_space<vmem_shared>>
      tpu.enqueue_dma source(%dma_start3A_55 : memref<128x128xf32, #tpu.memory_space<vmem_shared>>) target(%arg10 : memref<128x128xf32, #tpu.memory_space<vmem>>) target_semaphore(%run_scoped3A : memref<!tpu.dma_semaphore, #tpu.memory_space<semaphore_mem>>)
      %dma_wait3A = arith.constant 0 : i32
      %dma_wait3A_56 = tpu.memref_slice %arg11[%add3A_38, %dma_wait3A] : memref<10112x128xf32, #tpu.memory_space<vmem_shared>> -> memref<128x128xf32, #tpu.memory_space<vmem_shared>>
      %dma_wait3A_57 = arith.constant 0 : i32
      %dma_wait3A_58 = tpu.memref_slice %arg11[%add3A_38, %dma_wait3A_57] : memref<10112x128xf32, #tpu.memory_space<vmem_shared>> -> memref<128x128xf32, #tpu.memory_space<vmem_shared>>
      tpu.wait_dma2 semaphore(%run_scoped3A : memref<!tpu.dma_semaphore, #tpu.memory_space<semaphore_mem>>) src(%dma_wait3A_58 : memref<128x128xf32, #tpu.memory_space<vmem_shared>>) dst(%arg10 : memref<128x128xf32, #tpu.memory_space<vmem>>)
      tpu.yield
    }) : () -> ()
    %add3A_39 = arith.constant 128 : i32
    %add3A_40 = arith.addi %mul3A_0, %add3A_39 : i32
    "tpu.region"() ({
      %run_scoped3A = tpu.sem_alloc : memref<!tpu.dma_semaphore, #tpu.memory_space<semaphore_mem>>
      %dma_start3A = arith.constant 0 : i32
      %dma_start3A_53 = tpu.memref_slice %arg7[%arg0, %add3A_40, %dma_start3A] : memref<2x10112x128xf32, #tpu.memory_space<hbm>> -> memref<1x128x128xf32, #tpu.memory_space<hbm>>
      %dma_start3A_54 = tpu.memref_squeeze %dma_start3A_53 : memref<1x128x128xf32, #tpu.memory_space<hbm>> -> memref<128x128xf32, #tpu.memory_space<hbm>>
      %dma_start3A_55 = arith.constant 0 : i32
      %dma_start3A_56 = tpu.memref_slice %arg7[%arg0, %add3A_40, %dma_start3A_55] : memref<2x10112x128xf32, #tpu.memory_space<hbm>> -> memref<1x128x128xf32, #tpu.memory_space<hbm>>
      %dma_start3A_57 = tpu.memref_squeeze %dma_start3A_56 : memref<1x128x128xf32, #tpu.memory_space<hbm>> -> memref<128x128xf32, #tpu.memory_space<hbm>>
      tpu.enqueue_dma source(%arg10 : memref<128x128xf32, #tpu.memory_space<vmem>>) target(%dma_start3A_57 : memref<128x128xf32, #tpu.memory_space<hbm>>) target_semaphore(%run_scoped3A : memref<!tpu.dma_semaphore, #tpu.memory_space<semaphore_mem>>)
      %dma_wait3A = arith.constant 0 : i32
      %dma_wait3A_58 = tpu.memref_slice %arg7[%arg0, %add3A_40, %dma_wait3A] : memref<2x10112x128xf32, #tpu.memory_space<hbm>> -> memref<1x128x128xf32, #tpu.memory_space<hbm>>
      %dma_wait3A_59 = tpu.memref_squeeze %dma_wait3A_58 : memref<1x128x128xf32, #tpu.memory_space<hbm>> -> memref<128x128xf32, #tpu.memory_space<hbm>>
      %dma_wait3A_60 = arith.constant 0 : i32
      %dma_wait3A_61 = tpu.memref_slice %arg7[%arg0, %add3A_40, %dma_wait3A_60] : memref<2x10112x128xf32, #tpu.memory_space<hbm>> -> memref<1x128x128xf32, #tpu.memory_space<hbm>>
      %dma_wait3A_62 = tpu.memref_squeeze %dma_wait3A_61 : memref<1x128x128xf32, #tpu.memory_space<hbm>> -> memref<128x128xf32, #tpu.memory_space<hbm>>
      tpu.wait_dma2 semaphore(%run_scoped3A : memref<!tpu.dma_semaphore, #tpu.memory_space<semaphore_mem>>) src(%arg10 : memref<128x128xf32, #tpu.memory_space<vmem>>) dst(%dma_wait3A_62 : memref<128x128xf32, #tpu.memory_space<hbm>>)
      tpu.yield
    }) : () -> ()
    %add3A_41 = arith.constant 256 : i32
    %add3A_42 = arith.addi %mul3A_0, %add3A_41 : i32
    "tpu.region"() ({
      %run_scoped3A = tpu.sem_alloc : memref<!tpu.dma_semaphore, #tpu.memory_space<semaphore_mem>>
      %dma_start3A = arith.constant 0 : i32
      %dma_start3A_53 = tpu.memref_slice %arg11[%add3A_42, %dma_start3A] : memref<10112x128xf32, #tpu.memory_space<vmem_shared>> -> memref<128x128xf32, #tpu.memory_space<vmem_shared>>
      %dma_start3A_54 = arith.constant 0 : i32
      %dma_start3A_55 = tpu.memref_slice %arg11[%add3A_42, %dma_start3A_54] : memref<10112x128xf32, #tpu.memory_space<vmem_shared>> -> memref<128x128xf32, #tpu.memory_space<vmem_shared>>
      tpu.enqueue_dma source(%dma_start3A_55 : memref<128x128xf32, #tpu.memory_space<vmem_shared>>) target(%arg10 : memref<128x128xf32, #tpu.memory_space<vmem>>) target_semaphore(%run_scoped3A : memref<!tpu.dma_semaphore, #tpu.memory_space<semaphore_mem>>)
      %dma_wait3A = arith.constant 0 : i32
      %dma_wait3A_56 = tpu.memref_slice %arg11[%add3A_42, %dma_wait3A] : memref<10112x128xf32, #tpu.memory_space<vmem_shared>> -> memref<128x128xf32, #tpu.memory_space<vmem_shared>>
      %dma_wait3A_57 = arith.constant 0 : i32
      %dma_wait3A_58 = tpu.memref_slice %arg11[%add3A_42, %dma_wait3A_57] : memref<10112x128xf32, #tpu.memory_space<vmem_shared>> -> memref<128x128xf32, #tpu.memory_space<vmem_shared>>
      tpu.wait_dma2 semaphore(%run_scoped3A : memref<!tpu.dma_semaphore, #tpu.memory_space<semaphore_mem>>) src(%dma_wait3A_58 : memref<128x128xf32, #tpu.memory_space<vmem_shared>>) dst(%arg10 : memref<128x128xf32, #tpu.memory_space<vmem>>)
      tpu.yield
    }) : () -> ()
    %add3A_43 = arith.constant 256 : i32
    %add3A_44 = arith.addi %mul3A_0, %add3A_43 : i32
    "tpu.region"() ({
      %run_scoped3A = tpu.sem_alloc : memref<!tpu.dma_semaphore, #tpu.memory_space<semaphore_mem>>
      %dma_start3A = arith.constant 0 : i32
      %dma_start3A_53 = tpu.memref_slice %arg7[%arg0, %add3A_44, %dma_start3A] : memref<2x10112x128xf32, #tpu.memory_space<hbm>> -> memref<1x128x128xf32, #tpu.memory_space<hbm>>
      %dma_start3A_54 = tpu.memref_squeeze %dma_start3A_53 : memref<1x128x128xf32, #tpu.memory_space<hbm>> -> memref<128x128xf32, #tpu.memory_space<hbm>>
      %dma_start3A_55 = arith.constant 0 : i32
      %dma_start3A_56 = tpu.memref_slice %arg7[%arg0, %add3A_44, %dma_start3A_55] : memref<2x10112x128xf32, #tpu.memory_space<hbm>> -> memref<1x128x128xf32, #tpu.memory_space<hbm>>
      %dma_start3A_57 = tpu.memref_squeeze %dma_start3A_56 : memref<1x128x128xf32, #tpu.memory_space<hbm>> -> memref<128x128xf32, #tpu.memory_space<hbm>>
      tpu.enqueue_dma source(%arg10 : memref<128x128xf32, #tpu.memory_space<vmem>>) target(%dma_start3A_57 : memref<128x128xf32, #tpu.memory_space<hbm>>) target_semaphore(%run_scoped3A : memref<!tpu.dma_semaphore, #tpu.memory_space<semaphore_mem>>)
      %dma_wait3A = arith.constant 0 : i32
      %dma_wait3A_58 = tpu.memref_slice %arg7[%arg0, %add3A_44, %dma_wait3A] : memref<2x10112x128xf32, #tpu.memory_space<hbm>> -> memref<1x128x128xf32, #tpu.memory_space<hbm>>
      %dma_wait3A_59 = tpu.memref_squeeze %dma_wait3A_58 : memref<1x128x128xf32, #tpu.memory_space<hbm>> -> memref<128x128xf32, #tpu.memory_space<hbm>>
      %dma_wait3A_60 = arith.constant 0 : i32
      %dma_wait3A_61 = tpu.memref_slice %arg7[%arg0, %add3A_44, %dma_wait3A_60] : memref<2x10112x128xf32, #tpu.memory_space<hbm>> -> memref<1x128x128xf32, #tpu.memory_space<hbm>>
      %dma_wait3A_62 = tpu.memref_squeeze %dma_wait3A_61 : memref<1x128x128xf32, #tpu.memory_space<hbm>> -> memref<128x128xf32, #tpu.memory_space<hbm>>
      tpu.wait_dma2 semaphore(%run_scoped3A : memref<!tpu.dma_semaphore, #tpu.memory_space<semaphore_mem>>) src(%arg10 : memref<128x128xf32, #tpu.memory_space<vmem>>) dst(%dma_wait3A_62 : memref<128x128xf32, #tpu.memory_space<hbm>>)
      tpu.yield
    }) : () -> ()
    %add3A_45 = arith.constant 384 : i32
    %add3A_46 = arith.addi %mul3A_0, %add3A_45 : i32
    "tpu.region"() ({
      %run_scoped3A = tpu.sem_alloc : memref<!tpu.dma_semaphore, #tpu.memory_space<semaphore_mem>>
      %dma_start3A = arith.constant 0 : i32
      %dma_start3A_53 = tpu.memref_slice %arg11[%add3A_46, %dma_start3A] : memref<10112x128xf32, #tpu.memory_space<vmem_shared>> -> memref<128x128xf32, #tpu.memory_space<vmem_shared>>
      %dma_start3A_54 = arith.constant 0 : i32
      %dma_start3A_55 = tpu.memref_slice %arg11[%add3A_46, %dma_start3A_54] : memref<10112x128xf32, #tpu.memory_space<vmem_shared>> -> memref<128x128xf32, #tpu.memory_space<vmem_shared>>
      tpu.enqueue_dma source(%dma_start3A_55 : memref<128x128xf32, #tpu.memory_space<vmem_shared>>) target(%arg10 : memref<128x128xf32, #tpu.memory_space<vmem>>) target_semaphore(%run_scoped3A : memref<!tpu.dma_semaphore, #tpu.memory_space<semaphore_mem>>)
      %dma_wait3A = arith.constant 0 : i32
      %dma_wait3A_56 = tpu.memref_slice %arg11[%add3A_46, %dma_wait3A] : memref<10112x128xf32, #tpu.memory_space<vmem_shared>> -> memref<128x128xf32, #tpu.memory_space<vmem_shared>>
      %dma_wait3A_57 = arith.constant 0 : i32
      %dma_wait3A_58 = tpu.memref_slice %arg11[%add3A_46, %dma_wait3A_57] : memref<10112x128xf32, #tpu.memory_space<vmem_shared>> -> memref<128x128xf32, #tpu.memory_space<vmem_shared>>
      tpu.wait_dma2 semaphore(%run_scoped3A : memref<!tpu.dma_semaphore, #tpu.memory_space<semaphore_mem>>) src(%dma_wait3A_58 : memref<128x128xf32, #tpu.memory_space<vmem_shared>>) dst(%arg10 : memref<128x128xf32, #tpu.memory_space<vmem>>)
      tpu.yield
    }) : () -> ()
    %add3A_47 = arith.constant 384 : i32
    %add3A_48 = arith.addi %mul3A_0, %add3A_47 : i32
    "tpu.region"() ({
      %run_scoped3A = tpu.sem_alloc : memref<!tpu.dma_semaphore, #tpu.memory_space<semaphore_mem>>
      %dma_start3A = arith.constant 0 : i32
      %dma_start3A_53 = tpu.memref_slice %arg7[%arg0, %add3A_48, %dma_start3A] : memref<2x10112x128xf32, #tpu.memory_space<hbm>> -> memref<1x128x128xf32, #tpu.memory_space<hbm>>
      %dma_start3A_54 = tpu.memref_squeeze %dma_start3A_53 : memref<1x128x128xf32, #tpu.memory_space<hbm>> -> memref<128x128xf32, #tpu.memory_space<hbm>>
      %dma_start3A_55 = arith.constant 0 : i32
      %dma_start3A_56 = tpu.memref_slice %arg7[%arg0, %add3A_48, %dma_start3A_55] : memref<2x10112x128xf32, #tpu.memory_space<hbm>> -> memref<1x128x128xf32, #tpu.memory_space<hbm>>
      %dma_start3A_57 = tpu.memref_squeeze %dma_start3A_56 : memref<1x128x128xf32, #tpu.memory_space<hbm>> -> memref<128x128xf32, #tpu.memory_space<hbm>>
      tpu.enqueue_dma source(%arg10 : memref<128x128xf32, #tpu.memory_space<vmem>>) target(%dma_start3A_57 : memref<128x128xf32, #tpu.memory_space<hbm>>) target_semaphore(%run_scoped3A : memref<!tpu.dma_semaphore, #tpu.memory_space<semaphore_mem>>)
      %dma_wait3A = arith.constant 0 : i32
      %dma_wait3A_58 = tpu.memref_slice %arg7[%arg0, %add3A_48, %dma_wait3A] : memref<2x10112x128xf32, #tpu.memory_space<hbm>> -> memref<1x128x128xf32, #tpu.memory_space<hbm>>
      %dma_wait3A_59 = tpu.memref_squeeze %dma_wait3A_58 : memref<1x128x128xf32, #tpu.memory_space<hbm>> -> memref<128x128xf32, #tpu.memory_space<hbm>>
      %dma_wait3A_60 = arith.constant 0 : i32
      %dma_wait3A_61 = tpu.memref_slice %arg7[%arg0, %add3A_48, %dma_wait3A_60] : memref<2x10112x128xf32, #tpu.memory_space<hbm>> -> memref<1x128x128xf32, #tpu.memory_space<hbm>>
      %dma_wait3A_62 = tpu.memref_squeeze %dma_wait3A_61 : memref<1x128x128xf32, #tpu.memory_space<hbm>> -> memref<128x128xf32, #tpu.memory_space<hbm>>
      tpu.wait_dma2 semaphore(%run_scoped3A : memref<!tpu.dma_semaphore, #tpu.memory_space<semaphore_mem>>) src(%arg10 : memref<128x128xf32, #tpu.memory_space<vmem>>) dst(%dma_wait3A_62 : memref<128x128xf32, #tpu.memory_space<hbm>>)
      tpu.yield
    }) : () -> ()
    %add3A_49 = arith.constant 512 : i32
    %add3A_50 = arith.addi %mul3A_0, %add3A_49 : i32
    "tpu.region"() ({
      %run_scoped3A = tpu.sem_alloc : memref<!tpu.dma_semaphore, #tpu.memory_space<semaphore_mem>>
      %dma_start3A = arith.constant 0 : i32
      %dma_start3A_53 = arith.constant 0 : i32
      %dma_start3A_54 = tpu.memref_slice %arg10[%dma_start3A, %dma_start3A_53] : memref<128x128xf32, #tpu.memory_space<vmem>> -> memref<120x128xf32, #tpu.memory_space<vmem>>
      %dma_start3A_55 = arith.constant 0 : i32
      %dma_start3A_56 = tpu.memref_slice %arg11[%add3A_50, %dma_start3A_55] : memref<10112x128xf32, #tpu.memory_space<vmem_shared>> -> memref<120x128xf32, #tpu.memory_space<vmem_shared>>
      %dma_start3A_57 = arith.constant 0 : i32
      %dma_start3A_58 = arith.constant 0 : i32
      %dma_start3A_59 = tpu.memref_slice %arg10[%dma_start3A_57, %dma_start3A_58] : memref<128x128xf32, #tpu.memory_space<vmem>> -> memref<120x128xf32, #tpu.memory_space<vmem>>
      %dma_start3A_60 = arith.constant 0 : i32
      %dma_start3A_61 = tpu.memref_slice %arg11[%add3A_50, %dma_start3A_60] : memref<10112x128xf32, #tpu.memory_space<vmem_shared>> -> memref<120x128xf32, #tpu.memory_space<vmem_shared>>
      tpu.enqueue_dma source(%dma_start3A_61 : memref<120x128xf32, #tpu.memory_space<vmem_shared>>) target(%dma_start3A_59 : memref<120x128xf32, #tpu.memory_space<vmem>>) target_semaphore(%run_scoped3A : memref<!tpu.dma_semaphore, #tpu.memory_space<semaphore_mem>>)
      %dma_wait3A = arith.constant 0 : i32
      %dma_wait3A_62 = arith.constant 0 : i32
      %dma_wait3A_63 = tpu.memref_slice %arg10[%dma_wait3A, %dma_wait3A_62] : memref<128x128xf32, #tpu.memory_space<vmem>> -> memref<120x128xf32, #tpu.memory_space<vmem>>
      %dma_wait3A_64 = arith.constant 0 : i32
      %dma_wait3A_65 = tpu.memref_slice %arg11[%add3A_50, %dma_wait3A_64] : memref<10112x128xf32, #tpu.memory_space<vmem_shared>> -> memref<120x128xf32, #tpu.memory_space<vmem_shared>>
      %dma_wait3A_66 = arith.constant 0 : i32
      %dma_wait3A_67 = arith.constant 0 : i32
      %dma_wait3A_68 = tpu.memref_slice %arg10[%dma_wait3A_66, %dma_wait3A_67] : memref<128x128xf32, #tpu.memory_space<vmem>> -> memref<120x128xf32, #tpu.memory_space<vmem>>
      %dma_wait3A_69 = arith.constant 0 : i32
      %dma_wait3A_70 = tpu.memref_slice %arg11[%add3A_50, %dma_wait3A_69] : memref<10112x128xf32, #tpu.memory_space<vmem_shared>> -> memref<120x128xf32, #tpu.memory_space<vmem_shared>>
      tpu.wait_dma2 semaphore(%run_scoped3A : memref<!tpu.dma_semaphore, #tpu.memory_space<semaphore_mem>>) src(%dma_wait3A_70 : memref<120x128xf32, #tpu.memory_space<vmem_shared>>) dst(%dma_wait3A_68 : memref<120x128xf32, #tpu.memory_space<vmem>>)
      tpu.yield
    }) : () -> ()
    %add3A_51 = arith.constant 512 : i32
    %add3A_52 = arith.addi %mul3A_0, %add3A_51 : i32
    "tpu.region"() ({
      %run_scoped3A = tpu.sem_alloc : memref<!tpu.dma_semaphore, #tpu.memory_space<semaphore_mem>>
      %dma_start3A = arith.constant 0 : i32
      %dma_start3A_53 = arith.constant 0 : i32
      %dma_start3A_54 = tpu.memref_slice %arg10[%dma_start3A, %dma_start3A_53] : memref<128x128xf32, #tpu.memory_space<vmem>> -> memref<120x128xf32, #tpu.memory_space<vmem>>
      %dma_start3A_55 = arith.constant 0 : i32
      %dma_start3A_56 = tpu.memref_slice %arg7[%arg0, %add3A_52, %dma_start3A_55] : memref<2x10112x128xf32, #tpu.memory_space<hbm>> -> memref<1x120x128xf32, #tpu.memory_space<hbm>>
      %dma_start3A_57 = tpu.memref_squeeze %dma_start3A_56 : memref<1x120x128xf32, #tpu.memory_space<hbm>> -> memref<120x128xf32, #tpu.memory_space<hbm>>
      %dma_start3A_58 = arith.constant 0 : i32
      %dma_start3A_59 = tpu.memref_slice %arg7[%arg0, %add3A_52, %dma_start3A_58] : memref<2x10112x128xf32, #tpu.memory_space<hbm>> -> memref<1x120x128xf32, #tpu.memory_space<hbm>>
      %dma_start3A_60 = tpu.memref_squeeze %dma_start3A_59 : memref<1x120x128xf32, #tpu.memory_space<hbm>> -> memref<120x128xf32, #tpu.memory_space<hbm>>
      %dma_start3A_61 = arith.constant 0 : i32
      %dma_start3A_62 = arith.constant 0 : i32
      %dma_start3A_63 = tpu.memref_slice %arg10[%dma_start3A_61, %dma_start3A_62] : memref<128x128xf32, #tpu.memory_space<vmem>> -> memref<120x128xf32, #tpu.memory_space<vmem>>
      tpu.enqueue_dma source(%dma_start3A_63 : memref<120x128xf32, #tpu.memory_space<vmem>>) target(%dma_start3A_60 : memref<120x128xf32, #tpu.memory_space<hbm>>) target_semaphore(%run_scoped3A : memref<!tpu.dma_semaphore, #tpu.memory_space<semaphore_mem>>)
      %dma_wait3A = arith.constant 0 : i32
      %dma_wait3A_64 = arith.constant 0 : i32
      %dma_wait3A_65 = tpu.memref_slice %arg10[%dma_wait3A, %dma_wait3A_64] : memref<128x128xf32, #tpu.memory_space<vmem>> -> memref<120x128xf32, #tpu.memory_space<vmem>>
      %dma_wait3A_66 = arith.constant 0 : i32
      %dma_wait3A_67 = tpu.memref_slice %arg7[%arg0, %add3A_52, %dma_wait3A_66] : memref<2x10112x128xf32, #tpu.memory_space<hbm>> -> memref<1x120x128xf32, #tpu.memory_space<hbm>>
      %dma_wait3A_68 = tpu.memref_squeeze %dma_wait3A_67 : memref<1x120x128xf32, #tpu.memory_space<hbm>> -> memref<120x128xf32, #tpu.memory_space<hbm>>
      %dma_wait3A_69 = arith.constant 0 : i32
      %dma_wait3A_70 = tpu.memref_slice %arg7[%arg0, %add3A_52, %dma_wait3A_69] : memref<2x10112x128xf32, #tpu.memory_space<hbm>> -> memref<1x120x128xf32, #tpu.memory_space<hbm>>
      %dma_wait3A_71 = tpu.memref_squeeze %dma_wait3A_70 : memref<1x120x128xf32, #tpu.memory_space<hbm>> -> memref<120x128xf32, #tpu.memory_space<hbm>>
      %dma_wait3A_72 = arith.constant 0 : i32
      %dma_wait3A_73 = arith.constant 0 : i32
      %dma_wait3A_74 = tpu.memref_slice %arg10[%dma_wait3A_72, %dma_wait3A_73] : memref<128x128xf32, #tpu.memory_space<vmem>> -> memref<120x128xf32, #tpu.memory_space<vmem>>
      tpu.wait_dma2 semaphore(%run_scoped3A : memref<!tpu.dma_semaphore, #tpu.memory_space<semaphore_mem>>) src(%dma_wait3A_74 : memref<120x128xf32, #tpu.memory_space<vmem>>) dst(%dma_wait3A_71 : memref<120x128xf32, #tpu.memory_space<hbm>>)
      tpu.yield
    }) : () -> ()
    return
  }
}

#map = affine_map<(d0, d1) -> (0, 0)>
#map1 = affine_map<(d0, d1) -> (0, 0, 0)>
module attributes {stable_mosaic.version = 14 : i64} {
  func.func @seg(%arg0: i32, %arg1: i32, %arg2: memref<10000x128xf32, #tpu.memory_space<hbm>>, %arg3: memref<16x91x128xi32, #tpu.memory_space<hbm>>, %arg4: memref<16x91x128xi32, #tpu.memory_space<hbm>>, %arg5: memref<16x66x128xi32, #tpu.memory_space<hbm>>, %arg6: memref<16x66x128xi32, #tpu.memory_space<hbm>>, %arg7: memref<2x10112x128xf32, #tpu.memory_space<hbm>>, %arg8: memref<91x128xi32, #tpu.memory_space<vmem>>, %arg9: memref<91x128xi32, #tpu.memory_space<vmem>>, %arg10: memref<128x128xf32, #tpu.memory_space<vmem>>, %arg11: memref<10112x128xf32, #tpu.memory_space<vmem_shared>>, %arg12: memref<!tpu.dma_semaphore, #tpu.memory_space<semaphore_mem>>) attributes {dimension_semantics = [#tpu.dimension_semantics<core_parallel>, #tpu.dimension_semantics<subcore_parallel>], iteration_bounds = array<i64: 2, 16>, scalar_prefetch = 0 : i64, scratch_operands = 5 : i64, tpu.core_type = #tpu.core_type<sc_vector_subcore>, window_params = [{transform_indices = #map}, {transform_indices = #map1}, {transform_indices = #map1}, {transform_indices = #map1}, {transform_indices = #map1}, {transform_indices = #map1}]} {
    %mul3A = arith.constant 632 : i32
    %mul3A_0 = arith.muli %arg1, %mul3A : i32
    %scan3A = arith.constant 0 : i32
    %scan3A_1 = arith.constant 0 : i32
    %scan3A_2 = arith.constant 128 : i32
    %scan3A_3 = arith.addi %scan3A_1, %scan3A_2 : i32
    %scan3A_4 = arith.constant 1 : i32
    scf.for %scan3A_53 = %scan3A_1 to %scan3A_3 step %scan3A_4  : i32 {
      %broadcast_in_dim3A = arith.constant 0.000000e+00 : f32
      %broadcast_in_dim3A_54 = vector.broadcast %broadcast_in_dim3A : f32 to vector<16xf32>
      %swap3A = arith.index_cast %scan3A_53 : i32 to index
      %swap3A_55 = arith.constant 0 : index
      %swap3A_56 = tpu.vector_load %arg10[%swap3A, %swap3A_55] {strides = array<i32>} : memref<128x128xf32, #tpu.memory_space<vmem>>, vector<1x16xf32>,
      %swap3A_57 = vector.shape_cast %swap3A_56 : vector<1x16xf32> to vector<16xf32>
      %swap3A_58 = vector.shape_cast %broadcast_in_dim3A_54 : vector<16xf32> to vector<1x16xf32>
      tpu.vector_store %arg10[%swap3A, %swap3A_55], %swap3A_58 {strides = array<i32>} : memref<128x128xf32, #tpu.memory_space<vmem>>, vector<1x16xf32>,
      %broadcast_in_dim3A_59 = arith.constant 0.000000e+00 : f32
      %broadcast_in_dim3A_60 = vector.broadcast %broadcast_in_dim3A_59 : f32 to vector<16xf32>
      %swap3A_61 = arith.index_cast %scan3A_53 : i32 to index
      %swap3A_62 = arith.constant 16 : index
      %swap3A_63 = tpu.vector_load %arg10[%swap3A_61, %swap3A_62] {strides = array<i32>} : memref<128x128xf32, #tpu.memory_space<vmem>>, vector<1x16xf32>,
      %swap3A_64 = vector.shape_cast %swap3A_63 : vector<1x16xf32> to vector<16xf32>
      %swap3A_65 = vector.shape_cast %broadcast_in_dim3A_60 : vector<16xf32> to vector<1x16xf32>
      tpu.vector_store %arg10[%swap3A_61, %swap3A_62], %swap3A_65 {strides = array<i32>} : memref<128x128xf32, #tpu.memory_space<vmem>>, vector<1x16xf32>,
      %broadcast_in_dim3A_66 = arith.constant 0.000000e+00 : f32
      %broadcast_in_dim3A_67 = vector.broadcast %broadcast_in_dim3A_66 : f32 to vector<16xf32>
      %swap3A_68 = arith.index_cast %scan3A_53 : i32 to index
      %swap3A_69 = arith.constant 32 : index
      %swap3A_70 = tpu.vector_load %arg10[%swap3A_68, %swap3A_69] {strides = array<i32>} : memref<128x128xf32, #tpu.memory_space<vmem>>, vector<1x16xf32>,
      %swap3A_71 = vector.shape_cast %swap3A_70 : vector<1x16xf32> to vector<16xf32>
      %swap3A_72 = vector.shape_cast %broadcast_in_dim3A_67 : vector<16xf32> to vector<1x16xf32>
      tpu.vector_store %arg10[%swap3A_68, %swap3A_69], %swap3A_72 {strides = array<i32>} : memref<128x128xf32, #tpu.memory_space<vmem>>, vector<1x16xf32>,
      %broadcast_in_dim3A_73 = arith.constant 0.000000e+00 : f32
      %broadcast_in_dim3A_74 = vector.broadcast %broadcast_in_dim3A_73 : f32 to vector<16xf32>
      %swap3A_75 = arith.index_cast %scan3A_53 : i32 to index
      %swap3A_76 = arith.constant 48 : index
      %swap3A_77 = tpu.vector_load %arg10[%swap3A_75, %swap3A_76] {strides = array<i32>} : memref<128x128xf32, #tpu.memory_space<vmem>>, vector<1x16xf32>,
      %swap3A_78 = vector.shape_cast %swap3A_77 : vector<1x16xf32> to vector<16xf32>
      %swap3A_79 = vector.shape_cast %broadcast_in_dim3A_74 : vector<16xf32> to vector<1x16xf32>
      tpu.vector_store %arg10[%swap3A_75, %swap3A_76], %swap3A_79 {strides = array<i32>} : memref<128x128xf32, #tpu.memory_space<vmem>>, vector<1x16xf32>,
      %broadcast_in_dim3A_80 = arith.constant 0.000000e+00 : f32
      %broadcast_in_dim3A_81 = vector.broadcast %broadcast_in_dim3A_80 : f32 to vector<16xf32>
      %swap3A_82 = arith.index_cast %scan3A_53 : i32 to index
      %swap3A_83 = arith.constant 64 : index
      %swap3A_84 = tpu.vector_load %arg10[%swap3A_82, %swap3A_83] {strides = array<i32>} : memref<128x128xf32, #tpu.memory_space<vmem>>, vector<1x16xf32>,
      %swap3A_85 = vector.shape_cast %swap3A_84 : vector<1x16xf32> to vector<16xf32>
      %swap3A_86 = vector.shape_cast %broadcast_in_dim3A_81 : vector<16xf32> to vector<1x16xf32>
      tpu.vector_store %arg10[%swap3A_82, %swap3A_83], %swap3A_86 {strides = array<i32>} : memref<128x128xf32, #tpu.memory_space<vmem>>, vector<1x16xf32>,
      %broadcast_in_dim3A_87 = arith.constant 0.000000e+00 : f32
      %broadcast_in_dim3A_88 = vector.broadcast %broadcast_in_dim3A_87 : f32 to vector<16xf32>
      %swap3A_89 = arith.index_cast %scan3A_53 : i32 to index
      %swap3A_90 = arith.constant 80 : index
      %swap3A_91 = tpu.vector_load %arg10[%swap3A_89, %swap3A_90] {strides = array<i32>} : memref<128x128xf32, #tpu.memory_space<vmem>>, vector<1x16xf32>,
      %swap3A_92 = vector.shape_cast %swap3A_91 : vector<1x16xf32> to vector<16xf32>
      %swap3A_93 = vector.shape_cast %broadcast_in_dim3A_88 : vector<16xf32> to vector<1x16xf32>
      tpu.vector_store %arg10[%swap3A_89, %swap3A_90], %swap3A_93 {strides = array<i32>} : memref<128x128xf32, #tpu.memory_space<vmem>>, vector<1x16xf32>,
      %broadcast_in_dim3A_94 = arith.constant 0.000000e+00 : f32
      %broadcast_in_dim3A_95 = vector.broadcast %broadcast_in_dim3A_94 : f32 to vector<16xf32>
      %swap3A_96 = arith.index_cast %scan3A_53 : i32 to index
      %swap3A_97 = arith.constant 96 : index
      %swap3A_98 = tpu.vector_load %arg10[%swap3A_96, %swap3A_97] {strides = array<i32>} : memref<128x128xf32, #tpu.memory_space<vmem>>, vector<1x16xf32>,
      %swap3A_99 = vector.shape_cast %swap3A_98 : vector<1x16xf32> to vector<16xf32>
      %swap3A_100 = vector.shape_cast %broadcast_in_dim3A_95 : vector<16xf32> to vector<1x16xf32>
      tpu.vector_store %arg10[%swap3A_96, %swap3A_97], %swap3A_100 {strides = array<i32>} : memref<128x128xf32, #tpu.memory_space<vmem>>, vector<1x16xf32>,
      %broadcast_in_dim3A_101 = arith.constant 0.000000e+00 : f32
      %broadcast_in_dim3A_102 = vector.broadcast %broadcast_in_dim3A_101 : f32 to vector<16xf32>
      %swap3A_103 = arith.index_cast %scan3A_53 : i32 to index
      %swap3A_104 = arith.constant 112 : index
      %swap3A_105 = tpu.vector_load %arg10[%swap3A_103, %swap3A_104] {strides = array<i32>} : memref<128x128xf32, #tpu.memory_space<vmem>>, vector<1x16xf32>,
      %swap3A_106 = vector.shape_cast %swap3A_105 : vector<1x16xf32> to vector<16xf32>
      %swap3A_107 = vector.shape_cast %broadcast_in_dim3A_102 : vector<16xf32> to vector<1x16xf32>
      tpu.vector_store %arg10[%swap3A_103, %swap3A_104], %swap3A_107 {strides = array<i32>} : memref<128x128xf32, #tpu.memory_space<vmem>>, vector<1x16xf32>,
    }
    %scan3A_5 = arith.constant 128 : i32
    %add3A = arith.constant 0 : i32
    %add3A_6 = arith.addi %mul3A_0, %add3A : i32
    "tpu.region"() ({
      %run_scoped3A = tpu.sem_alloc : memref<!tpu.dma_semaphore, #tpu.memory_space<semaphore_mem>>
      %dma_start3A = arith.constant 0 : i32
      %dma_start3A_53 = tpu.memref_slice %arg11[%add3A_6, %dma_start3A] : memref<10112x128xf32, #tpu.memory_space<vmem_shared>> -> memref<128x128xf32, #tpu.memory_space<vmem_shared>>
      %dma_start3A_54 = arith.constant 0 : i32
      %dma_start3A_55 = tpu.memref_slice %arg11[%add3A_6, %dma_start3A_54] : memref<10112x128xf32, #tpu.memory_space<vmem_shared>> -> memref<128x128xf32, #tpu.memory_space<vmem_shared>>
      tpu.enqueue_dma source(%arg10 : memref<128x128xf32, #tpu.memory_space<vmem>>) target(%dma_start3A_55 : memref<128x128xf32, #tpu.memory_space<vmem_shared>>) target_semaphore(%run_scoped3A : memref<!tpu.dma_semaphore, #tpu.memory_space<semaphore_mem>>)
      %dma_wait3A = arith.constant 0 : i32
      %dma_wait3A_56 = tpu.memref_slice %arg11[%add3A_6, %dma_wait3A] : memref<10112x128xf32, #tpu.memory_space<vmem_shared>> -> memref<128x128xf32, #tpu.memory_space<vmem_shared>>
      %dma_wait3A_57 = arith.constant 0 : i32
      %dma_wait3A_58 = tpu.memref_slice %arg11[%add3A_6, %dma_wait3A_57] : memref<10112x128xf32, #tpu.memory_space<vmem_shared>> -> memref<128x128xf32, #tpu.memory_space<vmem_shared>>
      tpu.wait_dma2 semaphore(%run_scoped3A : memref<!tpu.dma_semaphore, #tpu.memory_space<semaphore_mem>>) src(%arg10 : memref<128x128xf32, #tpu.memory_space<vmem>>) dst(%dma_wait3A_58 : memref<128x128xf32, #tpu.memory_space<vmem_shared>>)
      tpu.yield
    }) : () -> ()
    %add3A_7 = arith.constant 128 : i32
    %add3A_8 = arith.addi %mul3A_0, %add3A_7 : i32
    "tpu.region"() ({
      %run_scoped3A = tpu.sem_alloc : memref<!tpu.dma_semaphore, #tpu.memory_space<semaphore_mem>>
      %dma_start3A = arith.constant 0 : i32
      %dma_start3A_53 = tpu.memref_slice %arg11[%add3A_8, %dma_start3A] : memref<10112x128xf32, #tpu.memory_space<vmem_shared>> -> memref<128x128xf32, #tpu.memory_space<vmem_shared>>
      %dma_start3A_54 = arith.constant 0 : i32
      %dma_start3A_55 = tpu.memref_slice %arg11[%add3A_8, %dma_start3A_54] : memref<10112x128xf32, #tpu.memory_space<vmem_shared>> -> memref<128x128xf32, #tpu.memory_space<vmem_shared>>
      tpu.enqueue_dma source(%arg10 : memref<128x128xf32, #tpu.memory_space<vmem>>) target(%dma_start3A_55 : memref<128x128xf32, #tpu.memory_space<vmem_shared>>) target_semaphore(%run_scoped3A : memref<!tpu.dma_semaphore, #tpu.memory_space<semaphore_mem>>)
      %dma_wait3A = arith.constant 0 : i32
      %dma_wait3A_56 = tpu.memref_slice %arg11[%add3A_8, %dma_wait3A] : memref<10112x128xf32, #tpu.memory_space<vmem_shared>> -> memref<128x128xf32, #tpu.memory_space<vmem_shared>>
      %dma_wait3A_57 = arith.constant 0 : i32
      %dma_wait3A_58 = tpu.memref_slice %arg11[%add3A_8, %dma_wait3A_57] : memref<10112x128xf32, #tpu.memory_space<vmem_shared>> -> memref<128x128xf32, #tpu.memory_space<vmem_shared>>
      tpu.wait_dma2 semaphore(%run_scoped3A : memref<!tpu.dma_semaphore, #tpu.memory_space<semaphore_mem>>) src(%arg10 : memref<128x128xf32, #tpu.memory_space<vmem>>) dst(%dma_wait3A_58 : memref<128x128xf32, #tpu.memory_space<vmem_shared>>)
      tpu.yield
    }) : () -> ()
    %add3A_9 = arith.constant 256 : i32
    %add3A_10 = arith.addi %mul3A_0, %add3A_9 : i32
    "tpu.region"() ({
      %run_scoped3A = tpu.sem_alloc : memref<!tpu.dma_semaphore, #tpu.memory_space<semaphore_mem>>
      %dma_start3A = arith.constant 0 : i32
      %dma_start3A_53 = tpu.memref_slice %arg11[%add3A_10, %dma_start3A] : memref<10112x128xf32, #tpu.memory_space<vmem_shared>> -> memref<128x128xf32, #tpu.memory_space<vmem_shared>>
      %dma_start3A_54 = arith.constant 0 : i32
      %dma_start3A_55 = tpu.memref_slice %arg11[%add3A_10, %dma_start3A_54] : memref<10112x128xf32, #tpu.memory_space<vmem_shared>> -> memref<128x128xf32, #tpu.memory_space<vmem_shared>>
      tpu.enqueue_dma source(%arg10 : memref<128x128xf32, #tpu.memory_space<vmem>>) target(%dma_start3A_55 : memref<128x128xf32, #tpu.memory_space<vmem_shared>>) target_semaphore(%run_scoped3A : memref<!tpu.dma_semaphore, #tpu.memory_space<semaphore_mem>>)
      %dma_wait3A = arith.constant 0 : i32
      %dma_wait3A_56 = tpu.memref_slice %arg11[%add3A_10, %dma_wait3A] : memref<10112x128xf32, #tpu.memory_space<vmem_shared>> -> memref<128x128xf32, #tpu.memory_space<vmem_shared>>
      %dma_wait3A_57 = arith.constant 0 : i32
      %dma_wait3A_58 = tpu.memref_slice %arg11[%add3A_10, %dma_wait3A_57] : memref<10112x128xf32, #tpu.memory_space<vmem_shared>> -> memref<128x128xf32, #tpu.memory_space<vmem_shared>>
      tpu.wait_dma2 semaphore(%run_scoped3A : memref<!tpu.dma_semaphore, #tpu.memory_space<semaphore_mem>>) src(%arg10 : memref<128x128xf32, #tpu.memory_space<vmem>>) dst(%dma_wait3A_58 : memref<128x128xf32, #tpu.memory_space<vmem_shared>>)
      tpu.yield
    }) : () -> ()
    %add3A_11 = arith.constant 384 : i32
    %add3A_12 = arith.addi %mul3A_0, %add3A_11 : i32
    "tpu.region"() ({
      %run_scoped3A = tpu.sem_alloc : memref<!tpu.dma_semaphore, #tpu.memory_space<semaphore_mem>>
      %dma_start3A = arith.constant 0 : i32
      %dma_start3A_53 = tpu.memref_slice %arg11[%add3A_12, %dma_start3A] : memref<10112x128xf32, #tpu.memory_space<vmem_shared>> -> memref<128x128xf32, #tpu.memory_space<vmem_shared>>
      %dma_start3A_54 = arith.constant 0 : i32
      %dma_start3A_55 = tpu.memref_slice %arg11[%add3A_12, %dma_start3A_54] : memref<10112x128xf32, #tpu.memory_space<vmem_shared>> -> memref<128x128xf32, #tpu.memory_space<vmem_shared>>
      tpu.enqueue_dma source(%arg10 : memref<128x128xf32, #tpu.memory_space<vmem>>) target(%dma_start3A_55 : memref<128x128xf32, #tpu.memory_space<vmem_shared>>) target_semaphore(%run_scoped3A : memref<!tpu.dma_semaphore, #tpu.memory_space<semaphore_mem>>)
      %dma_wait3A = arith.constant 0 : i32
      %dma_wait3A_56 = tpu.memref_slice %arg11[%add3A_12, %dma_wait3A] : memref<10112x128xf32, #tpu.memory_space<vmem_shared>> -> memref<128x128xf32, #tpu.memory_space<vmem_shared>>
      %dma_wait3A_57 = arith.constant 0 : i32
      %dma_wait3A_58 = tpu.memref_slice %arg11[%add3A_12, %dma_wait3A_57] : memref<10112x128xf32, #tpu.memory_space<vmem_shared>> -> memref<128x128xf32, #tpu.memory_space<vmem_shared>>
      tpu.wait_dma2 semaphore(%run_scoped3A : memref<!tpu.dma_semaphore, #tpu.memory_space<semaphore_mem>>) src(%arg10 : memref<128x128xf32, #tpu.memory_space<vmem>>) dst(%dma_wait3A_58 : memref<128x128xf32, #tpu.memory_space<vmem_shared>>)
      tpu.yield
    }) : () -> ()
    %add3A_13 = arith.constant 512 : i32
    %add3A_14 = arith.addi %mul3A_0, %add3A_13 : i32
    "tpu.region"() ({
      %run_scoped3A = tpu.sem_alloc : memref<!tpu.dma_semaphore, #tpu.memory_space<semaphore_mem>>
      %dma_start3A = arith.constant 0 : i32
      %dma_start3A_53 = arith.constant 0 : i32
      %dma_start3A_54 = tpu.memref_slice %arg10[%dma_start3A, %dma_start3A_53] : memref<128x128xf32, #tpu.memory_space<vmem>> -> memref<120x128xf32, #tpu.memory_space<vmem>>
      %dma_start3A_55 = arith.constant 0 : i32
      %dma_start3A_56 = tpu.memref_slice %arg11[%add3A_14, %dma_start3A_55] : memref<10112x128xf32, #tpu.memory_space<vmem_shared>> -> memref<120x128xf32, #tpu.memory_space<vmem_shared>>
      %dma_start3A_57 = arith.constant 0 : i32
      %dma_start3A_58 = tpu.memref_slice %arg11[%add3A_14, %dma_start3A_57] : memref<10112x128xf32, #tpu.memory_space<vmem_shared>> -> memref<120x128xf32, #tpu.memory_space<vmem_shared>>
      %dma_start3A_59 = arith.constant 0 : i32
      %dma_start3A_60 = arith.constant 0 : i32
      %dma_start3A_61 = tpu.memref_slice %arg10[%dma_start3A_59, %dma_start3A_60] : memref<128x128xf32, #tpu.memory_space<vmem>> -> memref<120x128xf32, #tpu.memory_space<vmem>>
      tpu.enqueue_dma source(%dma_start3A_61 : memref<120x128xf32, #tpu.memory_space<vmem>>) target(%dma_start3A_58 : memref<120x128xf32, #tpu.memory_space<vmem_shared>>) target_semaphore(%run_scoped3A : memref<!tpu.dma_semaphore, #tpu.memory_space<semaphore_mem>>)
      %dma_wait3A = arith.constant 0 : i32
      %dma_wait3A_62 = arith.constant 0 : i32
      %dma_wait3A_63 = tpu.memref_slice %arg10[%dma_wait3A, %dma_wait3A_62] : memref<128x128xf32, #tpu.memory_space<vmem>> -> memref<120x128xf32, #tpu.memory_space<vmem>>
      %dma_wait3A_64 = arith.constant 0 : i32
      %dma_wait3A_65 = tpu.memref_slice %arg11[%add3A_14, %dma_wait3A_64] : memref<10112x128xf32, #tpu.memory_space<vmem_shared>> -> memref<120x128xf32, #tpu.memory_space<vmem_shared>>
      %dma_wait3A_66 = arith.constant 0 : i32
      %dma_wait3A_67 = tpu.memref_slice %arg11[%add3A_14, %dma_wait3A_66] : memref<10112x128xf32, #tpu.memory_space<vmem_shared>> -> memref<120x128xf32, #tpu.memory_space<vmem_shared>>
      %dma_wait3A_68 = arith.constant 0 : i32
      %dma_wait3A_69 = arith.constant 0 : i32
      %dma_wait3A_70 = tpu.memref_slice %arg10[%dma_wait3A_68, %dma_wait3A_69] : memref<128x128xf32, #tpu.memory_space<vmem>> -> memref<120x128xf32, #tpu.memory_space<vmem>>
      tpu.wait_dma2 semaphore(%run_scoped3A : memref<!tpu.dma_semaphore, #tpu.memory_space<semaphore_mem>>) src(%dma_wait3A_70 : memref<120x128xf32, #tpu.memory_space<vmem>>) dst(%dma_wait3A_67 : memref<120x128xf32, #tpu.memory_space<vmem_shared>>)
      tpu.yield
    }) : () -> ()
    %eq3A = arith.constant 0 : i32
    %eq3A_15 = arith.cmpi eq, %arg0, %eq3A : i32
    %convert_element_type3A = arith.extui %eq3A_15 : i1 to i32
    %cond3A = arith.constant 0 : i32
    %cond3A_16 = arith.cmpi ne, %convert_element_type3A, %cond3A : i32
    scf.if %cond3A_16 {
      "tpu.region"() ({
        %run_scoped3A = tpu.sem_alloc : memref<!tpu.dma_semaphore, #tpu.memory_space<semaphore_mem>>
        %dma_start3A = arith.constant 0 : i32
        %dma_start3A_53 = arith.constant 0 : i32
        %dma_start3A_54 = tpu.memref_slice %arg3[%arg1, %dma_start3A, %dma_start3A_53] : memref<16x91x128xi32, #tpu.memory_space<hbm>> -> memref<1x91x128xi32, #tpu.memory_space<hbm>>
        %dma_start3A_55 = tpu.memref_squeeze %dma_start3A_54 : memref<1x91x128xi32, #tpu.memory_space<hbm>> -> memref<91x128xi32, #tpu.memory_space<hbm>>
        %dma_start3A_56 = arith.constant 0 : i32
        %dma_start3A_57 = arith.constant 0 : i32
        %dma_start3A_58 = tpu.memref_slice %arg3[%arg1, %dma_start3A_56, %dma_start3A_57] : memref<16x91x128xi32, #tpu.memory_space<hbm>> -> memref<1x91x128xi32, #tpu.memory_space<hbm>>
        %dma_start3A_59 = tpu.memref_squeeze %dma_start3A_58 : memref<1x91x128xi32, #tpu.memory_space<hbm>> -> memref<91x128xi32, #tpu.memory_space<hbm>>
        tpu.enqueue_dma source(%dma_start3A_59 : memref<91x128xi32, #tpu.memory_space<hbm>>) target(%arg8 : memref<91x128xi32, #tpu.memory_space<vmem>>) target_semaphore(%run_scoped3A : memref<!tpu.dma_semaphore, #tpu.memory_space<semaphore_mem>>)
        %dma_wait3A = arith.constant 0 : i32
        %dma_wait3A_60 = arith.constant 0 : i32
        %dma_wait3A_61 = tpu.memref_slice %arg3[%arg1, %dma_wait3A, %dma_wait3A_60] : memref<16x91x128xi32, #tpu.memory_space<hbm>> -> memref<1x91x128xi32, #tpu.memory_space<hbm>>
        %dma_wait3A_62 = tpu.memref_squeeze %dma_wait3A_61 : memref<1x91x128xi32, #tpu.memory_space<hbm>> -> memref<91x128xi32, #tpu.memory_space<hbm>>
        %dma_wait3A_63 = arith.constant 0 : i32
        %dma_wait3A_64 = arith.constant 0 : i32
        %dma_wait3A_65 = tpu.memref_slice %arg3[%arg1, %dma_wait3A_63, %dma_wait3A_64] : memref<16x91x128xi32, #tpu.memory_space<hbm>> -> memref<1x91x128xi32, #tpu.memory_space<hbm>>
        %dma_wait3A_66 = tpu.memref_squeeze %dma_wait3A_65 : memref<1x91x128xi32, #tpu.memory_space<hbm>> -> memref<91x128xi32, #tpu.memory_space<hbm>>
        tpu.wait_dma2 semaphore(%run_scoped3A : memref<!tpu.dma_semaphore, #tpu.memory_space<semaphore_mem>>) src(%dma_wait3A_66 : memref<91x128xi32, #tpu.memory_space<hbm>>) dst(%arg8 : memref<91x128xi32, #tpu.memory_space<vmem>>)
        tpu.yield
      }) : () -> ()
      "tpu.region"() ({
        %run_scoped3A = tpu.sem_alloc : memref<!tpu.dma_semaphore, #tpu.memory_space<semaphore_mem>>
        %dma_start3A = arith.constant 0 : i32
        %dma_start3A_53 = arith.constant 0 : i32
        %dma_start3A_54 = tpu.memref_slice %arg4[%arg1, %dma_start3A, %dma_start3A_53] : memref<16x91x128xi32, #tpu.memory_space<hbm>> -> memref<1x91x128xi32, #tpu.memory_space<hbm>>
        %dma_start3A_55 = tpu.memref_squeeze %dma_start3A_54 : memref<1x91x128xi32, #tpu.memory_space<hbm>> -> memref<91x128xi32, #tpu.memory_space<hbm>>
        %dma_start3A_56 = arith.constant 0 : i32
        %dma_start3A_57 = arith.constant 0 : i32
        %dma_start3A_58 = tpu.memref_slice %arg4[%arg1, %dma_start3A_56, %dma_start3A_57] : memref<16x91x128xi32, #tpu.memory_space<hbm>> -> memref<1x91x128xi32, #tpu.memory_space<hbm>>
        %dma_start3A_59 = tpu.memref_squeeze %dma_start3A_58 : memref<1x91x128xi32, #tpu.memory_space<hbm>> -> memref<91x128xi32, #tpu.memory_space<hbm>>
        tpu.enqueue_dma source(%dma_start3A_59 : memref<91x128xi32, #tpu.memory_space<hbm>>) target(%arg9 : memref<91x128xi32, #tpu.memory_space<vmem>>) target_semaphore(%run_scoped3A : memref<!tpu.dma_semaphore, #tpu.memory_space<semaphore_mem>>)
        %dma_wait3A = arith.constant 0 : i32
        %dma_wait3A_60 = arith.constant 0 : i32
        %dma_wait3A_61 = tpu.memref_slice %arg4[%arg1, %dma_wait3A, %dma_wait3A_60] : memref<16x91x128xi32, #tpu.memory_space<hbm>> -> memref<1x91x128xi32, #tpu.memory_space<hbm>>
        %dma_wait3A_62 = tpu.memref_squeeze %dma_wait3A_61 : memref<1x91x128xi32, #tpu.memory_space<hbm>> -> memref<91x128xi32, #tpu.memory_space<hbm>>
        %dma_wait3A_63 = arith.constant 0 : i32
        %dma_wait3A_64 = arith.constant 0 : i32
        %dma_wait3A_65 = tpu.memref_slice %arg4[%arg1, %dma_wait3A_63, %dma_wait3A_64] : memref<16x91x128xi32, #tpu.memory_space<hbm>> -> memref<1x91x128xi32, #tpu.memory_space<hbm>>
        %dma_wait3A_66 = tpu.memref_squeeze %dma_wait3A_65 : memref<1x91x128xi32, #tpu.memory_space<hbm>> -> memref<91x128xi32, #tpu.memory_space<hbm>>
        tpu.wait_dma2 semaphore(%run_scoped3A : memref<!tpu.dma_semaphore, #tpu.memory_space<semaphore_mem>>) src(%dma_wait3A_66 : memref<91x128xi32, #tpu.memory_space<hbm>>) dst(%arg9 : memref<91x128xi32, #tpu.memory_space<vmem>>)
        tpu.yield
      }) : () -> ()
    } else {
    }
    %ne3A = arith.constant 0 : i32
    %ne3A_17 = arith.cmpi ne, %arg0, %ne3A : i32
    %convert_element_type3A_18 = arith.extui %ne3A_17 : i1 to i32
    %cond3A_19 = arith.constant 0 : i32
    %cond3A_20 = arith.cmpi ne, %convert_element_type3A_18, %cond3A_19 : i32
    scf.if %cond3A_20 {
      "tpu.region"() ({
        %run_scoped3A = tpu.sem_alloc : memref<!tpu.dma_semaphore, #tpu.memory_space<semaphore_mem>>
        %dma_start3A = arith.constant 0 : i32
        %dma_start3A_53 = arith.constant 0 : i32
        %dma_start3A_54 = tpu.memref_slice %arg8[%dma_start3A, %dma_start3A_53] : memref<91x128xi32, #tpu.memory_space<vmem>> -> memref<66x128xi32, #tpu.memory_space<vmem>>
        %dma_start3A_55 = arith.constant 0 : i32
        %dma_start3A_56 = arith.constant 0 : i32
        %dma_start3A_57 = tpu.memref_slice %arg5[%arg1, %dma_start3A_55, %dma_start3A_56] : memref<16x66x128xi32, #tpu.memory_space<hbm>> -> memref<1x66x128xi32, #tpu.memory_space<hbm>>
        %dma_start3A_58 = tpu.memref_squeeze %dma_start3A_57 : memref<1x66x128xi32, #tpu.memory_space<hbm>> -> memref<66x128xi32, #tpu.memory_space<hbm>>
        %dma_start3A_59 = arith.constant 0 : i32
        %dma_start3A_60 = arith.constant 0 : i32
        %dma_start3A_61 = tpu.memref_slice %arg8[%dma_start3A_59, %dma_start3A_60] : memref<91x128xi32, #tpu.memory_space<vmem>> -> memref<66x128xi32, #tpu.memory_space<vmem>>
        %dma_start3A_62 = arith.constant 0 : i32
        %dma_start3A_63 = arith.constant 0 : i32
        %dma_start3A_64 = tpu.memref_slice %arg5[%arg1, %dma_start3A_62, %dma_start3A_63] : memref<16x66x128xi32, #tpu.memory_space<hbm>> -> memref<1x66x128xi32, #tpu.memory_space<hbm>>
        %dma_start3A_65 = tpu.memref_squeeze %dma_start3A_64 : memref<1x66x128xi32, #tpu.memory_space<hbm>> -> memref<66x128xi32, #tpu.memory_space<hbm>>
        tpu.enqueue_dma source(%dma_start3A_65 : memref<66x128xi32, #tpu.memory_space<hbm>>) target(%dma_start3A_61 : memref<66x128xi32, #tpu.memory_space<vmem>>) target_semaphore(%run_scoped3A : memref<!tpu.dma_semaphore, #tpu.memory_space<semaphore_mem>>)
        %dma_wait3A = arith.constant 0 : i32
        %dma_wait3A_66 = arith.constant 0 : i32
        %dma_wait3A_67 = tpu.memref_slice %arg8[%dma_wait3A, %dma_wait3A_66] : memref<91x128xi32, #tpu.memory_space<vmem>> -> memref<66x128xi32, #tpu.memory_space<vmem>>
        %dma_wait3A_68 = arith.constant 0 : i32
        %dma_wait3A_69 = arith.constant 0 : i32
        %dma_wait3A_70 = tpu.memref_slice %arg5[%arg1, %dma_wait3A_68, %dma_wait3A_69] : memref<16x66x128xi32, #tpu.memory_space<hbm>> -> memref<1x66x128xi32, #tpu.memory_space<hbm>>
        %dma_wait3A_71 = tpu.memref_squeeze %dma_wait3A_70 : memref<1x66x128xi32, #tpu.memory_space<hbm>> -> memref<66x128xi32, #tpu.memory_space<hbm>>
        %dma_wait3A_72 = arith.constant 0 : i32
        %dma_wait3A_73 = arith.constant 0 : i32
        %dma_wait3A_74 = tpu.memref_slice %arg8[%dma_wait3A_72, %dma_wait3A_73] : memref<91x128xi32, #tpu.memory_space<vmem>> -> memref<66x128xi32, #tpu.memory_space<vmem>>
        %dma_wait3A_75 = arith.constant 0 : i32
        %dma_wait3A_76 = arith.constant 0 : i32
        %dma_wait3A_77 = tpu.memref_slice %arg5[%arg1, %dma_wait3A_75, %dma_wait3A_76] : memref<16x66x128xi32, #tpu.memory_space<hbm>> -> memref<1x66x128xi32, #tpu.memory_space<hbm>>
        %dma_wait3A_78 = tpu.memref_squeeze %dma_wait3A_77 : memref<1x66x128xi32, #tpu.memory_space<hbm>> -> memref<66x128xi32, #tpu.memory_space<hbm>>
        tpu.wait_dma2 semaphore(%run_scoped3A : memref<!tpu.dma_semaphore, #tpu.memory_space<semaphore_mem>>) src(%dma_wait3A_78 : memref<66x128xi32, #tpu.memory_space<hbm>>) dst(%dma_wait3A_74 : memref<66x128xi32, #tpu.memory_space<vmem>>)
        tpu.yield
      }) : () -> ()
      "tpu.region"() ({
        %run_scoped3A = tpu.sem_alloc : memref<!tpu.dma_semaphore, #tpu.memory_space<semaphore_mem>>
        %dma_start3A = arith.constant 0 : i32
        %dma_start3A_53 = arith.constant 0 : i32
        %dma_start3A_54 = tpu.memref_slice %arg9[%dma_start3A, %dma_start3A_53] : memref<91x128xi32, #tpu.memory_space<vmem>> -> memref<66x128xi32, #tpu.memory_space<vmem>>
        %dma_start3A_55 = arith.constant 0 : i32
        %dma_start3A_56 = arith.constant 0 : i32
        %dma_start3A_57 = tpu.memref_slice %arg6[%arg1, %dma_start3A_55, %dma_start3A_56] : memref<16x66x128xi32, #tpu.memory_space<hbm>> -> memref<1x66x128xi32, #tpu.memory_space<hbm>>
        %dma_start3A_58 = tpu.memref_squeeze %dma_start3A_57 : memref<1x66x128xi32, #tpu.memory_space<hbm>> -> memref<66x128xi32, #tpu.memory_space<hbm>>
        %dma_start3A_59 = arith.constant 0 : i32
        %dma_start3A_60 = arith.constant 0 : i32
        %dma_start3A_61 = tpu.memref_slice %arg9[%dma_start3A_59, %dma_start3A_60] : memref<91x128xi32, #tpu.memory_space<vmem>> -> memref<66x128xi32, #tpu.memory_space<vmem>>
        %dma_start3A_62 = arith.constant 0 : i32
        %dma_start3A_63 = arith.constant 0 : i32
        %dma_start3A_64 = tpu.memref_slice %arg6[%arg1, %dma_start3A_62, %dma_start3A_63] : memref<16x66x128xi32, #tpu.memory_space<hbm>> -> memref<1x66x128xi32, #tpu.memory_space<hbm>>
        %dma_start3A_65 = tpu.memref_squeeze %dma_start3A_64 : memref<1x66x128xi32, #tpu.memory_space<hbm>> -> memref<66x128xi32, #tpu.memory_space<hbm>>
        tpu.enqueue_dma source(%dma_start3A_65 : memref<66x128xi32, #tpu.memory_space<hbm>>) target(%dma_start3A_61 : memref<66x128xi32, #tpu.memory_space<vmem>>) target_semaphore(%run_scoped3A : memref<!tpu.dma_semaphore, #tpu.memory_space<semaphore_mem>>)
        %dma_wait3A = arith.constant 0 : i32
        %dma_wait3A_66 = arith.constant 0 : i32
        %dma_wait3A_67 = tpu.memref_slice %arg9[%dma_wait3A, %dma_wait3A_66] : memref<91x128xi32, #tpu.memory_space<vmem>> -> memref<66x128xi32, #tpu.memory_space<vmem>>
        %dma_wait3A_68 = arith.constant 0 : i32
        %dma_wait3A_69 = arith.constant 0 : i32
        %dma_wait3A_70 = tpu.memref_slice %arg6[%arg1, %dma_wait3A_68, %dma_wait3A_69] : memref<16x66x128xi32, #tpu.memory_space<hbm>> -> memref<1x66x128xi32, #tpu.memory_space<hbm>>
        %dma_wait3A_71 = tpu.memref_squeeze %dma_wait3A_70 : memref<1x66x128xi32, #tpu.memory_space<hbm>> -> memref<66x128xi32, #tpu.memory_space<hbm>>
        %dma_wait3A_72 = arith.constant 0 : i32
        %dma_wait3A_73 = arith.constant 0 : i32
        %dma_wait3A_74 = tpu.memref_slice %arg9[%dma_wait3A_72, %dma_wait3A_73] : memref<91x128xi32, #tpu.memory_space<vmem>> -> memref<66x128xi32, #tpu.memory_space<vmem>>
        %dma_wait3A_75 = arith.constant 0 : i32
        %dma_wait3A_76 = arith.constant 0 : i32
        %dma_wait3A_77 = tpu.memref_slice %arg6[%arg1, %dma_wait3A_75, %dma_wait3A_76] : memref<16x66x128xi32, #tpu.memory_space<hbm>> -> memref<1x66x128xi32, #tpu.memory_space<hbm>>
        %dma_wait3A_78 = tpu.memref_squeeze %dma_wait3A_77 : memref<1x66x128xi32, #tpu.memory_space<hbm>> -> memref<66x128xi32, #tpu.memory_space<hbm>>
        tpu.wait_dma2 semaphore(%run_scoped3A : memref<!tpu.dma_semaphore, #tpu.memory_space<semaphore_mem>>) src(%dma_wait3A_78 : memref<66x128xi32, #tpu.memory_space<hbm>>) dst(%dma_wait3A_74 : memref<66x128xi32, #tpu.memory_space<vmem>>)
        tpu.yield
      }) : () -> ()
    } else {
    }
    %barrier3A = arith.constant 0 : index
    tpu.barrier barrier_id(%barrier3A)
    %scan3A_21 = arith.constant 0 : i32
    %scan3A_22 = arith.constant 0 : i32
    %scan3A_23 = arith.constant 66 : i32
    %scan3A_24 = arith.addi %scan3A_22, %scan3A_23 : i32
    %scan3A_25 = arith.constant 1 : i32
    scf.for %scan3A_53 = %scan3A_22 to %scan3A_24 step %scan3A_25  : i32 {
      %dma_start3A = arith.constant 0 : i32
      %dma_start3A_54 = tpu.memref_slice %arg8[%scan3A_53, %dma_start3A] : memref<91x128xi32, #tpu.memory_space<vmem>> -> memref<1x128xi32, #tpu.memory_space<vmem>>
      %dma_start3A_55 = tpu.memref_squeeze %dma_start3A_54 : memref<1x128xi32, #tpu.memory_space<vmem>> -> memref<128xi32, #tpu.memory_space<vmem>>
      %dma_start3A_56 = arith.constant 0 : i32
      %dma_start3A_57 = arith.constant 0 : i32
      %dma_start3A_58 = tpu.memref_slice %arg2[%dma_start3A_56, %dma_start3A_57] : memref<10000x128xf32, #tpu.memory_space<hbm>> -> memref<10000x128xf32, #tpu.memory_space<hbm>>
      tpu.enqueue_indirect_dma source(%dma_start3A_58 : memref<10000x128xf32, #tpu.memory_space<hbm>>) target(%arg10 : memref<128x128xf32, #tpu.memory_space<vmem>>) offsets(%dma_start3A_55 : memref<128xi32, #tpu.memory_space<vmem>>) semaphore(%arg12 : memref<!tpu.dma_semaphore, #tpu.memory_space<semaphore_mem>>)
      %dma_wait3A = arith.constant 0 : i32
      %dma_wait3A_59 = tpu.memref_slice %arg8[%scan3A_53, %dma_wait3A] : memref<91x128xi32, #tpu.memory_space<vmem>> -> memref<1x128xi32, #tpu.memory_space<vmem>>
      %dma_wait3A_60 = tpu.memref_squeeze %dma_wait3A_59 : memref<1x128xi32, #tpu.memory_space<vmem>> -> memref<128xi32, #tpu.memory_space<vmem>>
      %dma_wait3A_61 = arith.constant 0 : i32
      %dma_wait3A_62 = arith.constant 0 : i32
      %dma_wait3A_63 = tpu.memref_slice %arg2[%dma_wait3A_61, %dma_wait3A_62] : memref<10000x128xf32, #tpu.memory_space<hbm>> -> memref<10000x128xf32, #tpu.memory_space<hbm>>
      tpu.wait_indirect_dma semaphore(%arg12 : memref<!tpu.dma_semaphore, #tpu.memory_space<semaphore_mem>>) src(%dma_wait3A_63 : memref<10000x128xf32, #tpu.memory_space<hbm>>) dst(%arg10 : memref<128x128xf32, #tpu.memory_space<vmem>>)
      "tpu.region"() ({
        %run_scoped3A = tpu.sem_alloc : memref<!tpu.dma_semaphore, #tpu.memory_space<semaphore_mem>>
        %dma_start3A_64 = arith.constant 0 : i32
        %dma_start3A_65 = tpu.memref_slice %arg9[%scan3A_53, %dma_start3A_64] : memref<91x128xi32, #tpu.memory_space<vmem>> -> memref<1x128xi32, #tpu.memory_space<vmem>>
        %dma_start3A_66 = tpu.memref_squeeze %dma_start3A_65 : memref<1x128xi32, #tpu.memory_space<vmem>> -> memref<128xi32, #tpu.memory_space<vmem>>
        %dma_start3A_67 = arith.constant 0 : i32
        %dma_start3A_68 = arith.constant 0 : i32
        %dma_start3A_69 = tpu.memref_slice %arg11[%dma_start3A_67, %dma_start3A_68] : memref<10112x128xf32, #tpu.memory_space<vmem_shared>> -> memref<10112x128xf32, #tpu.memory_space<vmem_shared>>
        tpu.enqueue_indirect_dma source(%arg10 : memref<128x128xf32, #tpu.memory_space<vmem>>) target(%dma_start3A_69 : memref<10112x128xf32, #tpu.memory_space<vmem_shared>>) offsets(%dma_start3A_66 : memref<128xi32, #tpu.memory_space<vmem>>) semaphore(%run_scoped3A : memref<!tpu.dma_semaphore, #tpu.memory_space<semaphore_mem>>) {add = true}
        %dma_wait3A_70 = arith.constant 0 : i32
        %dma_wait3A_71 = tpu.memref_slice %arg9[%scan3A_53, %dma_wait3A_70] : memref<91x128xi32, #tpu.memory_space<vmem>> -> memref<1x128xi32, #tpu.memory_space<vmem>>
        %dma_wait3A_72 = tpu.memref_squeeze %dma_wait3A_71 : memref<1x128xi32, #tpu.memory_space<vmem>> -> memref<128xi32, #tpu.memory_space<vmem>>
        %dma_wait3A_73 = arith.constant 0 : i32
        %dma_wait3A_74 = arith.constant 0 : i32
        %dma_wait3A_75 = tpu.memref_slice %arg11[%dma_wait3A_73, %dma_wait3A_74] : memref<10112x128xf32, #tpu.memory_space<vmem_shared>> -> memref<10112x128xf32, #tpu.memory_space<vmem_shared>>
        tpu.wait_indirect_dma semaphore(%run_scoped3A : memref<!tpu.dma_semaphore, #tpu.memory_space<semaphore_mem>>) src(%arg10 : memref<128x128xf32, #tpu.memory_space<vmem>>) dst(%dma_wait3A_75 : memref<10112x128xf32, #tpu.memory_space<vmem_shared>>)
        tpu.yield
      }) : () -> ()
    }
    %scan3A_26 = arith.constant 66 : i32
    %eq3A_27 = arith.constant 0 : i32
    %eq3A_28 = arith.cmpi eq, %arg0, %eq3A_27 : i32
    %convert_element_type3A_29 = arith.extui %eq3A_28 : i1 to i32
    %cond3A_30 = arith.constant 0 : i32
    %cond3A_31 = arith.cmpi ne, %convert_element_type3A_29, %cond3A_30 : i32
    scf.if %cond3A_31 {
      %scan3A_53 = arith.constant 0 : i32
      %scan3A_54 = arith.constant 66 : i32
      %scan3A_55 = arith.constant 25 : i32
      %scan3A_56 = arith.addi %scan3A_54, %scan3A_55 : i32
      %scan3A_57 = arith.constant 1 : i32
      scf.for %scan3A_59 = %scan3A_54 to %scan3A_56 step %scan3A_57  : i32 {
        %dma_start3A = arith.constant 0 : i32
        %dma_start3A_60 = tpu.memref_slice %arg8[%scan3A_59, %dma_start3A] : memref<91x128xi32, #tpu.memory_space<vmem>> -> memref<1x128xi32, #tpu.memory_space<vmem>>
        %dma_start3A_61 = tpu.memref_squeeze %dma_start3A_60 : memref<1x128xi32, #tpu.memory_space<vmem>> -> memref<128xi32, #tpu.memory_space<vmem>>
        %dma_start3A_62 = arith.constant 0 : i32
        %dma_start3A_63 = arith.constant 0 : i32
        %dma_start3A_64 = tpu.memref_slice %arg2[%dma_start3A_62, %dma_start3A_63] : memref<10000x128xf32, #tpu.memory_space<hbm>> -> memref<10000x128xf32, #tpu.memory_space<hbm>>
        tpu.enqueue_indirect_dma source(%dma_start3A_64 : memref<10000x128xf32, #tpu.memory_space<hbm>>) target(%arg10 : memref<128x128xf32, #tpu.memory_space<vmem>>) offsets(%dma_start3A_61 : memref<128xi32, #tpu.memory_space<vmem>>) semaphore(%arg12 : memref<!tpu.dma_semaphore, #tpu.memory_space<semaphore_mem>>)
        %dma_wait3A = arith.constant 0 : i32
        %dma_wait3A_65 = tpu.memref_slice %arg8[%scan3A_59, %dma_wait3A] : memref<91x128xi32, #tpu.memory_space<vmem>> -> memref<1x128xi32, #tpu.memory_space<vmem>>
        %dma_wait3A_66 = tpu.memref_squeeze %dma_wait3A_65 : memref<1x128xi32, #tpu.memory_space<vmem>> -> memref<128xi32, #tpu.memory_space<vmem>>
        %dma_wait3A_67 = arith.constant 0 : i32
        %dma_wait3A_68 = arith.constant 0 : i32
        %dma_wait3A_69 = tpu.memref_slice %arg2[%dma_wait3A_67, %dma_wait3A_68] : memref<10000x128xf32, #tpu.memory_space<hbm>> -> memref<10000x128xf32, #tpu.memory_space<hbm>>
        tpu.wait_indirect_dma semaphore(%arg12 : memref<!tpu.dma_semaphore, #tpu.memory_space<semaphore_mem>>) src(%dma_wait3A_69 : memref<10000x128xf32, #tpu.memory_space<hbm>>) dst(%arg10 : memref<128x128xf32, #tpu.memory_space<vmem>>)
        "tpu.region"() ({
          %run_scoped3A = tpu.sem_alloc : memref<!tpu.dma_semaphore, #tpu.memory_space<semaphore_mem>>
          %dma_start3A_70 = arith.constant 0 : i32
          %dma_start3A_71 = tpu.memref_slice %arg9[%scan3A_59, %dma_start3A_70] : memref<91x128xi32, #tpu.memory_space<vmem>> -> memref<1x128xi32, #tpu.memory_space<vmem>>
          %dma_start3A_72 = tpu.memref_squeeze %dma_start3A_71 : memref<1x128xi32, #tpu.memory_space<vmem>> -> memref<128xi32, #tpu.memory_space<vmem>>
          %dma_start3A_73 = arith.constant 0 : i32
          %dma_start3A_74 = arith.constant 0 : i32
          %dma_start3A_75 = tpu.memref_slice %arg11[%dma_start3A_73, %dma_start3A_74] : memref<10112x128xf32, #tpu.memory_space<vmem_shared>> -> memref<10112x128xf32, #tpu.memory_space<vmem_shared>>
          tpu.enqueue_indirect_dma source(%arg10 : memref<128x128xf32, #tpu.memory_space<vmem>>) target(%dma_start3A_75 : memref<10112x128xf32, #tpu.memory_space<vmem_shared>>) offsets(%dma_start3A_72 : memref<128xi32, #tpu.memory_space<vmem>>) semaphore(%run_scoped3A : memref<!tpu.dma_semaphore, #tpu.memory_space<semaphore_mem>>) {add = true}
          %dma_wait3A_76 = arith.constant 0 : i32
          %dma_wait3A_77 = tpu.memref_slice %arg9[%scan3A_59, %dma_wait3A_76] : memref<91x128xi32, #tpu.memory_space<vmem>> -> memref<1x128xi32, #tpu.memory_space<vmem>>
          %dma_wait3A_78 = tpu.memref_squeeze %dma_wait3A_77 : memref<1x128xi32, #tpu.memory_space<vmem>> -> memref<128xi32, #tpu.memory_space<vmem>>
          %dma_wait3A_79 = arith.constant 0 : i32
          %dma_wait3A_80 = arith.constant 0 : i32
          %dma_wait3A_81 = tpu.memref_slice %arg11[%dma_wait3A_79, %dma_wait3A_80] : memref<10112x128xf32, #tpu.memory_space<vmem_shared>> -> memref<10112x128xf32, #tpu.memory_space<vmem_shared>>
          tpu.wait_indirect_dma semaphore(%run_scoped3A : memref<!tpu.dma_semaphore, #tpu.memory_space<semaphore_mem>>) src(%arg10 : memref<128x128xf32, #tpu.memory_space<vmem>>) dst(%dma_wait3A_81 : memref<10112x128xf32, #tpu.memory_space<vmem_shared>>)
          tpu.yield
        }) : () -> ()
      }
      %scan3A_58 = arith.constant 25 : i32
    } else {
    }
    %barrier3A_32 = arith.constant 0 : index
    tpu.barrier barrier_id(%barrier3A_32)
    %add3A_33 = arith.constant 0 : i32
    %add3A_34 = arith.addi %mul3A_0, %add3A_33 : i32
    "tpu.region"() ({
      %run_scoped3A = tpu.sem_alloc : memref<!tpu.dma_semaphore, #tpu.memory_space<semaphore_mem>>
      %dma_start3A = arith.constant 0 : i32
      %dma_start3A_53 = tpu.memref_slice %arg11[%add3A_34, %dma_start3A] : memref<10112x128xf32, #tpu.memory_space<vmem_shared>> -> memref<128x128xf32, #tpu.memory_space<vmem_shared>>
      %dma_start3A_54 = arith.constant 0 : i32
      %dma_start3A_55 = tpu.memref_slice %arg11[%add3A_34, %dma_start3A_54] : memref<10112x128xf32, #tpu.memory_space<vmem_shared>> -> memref<128x128xf32, #tpu.memory_space<vmem_shared>>
      tpu.enqueue_dma source(%dma_start3A_55 : memref<128x128xf32, #tpu.memory_space<vmem_shared>>) target(%arg10 : memref<128x128xf32, #tpu.memory_space<vmem>>) target_semaphore(%run_scoped3A : memref<!tpu.dma_semaphore, #tpu.memory_space<semaphore_mem>>)
      %dma_wait3A = arith.constant 0 : i32
      %dma_wait3A_56 = tpu.memref_slice %arg11[%add3A_34, %dma_wait3A] : memref<10112x128xf32, #tpu.memory_space<vmem_shared>> -> memref<128x128xf32, #tpu.memory_space<vmem_shared>>
      %dma_wait3A_57 = arith.constant 0 : i32
      %dma_wait3A_58 = tpu.memref_slice %arg11[%add3A_34, %dma_wait3A_57] : memref<10112x128xf32, #tpu.memory_space<vmem_shared>> -> memref<128x128xf32, #tpu.memory_space<vmem_shared>>
      tpu.wait_dma2 semaphore(%run_scoped3A : memref<!tpu.dma_semaphore, #tpu.memory_space<semaphore_mem>>) src(%dma_wait3A_58 : memref<128x128xf32, #tpu.memory_space<vmem_shared>>) dst(%arg10 : memref<128x128xf32, #tpu.memory_space<vmem>>)
      tpu.yield
    }) : () -> ()
    %add3A_35 = arith.constant 0 : i32
    %add3A_36 = arith.addi %mul3A_0, %add3A_35 : i32
    "tpu.region"() ({
      %run_scoped3A = tpu.sem_alloc : memref<!tpu.dma_semaphore, #tpu.memory_space<semaphore_mem>>
      %dma_start3A = arith.constant 0 : i32
      %dma_start3A_53 = tpu.memref_slice %arg7[%arg0, %add3A_36, %dma_start3A] : memref<2x10112x128xf32, #tpu.memory_space<hbm>> -> memref<1x128x128xf32, #tpu.memory_space<hbm>>
      %dma_start3A_54 = tpu.memref_squeeze %dma_start3A_53 : memref<1x128x128xf32, #tpu.memory_space<hbm>> -> memref<128x128xf32, #tpu.memory_space<hbm>>
      %dma_start3A_55 = arith.constant 0 : i32
      %dma_start3A_56 = tpu.memref_slice %arg7[%arg0, %add3A_36, %dma_start3A_55] : memref<2x10112x128xf32, #tpu.memory_space<hbm>> -> memref<1x128x128xf32, #tpu.memory_space<hbm>>
      %dma_start3A_57 = tpu.memref_squeeze %dma_start3A_56 : memref<1x128x128xf32, #tpu.memory_space<hbm>> -> memref<128x128xf32, #tpu.memory_space<hbm>>
      tpu.enqueue_dma source(%arg10 : memref<128x128xf32, #tpu.memory_space<vmem>>) target(%dma_start3A_57 : memref<128x128xf32, #tpu.memory_space<hbm>>) target_semaphore(%run_scoped3A : memref<!tpu.dma_semaphore, #tpu.memory_space<semaphore_mem>>)
      %dma_wait3A = arith.constant 0 : i32
      %dma_wait3A_58 = tpu.memref_slice %arg7[%arg0, %add3A_36, %dma_wait3A] : memref<2x10112x128xf32, #tpu.memory_space<hbm>> -> memref<1x128x128xf32, #tpu.memory_space<hbm>>
      %dma_wait3A_59 = tpu.memref_squeeze %dma_wait3A_58 : memref<1x128x128xf32, #tpu.memory_space<hbm>> -> memref<128x128xf32, #tpu.memory_space<hbm>>
      %dma_wait3A_60 = arith.constant 0 : i32
      %dma_wait3A_61 = tpu.memref_slice %arg7[%arg0, %add3A_36, %dma_wait3A_60] : memref<2x10112x128xf32, #tpu.memory_space<hbm>> -> memref<1x128x128xf32, #tpu.memory_space<hbm>>
      %dma_wait3A_62 = tpu.memref_squeeze %dma_wait3A_61 : memref<1x128x128xf32, #tpu.memory_space<hbm>> -> memref<128x128xf32, #tpu.memory_space<hbm>>
      tpu.wait_dma2 semaphore(%run_scoped3A : memref<!tpu.dma_semaphore, #tpu.memory_space<semaphore_mem>>) src(%arg10 : memref<128x128xf32, #tpu.memory_space<vmem>>) dst(%dma_wait3A_62 : memref<128x128xf32, #tpu.memory_space<hbm>>)
      tpu.yield
    }) : () -> ()
    %add3A_37 = arith.constant 128 : i32
    %add3A_38 = arith.addi %mul3A_0, %add3A_37 : i32
    "tpu.region"() ({
      %run_scoped3A = tpu.sem_alloc : memref<!tpu.dma_semaphore, #tpu.memory_space<semaphore_mem>>
      %dma_start3A = arith.constant 0 : i32
      %dma_start3A_53 = tpu.memref_slice %arg11[%add3A_38, %dma_start3A] : memref<10112x128xf32, #tpu.memory_space<vmem_shared>> -> memref<128x128xf32, #tpu.memory_space<vmem_shared>>
      %dma_start3A_54 = arith.constant 0 : i32
      %dma_start3A_55 = tpu.memref_slice %arg11[%add3A_38, %dma_start3A_54] : memref<10112x128xf32, #tpu.memory_space<vmem_shared>> -> memref<128x128xf32, #tpu.memory_space<vmem_shared>>
      tpu.enqueue_dma source(%dma_start3A_55 : memref<128x128xf32, #tpu.memory_space<vmem_shared>>) target(%arg10 : memref<128x128xf32, #tpu.memory_space<vmem>>) target_semaphore(%run_scoped3A : memref<!tpu.dma_semaphore, #tpu.memory_space<semaphore_mem>>)
      %dma_wait3A = arith.constant 0 : i32
      %dma_wait3A_56 = tpu.memref_slice %arg11[%add3A_38, %dma_wait3A] : memref<10112x128xf32, #tpu.memory_space<vmem_shared>> -> memref<128x128xf32, #tpu.memory_space<vmem_shared>>
      %dma_wait3A_57 = arith.constant 0 : i32
      %dma_wait3A_58 = tpu.memref_slice %arg11[%add3A_38, %dma_wait3A_57] : memref<10112x128xf32, #tpu.memory_space<vmem_shared>> -> memref<128x128xf32, #tpu.memory_space<vmem_shared>>
      tpu.wait_dma2 semaphore(%run_scoped3A : memref<!tpu.dma_semaphore, #tpu.memory_space<semaphore_mem>>) src(%dma_wait3A_58 : memref<128x128xf32, #tpu.memory_space<vmem_shared>>) dst(%arg10 : memref<128x128xf32, #tpu.memory_space<vmem>>)
      tpu.yield
    }) : () -> ()
    %add3A_39 = arith.constant 128 : i32
    %add3A_40 = arith.addi %mul3A_0, %add3A_39 : i32
    "tpu.region"() ({
      %run_scoped3A = tpu.sem_alloc : memref<!tpu.dma_semaphore, #tpu.memory_space<semaphore_mem>>
      %dma_start3A = arith.constant 0 : i32
      %dma_start3A_53 = tpu.memref_slice %arg7[%arg0, %add3A_40, %dma_start3A] : memref<2x10112x128xf32, #tpu.memory_space<hbm>> -> memref<1x128x128xf32, #tpu.memory_space<hbm>>
      %dma_start3A_54 = tpu.memref_squeeze %dma_start3A_53 : memref<1x128x128xf32, #tpu.memory_space<hbm>> -> memref<128x128xf32, #tpu.memory_space<hbm>>
      %dma_start3A_55 = arith.constant 0 : i32
      %dma_start3A_56 = tpu.memref_slice %arg7[%arg0, %add3A_40, %dma_start3A_55] : memref<2x10112x128xf32, #tpu.memory_space<hbm>> -> memref<1x128x128xf32, #tpu.memory_space<hbm>>
      %dma_start3A_57 = tpu.memref_squeeze %dma_start3A_56 : memref<1x128x128xf32, #tpu.memory_space<hbm>> -> memref<128x128xf32, #tpu.memory_space<hbm>>
      tpu.enqueue_dma source(%arg10 : memref<128x128xf32, #tpu.memory_space<vmem>>) target(%dma_start3A_57 : memref<128x128xf32, #tpu.memory_space<hbm>>) target_semaphore(%run_scoped3A : memref<!tpu.dma_semaphore, #tpu.memory_space<semaphore_mem>>)
      %dma_wait3A = arith.constant 0 : i32
      %dma_wait3A_58 = tpu.memref_slice %arg7[%arg0, %add3A_40, %dma_wait3A] : memref<2x10112x128xf32, #tpu.memory_space<hbm>> -> memref<1x128x128xf32, #tpu.memory_space<hbm>>
      %dma_wait3A_59 = tpu.memref_squeeze %dma_wait3A_58 : memref<1x128x128xf32, #tpu.memory_space<hbm>> -> memref<128x128xf32, #tpu.memory_space<hbm>>
      %dma_wait3A_60 = arith.constant 0 : i32
      %dma_wait3A_61 = tpu.memref_slice %arg7[%arg0, %add3A_40, %dma_wait3A_60] : memref<2x10112x128xf32, #tpu.memory_space<hbm>> -> memref<1x128x128xf32, #tpu.memory_space<hbm>>
      %dma_wait3A_62 = tpu.memref_squeeze %dma_wait3A_61 : memref<1x128x128xf32, #tpu.memory_space<hbm>> -> memref<128x128xf32, #tpu.memory_space<hbm>>
      tpu.wait_dma2 semaphore(%run_scoped3A : memref<!tpu.dma_semaphore, #tpu.memory_space<semaphore_mem>>) src(%arg10 : memref<128x128xf32, #tpu.memory_space<vmem>>) dst(%dma_wait3A_62 : memref<128x128xf32, #tpu.memory_space<hbm>>)
      tpu.yield
    }) : () -> ()
    %add3A_41 = arith.constant 256 : i32
    %add3A_42 = arith.addi %mul3A_0, %add3A_41 : i32
    "tpu.region"() ({
      %run_scoped3A = tpu.sem_alloc : memref<!tpu.dma_semaphore, #tpu.memory_space<semaphore_mem>>
      %dma_start3A = arith.constant 0 : i32
      %dma_start3A_53 = tpu.memref_slice %arg11[%add3A_42, %dma_start3A] : memref<10112x128xf32, #tpu.memory_space<vmem_shared>> -> memref<128x128xf32, #tpu.memory_space<vmem_shared>>
      %dma_start3A_54 = arith.constant 0 : i32
      %dma_start3A_55 = tpu.memref_slice %arg11[%add3A_42, %dma_start3A_54] : memref<10112x128xf32, #tpu.memory_space<vmem_shared>> -> memref<128x128xf32, #tpu.memory_space<vmem_shared>>
      tpu.enqueue_dma source(%dma_start3A_55 : memref<128x128xf32, #tpu.memory_space<vmem_shared>>) target(%arg10 : memref<128x128xf32, #tpu.memory_space<vmem>>) target_semaphore(%run_scoped3A : memref<!tpu.dma_semaphore, #tpu.memory_space<semaphore_mem>>)
      %dma_wait3A = arith.constant 0 : i32
      %dma_wait3A_56 = tpu.memref_slice %arg11[%add3A_42, %dma_wait3A] : memref<10112x128xf32, #tpu.memory_space<vmem_shared>> -> memref<128x128xf32, #tpu.memory_space<vmem_shared>>
      %dma_wait3A_57 = arith.constant 0 : i32
      %dma_wait3A_58 = tpu.memref_slice %arg11[%add3A_42, %dma_wait3A_57] : memref<10112x128xf32, #tpu.memory_space<vmem_shared>> -> memref<128x128xf32, #tpu.memory_space<vmem_shared>>
      tpu.wait_dma2 semaphore(%run_scoped3A : memref<!tpu.dma_semaphore, #tpu.memory_space<semaphore_mem>>) src(%dma_wait3A_58 : memref<128x128xf32, #tpu.memory_space<vmem_shared>>) dst(%arg10 : memref<128x128xf32, #tpu.memory_space<vmem>>)
      tpu.yield
    }) : () -> ()
    %add3A_43 = arith.constant 256 : i32
    %add3A_44 = arith.addi %mul3A_0, %add3A_43 : i32
    "tpu.region"() ({
      %run_scoped3A = tpu.sem_alloc : memref<!tpu.dma_semaphore, #tpu.memory_space<semaphore_mem>>
      %dma_start3A = arith.constant 0 : i32
      %dma_start3A_53 = tpu.memref_slice %arg7[%arg0, %add3A_44, %dma_start3A] : memref<2x10112x128xf32, #tpu.memory_space<hbm>> -> memref<1x128x128xf32, #tpu.memory_space<hbm>>
      %dma_start3A_54 = tpu.memref_squeeze %dma_start3A_53 : memref<1x128x128xf32, #tpu.memory_space<hbm>> -> memref<128x128xf32, #tpu.memory_space<hbm>>
      %dma_start3A_55 = arith.constant 0 : i32
      %dma_start3A_56 = tpu.memref_slice %arg7[%arg0, %add3A_44, %dma_start3A_55] : memref<2x10112x128xf32, #tpu.memory_space<hbm>> -> memref<1x128x128xf32, #tpu.memory_space<hbm>>
      %dma_start3A_57 = tpu.memref_squeeze %dma_start3A_56 : memref<1x128x128xf32, #tpu.memory_space<hbm>> -> memref<128x128xf32, #tpu.memory_space<hbm>>
      tpu.enqueue_dma source(%arg10 : memref<128x128xf32, #tpu.memory_space<vmem>>) target(%dma_start3A_57 : memref<128x128xf32, #tpu.memory_space<hbm>>) target_semaphore(%run_scoped3A : memref<!tpu.dma_semaphore, #tpu.memory_space<semaphore_mem>>)
      %dma_wait3A = arith.constant 0 : i32
      %dma_wait3A_58 = tpu.memref_slice %arg7[%arg0, %add3A_44, %dma_wait3A] : memref<2x10112x128xf32, #tpu.memory_space<hbm>> -> memref<1x128x128xf32, #tpu.memory_space<hbm>>
      %dma_wait3A_59 = tpu.memref_squeeze %dma_wait3A_58 : memref<1x128x128xf32, #tpu.memory_space<hbm>> -> memref<128x128xf32, #tpu.memory_space<hbm>>
      %dma_wait3A_60 = arith.constant 0 : i32
      %dma_wait3A_61 = tpu.memref_slice %arg7[%arg0, %add3A_44, %dma_wait3A_60] : memref<2x10112x128xf32, #tpu.memory_space<hbm>> -> memref<1x128x128xf32, #tpu.memory_space<hbm>>
      %dma_wait3A_62 = tpu.memref_squeeze %dma_wait3A_61 : memref<1x128x128xf32, #tpu.memory_space<hbm>> -> memref<128x128xf32, #tpu.memory_space<hbm>>
      tpu.wait_dma2 semaphore(%run_scoped3A : memref<!tpu.dma_semaphore, #tpu.memory_space<semaphore_mem>>) src(%arg10 : memref<128x128xf32, #tpu.memory_space<vmem>>) dst(%dma_wait3A_62 : memref<128x128xf32, #tpu.memory_space<hbm>>)
      tpu.yield
    }) : () -> ()
    %add3A_45 = arith.constant 384 : i32
    %add3A_46 = arith.addi %mul3A_0, %add3A_45 : i32
    "tpu.region"() ({
      %run_scoped3A = tpu.sem_alloc : memref<!tpu.dma_semaphore, #tpu.memory_space<semaphore_mem>>
      %dma_start3A = arith.constant 0 : i32
      %dma_start3A_53 = tpu.memref_slice %arg11[%add3A_46, %dma_start3A] : memref<10112x128xf32, #tpu.memory_space<vmem_shared>> -> memref<128x128xf32, #tpu.memory_space<vmem_shared>>
      %dma_start3A_54 = arith.constant 0 : i32
      %dma_start3A_55 = tpu.memref_slice %arg11[%add3A_46, %dma_start3A_54] : memref<10112x128xf32, #tpu.memory_space<vmem_shared>> -> memref<128x128xf32, #tpu.memory_space<vmem_shared>>
      tpu.enqueue_dma source(%dma_start3A_55 : memref<128x128xf32, #tpu.memory_space<vmem_shared>>) target(%arg10 : memref<128x128xf32, #tpu.memory_space<vmem>>) target_semaphore(%run_scoped3A : memref<!tpu.dma_semaphore, #tpu.memory_space<semaphore_mem>>)
      %dma_wait3A = arith.constant 0 : i32
      %dma_wait3A_56 = tpu.memref_slice %arg11[%add3A_46, %dma_wait3A] : memref<10112x128xf32, #tpu.memory_space<vmem_shared>> -> memref<128x128xf32, #tpu.memory_space<vmem_shared>>
      %dma_wait3A_57 = arith.constant 0 : i32
      %dma_wait3A_58 = tpu.memref_slice %arg11[%add3A_46, %dma_wait3A_57] : memref<10112x128xf32, #tpu.memory_space<vmem_shared>> -> memref<128x128xf32, #tpu.memory_space<vmem_shared>>
      tpu.wait_dma2 semaphore(%run_scoped3A : memref<!tpu.dma_semaphore, #tpu.memory_space<semaphore_mem>>) src(%dma_wait3A_58 : memref<128x128xf32, #tpu.memory_space<vmem_shared>>) dst(%arg10 : memref<128x128xf32, #tpu.memory_space<vmem>>)
      tpu.yield
    }) : () -> ()
    %add3A_47 = arith.constant 384 : i32
    %add3A_48 = arith.addi %mul3A_0, %add3A_47 : i32
    "tpu.region"() ({
      %run_scoped3A = tpu.sem_alloc : memref<!tpu.dma_semaphore, #tpu.memory_space<semaphore_mem>>
      %dma_start3A = arith.constant 0 : i32
      %dma_start3A_53 = tpu.memref_slice %arg7[%arg0, %add3A_48, %dma_start3A] : memref<2x10112x128xf32, #tpu.memory_space<hbm>> -> memref<1x128x128xf32, #tpu.memory_space<hbm>>
      %dma_start3A_54 = tpu.memref_squeeze %dma_start3A_53 : memref<1x128x128xf32, #tpu.memory_space<hbm>> -> memref<128x128xf32, #tpu.memory_space<hbm>>
      %dma_start3A_55 = arith.constant 0 : i32
      %dma_start3A_56 = tpu.memref_slice %arg7[%arg0, %add3A_48, %dma_start3A_55] : memref<2x10112x128xf32, #tpu.memory_space<hbm>> -> memref<1x128x128xf32, #tpu.memory_space<hbm>>
      %dma_start3A_57 = tpu.memref_squeeze %dma_start3A_56 : memref<1x128x128xf32, #tpu.memory_space<hbm>> -> memref<128x128xf32, #tpu.memory_space<hbm>>
      tpu.enqueue_dma source(%arg10 : memref<128x128xf32, #tpu.memory_space<vmem>>) target(%dma_start3A_57 : memref<128x128xf32, #tpu.memory_space<hbm>>) target_semaphore(%run_scoped3A : memref<!tpu.dma_semaphore, #tpu.memory_space<semaphore_mem>>)
      %dma_wait3A = arith.constant 0 : i32
      %dma_wait3A_58 = tpu.memref_slice %arg7[%arg0, %add3A_48, %dma_wait3A] : memref<2x10112x128xf32, #tpu.memory_space<hbm>> -> memref<1x128x128xf32, #tpu.memory_space<hbm>>
      %dma_wait3A_59 = tpu.memref_squeeze %dma_wait3A_58 : memref<1x128x128xf32, #tpu.memory_space<hbm>> -> memref<128x128xf32, #tpu.memory_space<hbm>>
      %dma_wait3A_60 = arith.constant 0 : i32
      %dma_wait3A_61 = tpu.memref_slice %arg7[%arg0, %add3A_48, %dma_wait3A_60] : memref<2x10112x128xf32, #tpu.memory_space<hbm>> -> memref<1x128x128xf32, #tpu.memory_space<hbm>>
      %dma_wait3A_62 = tpu.memref_squeeze %dma_wait3A_61 : memref<1x128x128xf32, #tpu.memory_space<hbm>> -> memref<128x128xf32, #tpu.memory_space<hbm>>
      tpu.wait_dma2 semaphore(%run_scoped3A : memref<!tpu.dma_semaphore, #tpu.memory_space<semaphore_mem>>) src(%arg10 : memref<128x128xf32, #tpu.memory_space<vmem>>) dst(%dma_wait3A_62 : memref<128x128xf32, #tpu.memory_space<hbm>>)
      tpu.yield
    }) : () -> ()
    %add3A_49 = arith.constant 512 : i32
    %add3A_50 = arith.addi %mul3A_0, %add3A_49 : i32
    "tpu.region"() ({
      %run_scoped3A = tpu.sem_alloc : memref<!tpu.dma_semaphore, #tpu.memory_space<semaphore_mem>>
      %dma_start3A = arith.constant 0 : i32
      %dma_start3A_53 = arith.constant 0 : i32
      %dma_start3A_54 = tpu.memref_slice %arg10[%dma_start3A, %dma_start3A_53] : memref<128x128xf32, #tpu.memory_space<vmem>> -> memref<120x128xf32, #tpu.memory_space<vmem>>
      %dma_start3A_55 = arith.constant 0 : i32
      %dma_start3A_56 = tpu.memref_slice %arg11[%add3A_50, %dma_start3A_55] : memref<10112x128xf32, #tpu.memory_space<vmem_shared>> -> memref<120x128xf32, #tpu.memory_space<vmem_shared>>
      %dma_start3A_57 = arith.constant 0 : i32
      %dma_start3A_58 = arith.constant 0 : i32
      %dma_start3A_59 = tpu.memref_slice %arg10[%dma_start3A_57, %dma_start3A_58] : memref<128x128xf32, #tpu.memory_space<vmem>> -> memref<120x128xf32, #tpu.memory_space<vmem>>
      %dma_start3A_60 = arith.constant 0 : i32
      %dma_start3A_61 = tpu.memref_slice %arg11[%add3A_50, %dma_start3A_60] : memref<10112x128xf32, #tpu.memory_space<vmem_shared>> -> memref<120x128xf32, #tpu.memory_space<vmem_shared>>
      tpu.enqueue_dma source(%dma_start3A_61 : memref<120x128xf32, #tpu.memory_space<vmem_shared>>) target(%dma_start3A_59 : memref<120x128xf32, #tpu.memory_space<vmem>>) target_semaphore(%run_scoped3A : memref<!tpu.dma_semaphore, #tpu.memory_space<semaphore_mem>>)
      %dma_wait3A = arith.constant 0 : i32
      %dma_wait3A_62 = arith.constant 0 : i32
      %dma_wait3A_63 = tpu.memref_slice %arg10[%dma_wait3A, %dma_wait3A_62] : memref<128x128xf32, #tpu.memory_space<vmem>> -> memref<120x128xf32, #tpu.memory_space<vmem>>
      %dma_wait3A_64 = arith.constant 0 : i32
      %dma_wait3A_65 = tpu.memref_slice %arg11[%add3A_50, %dma_wait3A_64] : memref<10112x128xf32, #tpu.memory_space<vmem_shared>> -> memref<120x128xf32, #tpu.memory_space<vmem_shared>>
      %dma_wait3A_66 = arith.constant 0 : i32
      %dma_wait3A_67 = arith.constant 0 : i32
      %dma_wait3A_68 = tpu.memref_slice %arg10[%dma_wait3A_66, %dma_wait3A_67] : memref<128x128xf32, #tpu.memory_space<vmem>> -> memref<120x128xf32, #tpu.memory_space<vmem>>
      %dma_wait3A_69 = arith.constant 0 : i32
      %dma_wait3A_70 = tpu.memref_slice %arg11[%add3A_50, %dma_wait3A_69] : memref<10112x128xf32, #tpu.memory_space<vmem_shared>> -> memref<120x128xf32, #tpu.memory_space<vmem_shared>>
      tpu.wait_dma2 semaphore(%run_scoped3A : memref<!tpu.dma_semaphore, #tpu.memory_space<semaphore_mem>>) src(%dma_wait3A_70 : memref<120x128xf32, #tpu.memory_space<vmem_shared>>) dst(%dma_wait3A_68 : memref<120x128xf32, #tpu.memory_space<vmem>>)
      tpu.yield
    }) : () -> ()
    %add3A_51 = arith.constant 512 : i32
    %add3A_52 = arith.addi %mul3A_0, %add3A_51 : i32
    "tpu.region"() ({
      %run_scoped3A = tpu.sem_alloc : memref<!tpu.dma_semaphore, #tpu.memory_space<semaphore_mem>>
      %dma_start3A = arith.constant 0 : i32
      %dma_start3A_53 = arith.constant 0 : i32
      %dma_start3A_54 = tpu.memref_slice %arg10[%dma_start3A, %dma_start3A_53] : memref<128x128xf32, #tpu.memory_space<vmem>> -> memref<120x128xf32, #tpu.memory_space<vmem>>
      %dma_start3A_55 = arith.constant 0 : i32
      %dma_start3A_56 = tpu.memref_slice %arg7[%arg0, %add3A_52, %dma_start3A_55] : memref<2x10112x128xf32, #tpu.memory_space<hbm>> -> memref<1x120x128xf32, #tpu.memory_space<hbm>>
      %dma_start3A_57 = tpu.memref_squeeze %dma_start3A_56 : memref<1x120x128xf32, #tpu.memory_space<hbm>> -> memref<120x128xf32, #tpu.memory_space<hbm>>
      %dma_start3A_58 = arith.constant 0 : i32
      %dma_start3A_59 = tpu.memref_slice %arg7[%arg0, %add3A_52, %dma_start3A_58] : memref<2x10112x128xf32, #tpu.memory_space<hbm>> -> memref<1x120x128xf32, #tpu.memory_space<hbm>>
      %dma_start3A_60 = tpu.memref_squeeze %dma_start3A_59 : memref<1x120x128xf32, #tpu.memory_space<hbm>> -> memref<120x128xf32, #tpu.memory_space<hbm>>
      %dma_start3A_61 = arith.constant 0 : i32
      %dma_start3A_62 = arith.constant 0 : i32
      %dma_start3A_63 = tpu.memref_slice %arg10[%dma_start3A_61, %dma_start3A_62] : memref<128x128xf32, #tpu.memory_space<vmem>> -> memref<120x128xf32, #tpu.memory_space<vmem>>
      tpu.enqueue_dma source(%dma_start3A_63 : memref<120x128xf32, #tpu.memory_space<vmem>>) target(%dma_start3A_60 : memref<120x128xf32, #tpu.memory_space<hbm>>) target_semaphore(%run_scoped3A : memref<!tpu.dma_semaphore, #tpu.memory_space<semaphore_mem>>)
      %dma_wait3A = arith.constant 0 : i32
      %dma_wait3A_64 = arith.constant 0 : i32
      %dma_wait3A_65 = tpu.memref_slice %arg10[%dma_wait3A, %dma_wait3A_64] : memref<128x128xf32, #tpu.memory_space<vmem>> -> memref<120x128xf32, #tpu.memory_space<vmem>>
      %dma_wait3A_66 = arith.constant 0 : i32
      %dma_wait3A_67 = tpu.memref_slice %arg7[%arg0, %add3A_52, %dma_wait3A_66] : memref<2x10112x128xf32, #tpu.memory_space<hbm>> -> memref<1x120x128xf32, #tpu.memory_space<hbm>>
      %dma_wait3A_68 = tpu.memref_squeeze %dma_wait3A_67 : memref<1x120x128xf32, #tpu.memory_space<hbm>> -> memref<120x128xf32, #tpu.memory_space<hbm>>
      %dma_wait3A_69 = arith.constant 0 : i32
      %dma_wait3A_70 = tpu.memref_slice %arg7[%arg0, %add3A_52, %dma_wait3A_69] : memref<2x10112x128xf32, #tpu.memory_space<hbm>> -> memref<1x120x128xf32, #tpu.memory_space<hbm>>
      %dma_wait3A_71 = tpu.memref_squeeze %dma_wait3A_70 : memref<1x120x128xf32, #tpu.memory_space<hbm>> -> memref<120x128xf32, #tpu.memory_space<hbm>>
      %dma_wait3A_72 = arith.constant 0 : i32
      %dma_wait3A_73 = arith.constant 0 : i32
      %dma_wait3A_74 = tpu.memref_slice %arg10[%dma_wait3A_72, %dma_wait3A_73] : memref<128x128xf32, #tpu.memory_space<vmem>> -> memref<120x128xf32, #tpu.memory_space<vmem>>
      tpu.wait_dma2 semaphore(%run_scoped3A : memref<!tpu.dma_semaphore, #tpu.memory_space<semaphore_mem>>) src(%dma_wait3A_74 : memref<120x128xf32, #tpu.memory_space<vmem>>) dst(%dma_wait3A_71 : memref<120x128xf32, #tpu.memory_space<hbm>>)
      tpu.yield
    }) : () -> ()
    return
  }
}

module attributes {stable_mosaic.version = 14 : i64} {
  func.func @_mm_body(%arg0: memref<10000x128xf32, #tpu.memory_space<vmem>>, %arg1: memref<128x128xf32, #tpu.memory_space<vmem>>, %arg2: memref<10000x128xf32, #tpu.memory_space<vmem>>) attributes {dimension_semantics = [], scalar_prefetch = 0 : i64, scratch_operands = 0 : i64, tpu.core_type = #tpu.core_type<tc>} {
    %get3A = arith.constant 0 : index
    %get3A_0 = arith.constant 0 : index
    %get3A_1 = vector.load %arg0[%get3A, %get3A_0] : memref<10000x128xf32, #tpu.memory_space<vmem>>, vector<10000x128xf32>
    %get3A_2 = arith.constant 0 : index
    %get3A_3 = arith.constant 0 : index
    %get3A_4 = vector.load %arg1[%get3A_2, %get3A_3] : memref<128x128xf32, #tpu.memory_space<vmem>>, vector<128x128xf32>
    %dot_general3A = arith.constant dense<0.000000e+00> : vector<10000x128xf32>
    %dot_general3A_5 = tpu.matmul %get3A_1, %get3A_4, %dot_general3A {dimension_numbers = #tpu.dot_dimension_numbers<[1], [0], [0], [1], [0, 0, 1, 1], [], []>, transpose_lhs_hint = false} : vector<10000x128xf32>, vector<128x128xf32>, vector<10000x128xf32> -> vector<10000x128xf32>
    %swap3A = arith.constant 0 : index
    %swap3A_6 = arith.constant 0 : index
    %swap3A_7 = vector.load %arg2[%swap3A, %swap3A_6] : memref<10000x128xf32, #tpu.memory_space<vmem>>, vector<10000x128xf32>
    tpu.vector_store %arg2[%swap3A, %swap3A_6], %dot_general3A_5 {strides = array<i32>} : memref<10000x128xf32, #tpu.memory_space<vmem>>, vector<10000x128xf32>,
    return
  }
}

module attributes {stable_mosaic.version = 14 : i64} {
  func.func @_fused_body(%arg0: memref<2x10112x128xf32, #tpu.memory_space<vmem>>, %arg1: memref<10000x128xf32, #tpu.memory_space<vmem>>, %arg2: memref<128x128xf32, #tpu.memory_space<vmem>>, %arg3: memref<10000x128xf32, #tpu.memory_space<vmem>>) attributes {dimension_semantics = [], scalar_prefetch = 0 : i64, scratch_operands = 0 : i64, tpu.core_type = #tpu.core_type<tc>} {
    %get3A = arith.constant 0 : index
    %get3A_0 = arith.constant 0 : index
    %get3A_1 = arith.constant 0 : index
    %get3A_2 = vector.load %arg0[%get3A, %get3A_0, %get3A_1] : memref<2x10112x128xf32, #tpu.memory_space<vmem>>, vector<1x10000x128xf32>
    %get3A_3 = vector.shape_cast %get3A_2 : vector<1x10000x128xf32> to vector<10000x128xf32>
    %get3A_4 = arith.constant 1 : index
    %get3A_5 = arith.constant 0 : index
    %get3A_6 = arith.constant 0 : index
    %get3A_7 = vector.load %arg0[%get3A_4, %get3A_5, %get3A_6] : memref<2x10112x128xf32, #tpu.memory_space<vmem>>, vector<1x10000x128xf32>
    %get3A_8 = vector.shape_cast %get3A_7 : vector<1x10000x128xf32> to vector<10000x128xf32>
    %add3A = arith.addf %get3A_3, %get3A_8 : vector<10000x128xf32>
    %get3A_9 = arith.constant 0 : index
    %get3A_10 = arith.constant 0 : index
    %get3A_11 = vector.load %arg1[%get3A_9, %get3A_10] : memref<10000x128xf32, #tpu.memory_space<vmem>>, vector<10000x128xf32>
    %add3A_12 = arith.addf %add3A, %get3A_11 : vector<10000x128xf32>
    %max3A = arith.constant 0.000000e+00 : f32
    %max3A_13 = vector.broadcast %max3A : f32 to vector<10000x128xf32>
    %max3A_14 = arith.maximumf %add3A_12, %max3A_13 : vector<10000x128xf32>
    %get3A_15 = arith.constant 0 : index
    %get3A_16 = arith.constant 0 : index
    %get3A_17 = vector.load %arg2[%get3A_15, %get3A_16] : memref<128x128xf32, #tpu.memory_space<vmem>>, vector<128x128xf32>
    %dot_general3A = arith.constant dense<0.000000e+00> : vector<10000x128xf32>
    %dot_general3A_18 = tpu.matmul %max3A_14, %get3A_17, %dot_general3A {dimension_numbers = #tpu.dot_dimension_numbers<[1], [0], [0], [1], [0, 0, 1, 1], [], []>, transpose_lhs_hint = false} : vector<10000x128xf32>, vector<128x128xf32>, vector<10000x128xf32> -> vector<10000x128xf32>
    %swap3A = arith.constant 0 : index
    %swap3A_19 = arith.constant 0 : index
    %swap3A_20 = vector.load %arg3[%swap3A, %swap3A_19] : memref<10000x128xf32, #tpu.memory_space<vmem>>, vector<10000x128xf32>
    tpu.vector_store %arg3[%swap3A, %swap3A_19], %dot_general3A_18 {strides = array<i32>} : memref<10000x128xf32, #tpu.memory_space<vmem>>, vector<10000x128xf32>,
    return
  }
}

module attributes {stable_mosaic.version = 14 : i64} {
  func.func @_final_body(%arg0: memref<2x10112x128xf32, #tpu.memory_space<vmem>>, %arg1: memref<10000x128xf32, #tpu.memory_space<vmem>>, %arg2: memref<10000x128xf32, #tpu.memory_space<vmem>>, %arg3: memref<1x128xf32, #tpu.memory_space<vmem>>) attributes {dimension_semantics = [], scalar_prefetch = 0 : i64, scratch_operands = 0 : i64, tpu.core_type = #tpu.core_type<tc>} {
    %get3A = arith.constant 0 : index
    %get3A_0 = arith.constant 0 : index
    %get3A_1 = arith.constant 0 : index
    %get3A_2 = vector.load %arg0[%get3A, %get3A_0, %get3A_1] : memref<2x10112x128xf32, #tpu.memory_space<vmem>>, vector<1x10000x128xf32>
    %get3A_3 = vector.shape_cast %get3A_2 : vector<1x10000x128xf32> to vector<10000x128xf32>
    %get3A_4 = arith.constant 1 : index
    %get3A_5 = arith.constant 0 : index
    %get3A_6 = arith.constant 0 : index
    %get3A_7 = vector.load %arg0[%get3A_4, %get3A_5, %get3A_6] : memref<2x10112x128xf32, #tpu.memory_space<vmem>>, vector<1x10000x128xf32>
    %get3A_8 = vector.shape_cast %get3A_7 : vector<1x10000x128xf32> to vector<10000x128xf32>
    %add3A = arith.addf %get3A_3, %get3A_8 : vector<10000x128xf32>
    %get3A_9 = arith.constant 0 : index
    %get3A_10 = arith.constant 0 : index
    %get3A_11 = vector.load %arg1[%get3A_9, %get3A_10] : memref<10000x128xf32, #tpu.memory_space<vmem>>, vector<10000x128xf32>
    %add3A_12 = arith.addf %add3A, %get3A_11 : vector<10000x128xf32>
    %swap3A = arith.constant 0 : index
    %swap3A_13 = arith.constant 0 : index
    %swap3A_14 = vector.load %arg2[%swap3A, %swap3A_13] : memref<10000x128xf32, #tpu.memory_space<vmem>>, vector<10000x128xf32>
    tpu.vector_store %arg2[%swap3A, %swap3A_13], %add3A_12 {strides = array<i32>} : memref<10000x128xf32, #tpu.memory_space<vmem>>, vector<10000x128xf32>,
    %reduce_sum3A = arith.constant dense<0.000000e+00> : vector<128xf32>
    %reduce_sum3A_15 = vector.multi_reduction <add>, %add3A_12, %reduce_sum3A [0] : vector<10000x128xf32> to vector<128xf32>
    %broadcast_in_dim3A = vector.shape_cast %reduce_sum3A_15 : vector<128xf32> to vector<1x128xf32>
    %swap3A_16 = arith.constant 0 : index
    %swap3A_17 = arith.constant 0 : index
    %swap3A_18 = vector.load %arg3[%swap3A_16, %swap3A_17] : memref<1x128xf32, #tpu.memory_space<vmem>>, vector<1x128xf32>
    tpu.vector_store %arg3[%swap3A_16, %swap3A_17], %broadcast_in_dim3A {strides = array<i32>} : memref<1x128xf32, #tpu.memory_space<vmem>>, vector<1x128xf32>,
    return
  }
}

</mosaic_0001>

<sc_bundles>
// kernel: kernel.12.cloned.1.call-start
scs
__scs_entry_jumppad:
0x0: {  	(pc) =	sbr.rel $0x88, $3  }
0x1: {  	(tag) =	ssettag $0x0;
	lr =	simm.s32 $0x1  }
0x2: {  	[smem:$0x3F9C] =	sst lr;
	_ =	strace $0xD0000000  }
0x3: {  	_ = 	snop  }
0x4: {  	_ = 	snop  }
0x5: {  	_ = 	snop  }
0x6: {  	_ = 	snop  }
0x7: {  	_ = 	snop  }
__scs_overlays_trampoline_lowered:
0x8: {  	[smem:$0x3FAB] =	sst s0  }
0x9: {  	[smem:$0x3FAC] =	sst s1  }
0xa: {  	[smem:$0x3FAD] =	sst s2  }
0xb: {  	[smem:$0x3FAE] =	sst s3  }
0xc: {  	[smem:$0x3FAF] =	sst s4  }
0xd: {  	[smem:$0x3FB0] =	sst s5  }
0xe: {  	[smem:$0x3FB1] =	sst s6  }
0xf: {  	[smem:$0x3FB2] =	sst s7  }
0x10: {  	[smem:$0x3FB3] =	sst s8  }
0x11: {  	[smem:$0x3FB4] =	sst s9;
	s0 =	simm.s32 @!p0 $0x0  }
0x12: {  	s1 =	sld [smem:$0x3F9A];
	s0 =	simm.s32 @p0 $0x1  }
0x13: {  	[smem:$0x3FB5] =	sst s0;
	s0 =	simm.s32 @!p1 $0x0  }
0x14: {  	s2 =	sld [smem:$0x3F99];
	s0 =	simm.s32 @p1 $0x1  }
0x15: {  	[smem:$0x3FB6] =	sst s0;
	s0 =	simm.s32 @!p2 $0x0  }
0x16: {  	s3 =	sld [smem:$0x3FDB];
	s0 =	simm.s32 @p2 $0x1  }
0x17: {  	s4 =	simm.s32 $0x1BF5;
	[smem:$0x3FB8] =	sst s0  }
0x18: {  	s0 =	sld [smem:$0x3F9B];
	_ =	swait.ge [sflag:s4], $0x0  }
0x19: {  	s7 =	sld [smem:$0x3F9C]  }
0x1a: {  	s8 =	sadd.s32 $0xFFFFE003, lr  }
0x1b: {  	s9 =	sadd.s32 $0xFFFFFEF7, lr;
	s5 =	simm.s32 $0xFFFFFFFF;
	p2 =	slt.u32 s8, $0xFFFFF086  }
0x1c: {  	p1 =	slt.u32 s9, $0xF7A;
	s5 =	simm.s32 @!p2 $0x0  }
0x1d: {  	s5 =	simm.s32 @p1 $0x1;
	p0 =	seq.s32 s7, s2  }
0x1e: {  	s7 =	smul.u32 @!p0 $0xF7A, s2;
	p2 =	seq.s32 @!p0 s5, $0x0  }
0x1f: {  	s9 =	smul.u32 $0xF7A, s1;
	s8 =	simm.s32 @!p0 $0x1BF5;
	p2 =	por !p2, p0  }
0x20: {  	[sflag:s8] =	ssyncset.s32 @!p0 $0xFFFFF086;
	s6 =	sadd.s32 @!p0 s3, s7;
	s7 =	simm.s32 @!p0 $0x108  }
0x21: {  	s3 =	sadd.s32 s3, s9;
	s6 =	sadd.s32 @!p0 $0x88, s6;
	s7 =	simm.s32 @p2 $0x1082  }
0x22: {  	[simem:s7], [sflag:s8] =	dma.local @!p0 [hbm:s6], $0xF7A  }
0x23: {  	s9 =	sor.u32 $0xD0000000, s2;
	s6 =	simm.s32 $0x108;
	_ =	swait.ge @!p0 [sflag:s8], $0x0  }
0x24: {  	s3 =	sadd.s32 $0x88, s3;
	s6 =	simm.s32 @!p1 $0x1082;
	[sflag:s4] =	ssyncset.s32 $0xFFFFF086  }
0x25: {  	[simem:s6], [sflag:s4] =	dma.local [hbm:s3], $0xF7A  }
0x26: {  	[smem:$0x3F9C] =	sst s1;
	(tag) =	ssettag s2;
	_ =	strace s9  }
0x27: {  	s1 =	sld [smem:$0x3FAC]  }
0x28: {  	s2 =	sld [smem:$0x3FAD]  }
0x29: {  	s4 =	sld [smem:$0x3FAF]  }
0x2a: {  	p0 =	seq.s32 s5, $0x0;
	s5 =	sld [smem:$0x3FB0]  }
0x2b: {  	s6 =	sld [smem:$0x3FB1]  }
0x2c: {  	s7 =	sld [smem:$0x3FB2]  }
0x2d: {  	s3 =	simm.s32 $0x108;
	s8 =	sld [smem:$0x3FB3]  }
0x2e: {  	s3 =	simm.s32 @!p0 $0x1082;
	s9 =	sld [smem:$0x3FB4]  }
0x2f: {  	lr =	sadd.s32 s0, s3;
	s0 =	sld [smem:$0x3FAB]  }
0x30: {  	s3 =	sld [smem:$0x3FAE]  }
0x31: {  	[smem:$0x3FB7] =	sst s10  }
0x32: {  	s10 =	sld [smem:$0x3FB5];
	_ =	sdelay $0x3  }
0x33: {  	p0 =	seq.s32 s10, $0x1;
	s10 =	sld [smem:$0x3FB7];
	_ =	sdelay $0x3  }
0x34: {  	[smem:$0x3FB7] =	sst s10  }
0x35: {  	s10 =	sld [smem:$0x3FB6];
	_ =	sdelay $0x3  }
0x36: {  	p1 =	seq.s32 s10, $0x1;
	s10 =	sld [smem:$0x3FB7];
	_ =	sdelay $0x3  }
0x37: {  	[smem:$0x3FB7] =	sst s10  }
0x38: {  	s10 =	sld [smem:$0x3FB8]  }
0x39: {  	_ = 	snop;
	(pc) =	sbr.ind lr, $3  }
0x3a: {  	_ = 	snop  }
0x3b: {  	_ = 	snop  }
0x3c: {  	p2 =	seq.s32 s10, $0x1;
	s10 =	sld [smem:$0x3FB7]  }
0x3d: {  	_ =	shalt  }
0x3e: {  	_ =	shalt  }
0x3f: {  	_ =	shalt  }
0x40: {  	_ =	shalt  }
0x41: {  	_ =	shalt  }
0x42: {  	_ =	shalt  }
0x43: {  	_ =	shalt  }
0x44: {  	_ =	shalt  }
0x45: {  	_ =	shalt  }
0x46: {  	_ =	shalt  }
0x47: {  	_ =	shalt  }
0x48: {  	_ =	shalt  }
0x49: {  	_ =	shalt  }
0x4a: {  	_ =	shalt  }
0x4b: {  	_ =	shalt  }
0x4c: {  	_ =	shalt  }
0x4d: {  	_ =	shalt  }
0x4e: {  	_ =	shalt  }
0x4f: {  	_ =	shalt  }
0x50: {  	_ =	shalt  }
0x51: {  	_ =	shalt  }
0x52: {  	_ =	shalt  }
0x53: {  	_ =	shalt  }
0x54: {  	_ =	shalt  }
0x55: {  	_ =	shalt  }
0x56: {  	_ =	shalt  }
0x57: {  	_ =	shalt  }
0x58: {  	_ =	shalt  }
0x59: {  	_ =	shalt  }
0x5a: {  	_ =	shalt  }
0x5b: {  	_ =	shalt  }
0x5c: {  	_ =	shalt  }
0x5d: {  	_ =	shalt  }
0x5e: {  	_ =	shalt  }
0x5f: {  	_ =	shalt  }
0x60: {  	_ =	shalt  }
0x61: {  	_ =	shalt  }
0x62: {  	_ =	shalt  }
0x63: {  	_ =	shalt  }
0x64: {  	_ =	shalt  }
0x65: {  	_ =	shalt  }
0x66: {  	_ =	shalt  }
0x67: {  	_ =	shalt  }
0x68: {  	_ =	shalt  }
0x69: {  	_ =	shalt  }
0x6a: {  	_ =	shalt  }
0x6b: {  	_ =	shalt  }
0x6c: {  	_ =	shalt  }
0x6d: {  	_ =	shalt  }
0x6e: {  	_ =	shalt  }
0x6f: {  	_ =	shalt  }
0x70: {  	_ =	shalt  }
0x71: {  	_ =	shalt  }
0x72: {  	_ =	shalt  }
0x73: {  	_ =	shalt  }
0x74: {  	_ =	shalt  }
0x75: {  	_ =	shalt  }
0x76: {  	_ =	shalt  }
0x77: {  	_ =	shalt  }
0x78: {  	_ =	shalt  }
0x79: {  	_ =	shalt  }
0x7a: {  	_ =	shalt  }
0x7b: {  	_ =	shalt  }
0x7c: {  	_ =	shalt  }
0x7d: {  	_ =	shalt  }
0x7e: {  	_ =	shalt  }
0x7f: {  	_ =	shalt  }
0x80: {  	_ =	shalt  }
0x81: {  	_ =	shalt  }
0x82: {  	_ =	shalt  }
0x83: {  	_ =	shalt  }
0x84: {  	_ =	shalt  }
0x85: {  	_ =	shalt  }
0x86: {  	_ =	shalt  }
0x87: {  	_ =	shalt  }
.Lfunc_end0:
.L_simem_size_0:
called_computation.1_lowered:
.L_overlay_start_0:
0x88: {  	s2 =	sld [smem:$0x3FD9]  }
0x89: {  	s3 =	sld [smem:$0x3FFE];
	_ =	sdelay $0x1  }
0x8a: {  	s1 =	srdreg.scid  }
0x8b: {  	s0 =	sand.u32 $0x1, s1  }
0x8c: {  	s14 =	sshll.u32 s0, $0xA;
	s2 =	sadd.s32 s3, s2  }
0x8d: {  	s2 =	sadd.s32 s2, s14  }
0x8e: {  	[smem:$0x3FC3] =	sst s2  }
0x8f: {  	_ = 	snop  }
0x90: {  	s2 =	sld [smem:$0x3FD0];
	_ =	sdelay $0x2  }
0x91: {  	s15 =	simm.s32 $0xA;
	s4 =	simm.s32 $0x10  }
0x92: {  	[smem:s4], [sflag:s15] =	dma.local [hbm:s2], $0x1  }
0x93: {  	_ =	swait.eq [sflag:s15], $0x1  }
0x94: {  	[sflag:s15] =	ssyncset.done $0x0  }
0x95: {  	[sflag:s15] =	ssyncadd.s32 $0xFFFFFFFF  }
0x96: {  	s16 =	sld [smem:$0x10];
	(tm) =	ssettm $0x1  }
0x97: {  	s17 =	sld [smem:$0x3FFB];
	_ =	sdelay $0x3  }
0x98: {  	_ =	strace s17  }
0x99: {  	s3 =	sld [smem:$0x3FFC];
	_ =	sdelay $0x3  }
0x9a: {  	_ =	strace s3  }
0x9b: {  	s3 =	sld [smem:$0x3FFD];
	_ =	sdelay $0x3  }
0x9c: {  	_ =	strace s3  }
0x9d: {  	_ =	strace $0x8FFFFFFF  }
0x9e: {  	s18 =	sld [smem:$0x3FDB];
	_ =	sdelay $0x1  }
0x9f: {  	s19 =	simm.s32 $_scs_section_size  }
0xa0: {  	s5 =	simm.s32 $_size__tile_overlayer_lowered;
	s6 =	simm.s32 $_tile_overlayer_lowered  }
0xa1: {  	s22 =	simm.s32 $0x1BFF;
	s21 =	sshll.u32 s6, $0x1;
	s3 =	sadd.s32 s19, s18  }
0xa2: {  	s7 =	simm.s32 $0x0;
	s20 =	sshll.u32 s5, $0x1;
	s5 =	sadd.s32 s21, s3  }
0xa3: {  	[timem:s7], [sflag:s22] =	dma.local [hbm:s5], s20  }
0xa4: {  	_ =	swait.ge [sflag:s22], s20  }
0xa5: {  	s4 =	ssub.s32 $0x0, s20;
	[sflag:s22] =	ssyncset.done $0x0  }
0xa6: {  	[sflag:s22] =	ssyncadd.s32 s4;
	_ =	sdelay $0x1  }
0xa7: {  	s23 =	simm.s32 $0x1B8B  }
0xa8: {  	_ =	swait.ge [sflag:s23], $0x1  }
0xa9: {  	[sflag:s23] =	ssyncset.done $0x0  }
0xaa: {  	s25 =	simm.s32 $0x1B8E;
	s24 =	sld [smem:$0x3FFE];
	[sflag:s23] =	ssyncadd.s32 $0xFFFFFFFF  }
0xab: {  	s26 =	simm.s32 $execute0_lowered;
	[smem:$0x3FD2] =	sst s25  }
0xac: {  	s5 =	sshll.u32 s26, $0x1;
	_ =	strace $0x80000049;
	[dreg:$0x1] =	wrdreg $0xFFFFFFFF  }
0xad: {  	s28 =	simm.s32 $_size_execute0_lowered;
	s3 =	sadd.s32 s3, s5;
	[dreg:$0x0] =	wrdreg $0x0  }
0xae: {  	s5 =	sshll.u32 s28, $0x1;
	[dreg:$0x2] =	wrdreg s3  }
0xaf: {  	[dreg:$0x3] =	wrdreg s5  }
0xb0: {  	[dreg:$0x4] =	wrdreg $0xC0  }
0xb1: {  	_ =	task [dreg:s7], $0x5FFFF  }
0xb2: {  	[dreg:$0x1] =	wrdreg $0xFFFFFFFF  }
0xb3: {  	[dreg:$0x0] =	wrdreg $0x60  }
0xb4: {  	[dreg:$0x2] =	wrdreg s16  }
0xb5: {  	[dreg:$0x3] =	wrdreg s24  }
0xb6: {  	[dreg:$0x4] =	wrdreg $0xA0000  }
0xb7: {  	[dreg:$0x5] =	wrdreg $0x9  }
0xb8: {  	_ =	task.clear_ibuf [dreg:s7], $0x6FFFF;
	_ =	strace $0x90000049  }
0xb9: {  	s29 =	simm.s32 $0x9;
	_ =	strace $0x8000004B  }
0xba: {  	_ =	swait.ge [sflag:s29], $0x1  }
0xbb: {  	[sflag:s29] =	ssyncadd.s32 $0xFFFFFFFF  }
0xbc: {  	_ =	strace $0x9000004B  }
0xbd: {  	_ =	sfence  }
0xbe: {  	s30 =	sld [smem:$0x0];
	_ =	sdelay $0x2  }
0xbf: {  	s31 =	sshll.u32 s1, $0xD;
	s1 =	sshrl.u32 s1, $0x2  }
0xc0: {  	s3 =	sand.u32 $0x4000, s31;
	s1 =	sadd.s32 s1, s30  }
0xc1: {  	s0 =	sor.u32 s3, s0;
	s1 =	sshll.u32 s1, $0x11  }
0xc2: {  	s0 =	sor.u32 s1, s0  }
0xc3: {  	s0 =	sadd.s32 $0x8F2B, s0  }
0xc4: {  	[sflag:s0] =	ssyncadd.remote.s32 $0x1  }
0xc5: {  	_ =	sfence.sel $0xFFFF  }
0xc6: {  	[dreg:$0x0] =	wrdreg $0xFFFFFFFF;
	(pc) =	sbr.abs _section_cstart, $3  }
0xc7: {  	[dreg:$0x1] =	wrdreg $0xFFFFFFFF  }
0xc8: {  	_ =	task.clear_ibuf [dreg:s7], $0x2FFFF;
	_ =	strace $0x9FFFFFFF  }
0xc9: {  	(tm) =	ssettm $0x7FFFFFFF  }
tec
execute0_lowered:
.L_overlay_start_1:
0x0: {  	(tag) =	ssettag $0x1  }
0x1: {  	s1 =	rddreg [dreg:$0x0]  }
0x2: {  	s5 =	rddreg [dreg:$0x1]  }
0x3: {  	s3 =	rddreg [dreg:$0x2];
	s2 =	stileid.u32  }
0x4: {  	s0 =	rddreg [dreg:$0x3];
	s4 =	simm.s32 $0x0;
	s6 =	smul.u32 $0x600, s2  }
0x5: {  	s7 =	srdreg.scid;
	s23 =	simm.s32 $0x1;
	s8 =	smul.u32 $0x480, s2  }
0x6: {  	s24 =	simm.s32 $0x0;
	[smem:$0x7FF] =	sst s4;
	s29 =	smul.u32 $0x4F000, s2  }
0x7: {  	s20 =	sand.u32 $0x1, s7;
	s14 =	smul.u32 $0x13C00, s2;
	s18 =	sadd.s32 $0x16A00, s5  }
0x8: {  	_ =	strace $0x8000004A;
	s28 =	ssub.s32 $0x2, s20;
	s22 =	smul.u32 $0x13C000, s20  }
0x9: {  	p0 =	sne.s32 s20, $0x0;
	s20 =	simm.s32 $0x6000;
	s13 =	sadd.s32 s6, s5  }
0xa: {  	s11 =	sadd.s32 s8, s5;
	s30 =	sshrl.u32 s28, $0x1;
	s31 =	sshrl.u32 s29, $0x2  }
0xb: {  	s15 =	sadd.s32 $0x4000, s14;
	s16 =	sadd.s32 $0x8000, s14;
	s17 =	sadd.s32 $0xC000, s14  }
0xc: {  	s21 =	sadd.s32 $0x10000, s14;
	s19 =	ssub.s32 s28, s30;
	s5 =	sadd.s32 s31, s3  }
0xd: {  	s6 =	sadd.s32 s15, s3;
	s7 =	sadd.s32 s16, s3;
	s8 =	sadd.s32 s17, s3  }
0xe: {  	s9 =	sadd.s32 s21, s3;
	s10 =	sadd.s32 $0x1A00, s11;
	s11 =	sadd.s32 $0x6200, s11  }
0xf: {  	s12 =	sadd.s32 $0xAA00, s13;
	s14 =	sadd.s32 s14, s22;
	s15 =	sadd.s32 s22, s15  }
0x10: {  	s13 =	sadd.s32 $0x10A00, s13;
	s16 =	sadd.s32 s22, s16;
	s17 =	sadd.s32 s22, s17  }
.Ltmp0:
0x11: {  	s21 =	sadd.s32 s22, s21;
	s22 =	simm.s32 $0x80;
	(pc) =	sbr.rel .LBB2_1-.Ltmp0, $4  }
0x12: {  	s14 =	sshrl.u32 s14, $0x3;
	s15 =	sshrl.u32 s15, $0x3;
	s16 =	sshrl.u32 s16, $0x3  }
0x13: {  	s17 =	sshrl.u32 s17, $0x3;
	s21 =	sshrl.u32 s21, $0x3;
	s19 =	smax.u32 s19, $0x1  }
0x14: {  	s14 =	sadd.s32 s18, s14;
	s15 =	sadd.s32 s18, s15;
	s16 =	sadd.s32 s18, s16  }
0x15: {  	v0 =	vimm.f32 $0.0e+00;
	s17 =	sadd.s32 s18, s17;
	s18 =	sadd.s32 s18, s21;
	s21 =	simm.s32 $0x2  }
.LBB2_8:
0x16: {  	s26 =	sadd.s32 $0x2100, s25;
	[sflag:s21] =	ssyncadd.s32 $0xFFFFC000  }
0x17: {  	[tilespmem:s20], [sflag:$0x1] =	stream.indirect.gather [hbm4b:s1+s22], $0x80, s26, s22, $0xb8;
	[tilespmem:$0x1DC00] =	vst v63  }
0x18: {  	_ =	swait.ge [sflag:s23], $0x4000  }
0x19: {  	[sflag:s23] =	ssyncset.done $0x0  }
0x1a: {  	s31 =	sadd.s32 $0x5100, s25;
	[sflag:s23] =	ssyncadd.s32 $0xFFFFC000  }
0x1b: {  	[spmem:s3] =	stream.indirect.scatter.add.f32 [tilespmem:s20], [sflag:$0x2], $0x80, s31, s22, $0xb8;
	[tilespmem:$0x1DC00] =	vst v63  }
0x1c: {  	_ =	swait.ge [sflag:s21], $0x4000  }
0x1d: {  	[sflag:s21] =	ssyncset.done $0x0  }
0x1e: {  	[sflag:s21] =	ssyncadd.s32 $0xFFFFC000  }
.LBB2_9:
0x1f: {  	[bflag:$0x0] =	sbarrier.arrive $0xFFFF  }
0x20: {  	[tilespmem:s20], [sflag:$0x2] =	stream.linear.gather [spmem:s5], $0x4000, $0x38;
	[tilespmem:$0x1DC00] =	vst v63  }
0x21: {  	_ =	swait.ge [sflag:s21], $0x4000  }
0x22: {  	[sflag:s21] =	ssyncset.done $0x0  }
0x23: {  	[sflag:s21] =	ssyncadd.s32 $0xFFFFC000  }
0x24: {  	[hbm4b:s14+s4] =	stream.linear.scatter [tilespmem:s20], [sflag:$0x2], $0x4000, $0x38;
	[tilespmem:$0x1DC00] =	vst v63  }
0x25: {  	_ =	swait.ge [sflag:s21], $0x4000  }
0x26: {  	[sflag:s21] =	ssyncset.done $0x0  }
0x27: {  	[sflag:s21] =	ssyncadd.s32 $0xFFFFC000  }
0x28: {  	[tilespmem:s20], [sflag:$0x2] =	stream.linear.gather [spmem:s6], $0x4000, $0x38;
	[tilespmem:$0x1DC00] =	vst v63  }
0x29: {  	_ =	swait.ge [sflag:s21], $0x4000  }
0x2a: {  	[sflag:s21] =	ssyncset.done $0x0  }
0x2b: {  	[sflag:s21] =	ssyncadd.s32 $0xFFFFC000  }
0x2c: {  	[hbm4b:s15+s4] =	stream.linear.scatter [tilespmem:s20], [sflag:$0x2], $0x4000, $0x38;
	[tilespmem:$0x1DC00] =	vst v63  }
0x2d: {  	_ =	swait.ge [sflag:s21], $0x4000  }
0x2e: {  	[sflag:s21] =	ssyncset.done $0x0  }
0x2f: {  	[sflag:s21] =	ssyncadd.s32 $0xFFFFC000  }
0x30: {  	[tilespmem:s20], [sflag:$0x2] =	stream.linear.gather [spmem:s7], $0x4000, $0x38;
	[tilespmem:$0x1DC00] =	vst v63  }
0x31: {  	_ =	swait.ge [sflag:s21], $0x4000  }
0x32: {  	[sflag:s21] =	ssyncset.done $0x0  }
0x33: {  	[sflag:s21] =	ssyncadd.s32 $0xFFFFC000  }
0x34: {  	[hbm4b:s16+s4] =	stream.linear.scatter [tilespmem:s20], [sflag:$0x2], $0x4000, $0x38;
	[tilespmem:$0x1DC00] =	vst v63  }
0x35: {  	_ =	swait.ge [sflag:s21], $0x4000  }
0x36: {  	[sflag:s21] =	ssyncset.done $0x0  }
0x37: {  	[sflag:s21] =	ssyncadd.s32 $0xFFFFC000  }
0x38: {  	[tilespmem:s20], [sflag:$0x2] =	stream.linear.gather [spmem:s8], $0x4000, $0x38;
	[tilespmem:$0x1DC00] =	vst v63  }
0x39: {  	_ =	swait.ge [sflag:s21], $0x4000  }
0x3a: {  	[sflag:s21] =	ssyncset.done $0x0  }
0x3b: {  	[sflag:s21] =	ssyncadd.s32 $0xFFFFC000  }
0x3c: {  	[hbm4b:s17+s4] =	stream.linear.scatter [tilespmem:s20], [sflag:$0x2], $0x4000, $0x38;
	[tilespmem:$0x1DC00] =	vst v63  }
0x3d: {  	_ =	swait.ge [sflag:s21], $0x4000  }
0x3e: {  	[sflag:s21] =	ssyncset.done $0x0  }
0x3f: {  	[sflag:s21] =	ssyncadd.s32 $0xFFFFC000  }
0x40: {  	[tilespmem:s20], [sflag:$0x2] =	stream.linear.gather [spmem:s9], $0x3C00, $0x38;
	[tilespmem:$0x1DC00] =	vst v63  }
0x41: {  	s24 =	sadd.s32 $0x1, s24;
	_ =	swait.ge [sflag:s21], $0x3C00  }
0x42: {  	p1 =	sne.s32 s24, s19;
	[sflag:s21] =	ssyncset.done $0x0  }
.Ltmp1:
0x43: {  	[sflag:s21] =	ssyncadd.s32 $0xFFFFC400;
	(pc) =	sbr.rel @!p1 .LBB2_10-.Ltmp1, $4  }
0x44: {  	[hbm4b:s18+s4] =	stream.linear.scatter [tilespmem:s20], [sflag:$0x2], $0x3C00, $0x38;
	[tilespmem:$0x1DC00] =	vst v63  }
0x45: {  	_ =	swait.ge [sflag:s21], $0x3C00  }
0x46: {  	[sflag:s21] =	ssyncset.done $0x0  }
0x47: {  	[sflag:s21] =	ssyncadd.s32 $0xFFFFC400  }
.LBB2_1:
0x48: {  	s25 =	simm.s32 $0x0;
	s26 =	simm.s32 $0x200  }
.LBB2_2:
0x49: {  	p1 =	sne.s32 s26, $0xFE00;
	[tilespmem:s25+$0x6070] =	vst v0  }
0x4a: {  	[tilespmem:s25+$0x6000] =	vst v0  }
0x4b: {  	[tilespmem:s25+$0x6010] =	vst v0  }
.Ltmp2:
0x4c: {  	[tilespmem:s25+$0x6020] =	vst v0;
	(pc) =	sbr.rel @p1 .LBB2_2-.Ltmp2, $4  }
0x4d: {  	[tilespmem:s25+$0x6030] =	vst v0  }
0x4e: {  	[tilespmem:s25+$0x6040] =	vst v0  }
0x4f: {  	[tilespmem:s25+$0x6050] =	vst v0  }
0x50: {  	[tilespmem:s25+$0x6060] =	vst v0;
	s25 =	sshra.s32 s26, $0x2;
	s26 =	sadd.s32 $0x200, s26  }
0x51: {  	[tilespmem:s25+$0x6070] =	vst v0  }
0x52: {  	[tilespmem:s25+$0x6000] =	vst v0  }
0x53: {  	[tilespmem:s25+$0x6010] =	vst v0  }
0x54: {  	[tilespmem:s25+$0x6020] =	vst v0  }
0x55: {  	[tilespmem:s25+$0x6030] =	vst v0  }
0x56: {  	[tilespmem:s25+$0x6040] =	vst v0  }
0x57: {  	[tilespmem:s25+$0x6050] =	vst v0  }
0x58: {  	[tilespmem:s25+$0x6060] =	vst v0  }
0x59: {  	[spmem:s5] =	stream.linear.scatter [tilespmem:s20], [sflag:$0x2], $0x4000, $0x38;
	[tilespmem:$0x1DC00] =	vst v63  }
0x5a: {  	_ =	swait.ge [sflag:s21], $0x4000  }
0x5b: {  	[sflag:s21] =	ssyncset.done $0x0  }
0x5c: {  	[sflag:s21] =	ssyncadd.s32 $0xFFFFC000  }
0x5d: {  	[spmem:s6] =	stream.linear.scatter [tilespmem:s20], [sflag:$0x2], $0x4000, $0x38;
	[tilespmem:$0x1DC00] =	vst v63  }
0x5e: {  	_ =	swait.ge [sflag:s21], $0x4000  }
0x5f: {  	[sflag:s21] =	ssyncset.done $0x0  }
0x60: {  	[sflag:s21] =	ssyncadd.s32 $0xFFFFC000  }
0x61: {  	[spmem:s7] =	stream.linear.scatter [tilespmem:s20], [sflag:$0x2], $0x4000, $0x38;
	[tilespmem:$0x1DC00] =	vst v63  }
0x62: {  	_ =	swait.ge [sflag:s21], $0x4000  }
0x63: {  	[sflag:s21] =	ssyncset.done $0x0  }
0x64: {  	[sflag:s21] =	ssyncadd.s32 $0xFFFFC000  }
0x65: {  	[spmem:s8] =	stream.linear.scatter [tilespmem:s20], [sflag:$0x2], $0x4000, $0x38;
	[tilespmem:$0x1DC00] =	vst v63  }
0x66: {  	_ =	swait.ge [sflag:s21], $0x4000  }
0x67: {  	[sflag:s21] =	ssyncset.done $0x0  }
0x68: {  	[sflag:s21] =	ssyncadd.s32 $0xFFFFC000  }
0x69: {  	[spmem:s9] =	stream.linear.scatter [tilespmem:s20], [sflag:$0x2], $0x3C00, $0x38;
	[tilespmem:$0x1DC00] =	vst v63  }
0x6a: {  	_ =	swait.ge [sflag:s21], $0x3C00  }
0x6b: {  	[sflag:s21] =	ssyncset.done $0x0  }
0x6c: {  	s25 =	simm.s32 @p0 $0x0;
	s26 =	simm.s32 @p0 $0x2;
	[sflag:s21] =	ssyncadd.s32 $0xFFFFC400  }
0x6d: {  	[tilespmem:s25], [sflag:$0x2] =	stream.linear.gather @p0 [hbm4b:s10+s25], $0x2100, $0x38;
	[tilespmem:$0x1DC00] =	vst v63  }
0x6e: {  	_ =	swait.ge @p0 [sflag:s26], $0x2100  }
0x6f: {  	[sflag:s26] =	ssyncset.done @p0 $0x0  }
0x70: {  	s28 =	simm.s32 @p0 $0x3000;
	[sflag:s26] =	ssyncadd.s32 @p0 $0xFFFFDF00  }
0x71: {  	[tilespmem:s28], [sflag:$0x2] =	stream.linear.gather @p0 [hbm4b:s11+s25], $0x2100, $0x38;
	[tilespmem:$0x1DC00] =	vst v63  }
0x72: {  	_ =	swait.ge @p0 [sflag:s26], $0x2100  }
0x73: {  	[sflag:s26] =	ssyncset.done @p0 $0x0  }
0x74: {  	s25 =	simm.s32 @!p0 $0x0;
	[sflag:s26] =	ssyncadd.s32 @p0 $0xFFFFDF00;
	s26 =	simm.s32 @!p0 $0x2  }
0x75: {  	[tilespmem:s25], [sflag:$0x2] =	stream.linear.gather @!p0 [hbm4b:s12+s25], $0x2D80, $0x38;
	[tilespmem:$0x1DC00] =	vst v63  }
0x76: {  	_ =	swait.ge @!p0 [sflag:s26], $0x2D80  }
0x77: {  	[sflag:s26] =	ssyncset.done @!p0 $0x0  }
0x78: {  	s28 =	simm.s32 @!p0 $0x3000;
	[sflag:s26] =	ssyncadd.s32 @!p0 $0xFFFFD280  }
0x79: {  	[tilespmem:s28], [sflag:$0x2] =	stream.linear.gather @!p0 [hbm4b:s13+s25], $0x2D80, $0x38;
	[tilespmem:$0x1DC00] =	vst v63  }
0x7a: {  	_ =	swait.ge @!p0 [sflag:s26], $0x2D80  }
0x7b: {  	[sflag:s26] =	ssyncset.done @!p0 $0x0  }
0x7c: {  	[sflag:s26] =	ssyncadd.s32 @!p0 $0xFFFFD280  }
0x7d: {  	s30 =	simm.s32 $0x0;
	[bflag:$0x0] =	sbarrier.arrive $0xFFFF  }
0x7e: {  	[tilespmem:s20], [sflag:$0x1] =	stream.indirect.gather [hbm4b:s1+s22], $0x80, s30, s22, $0xb8;
	[tilespmem:$0x1DC00] =	vst v63  }
0x7f: {  	_ =	swait.ge [sflag:s23], $0x4000  }
0x80: {  	[sflag:s23] =	ssyncset.done $0x0  }
0x81: {  	s31 =	simm.s32 $0x3000;
	[sflag:s23] =	ssyncadd.s32 $0xFFFFC000  }
0x82: {  	[spmem:s3] =	stream.indirect.scatter.add.f32 [tilespmem:s20], [sflag:$0x2], $0x80, s31, s22, $0xb8;
	[tilespmem:$0x1DC00] =	vst v63  }
0x83: {  	_ =	swait.ge [sflag:s21], $0x4000  }
0x84: {  	s25 =	simm.s32 $0x200;
	s26 =	simm.s32 $0x400;
	[sflag:s21] =	ssyncset.done $0x0  }
.LBB2_4:
0x85: {  	s28 =	sshra.s32 s25, $0x2  }
0x86: {  	[sflag:s21] =	ssyncadd.s32 $0xFFFFC000;
	s25 =	smov.u32 s26;
	s29 =	sadd.s32 $0x200, s26  }
0x87: {  	[tilespmem:s20], [sflag:$0x1] =	stream.indirect.gather [hbm4b:s1+s22], $0x80, s28, s22, $0xb8;
	[tilespmem:$0x1DC00] =	vst v63  }
0x88: {  	p1 =	sne.s32 s26, $0x8200;
	_ =	swait.ge [sflag:s23], $0x4000  }
.Ltmp3:
0x89: {  	[sflag:s23] =	ssyncset.done $0x0;
	(pc) =	sbr.rel @p1 .LBB2_4-.Ltmp3, $4  }
0x8a: {  	s26 =	sadd.s32 $0x3000, s28;
	[sflag:s23] =	ssyncadd.s32 $0xFFFFC000  }
0x8b: {  	[spmem:s3] =	stream.indirect.scatter.add.f32 [tilespmem:s20], [sflag:$0x2], $0x80, s26, s22, $0xb8;
	[tilespmem:$0x1DC00] =	vst v63  }
0x8c: {  	_ =	swait.ge [sflag:s21], $0x4000  }
0x8d: {  	s26 =	smov.u32 s29;
	[sflag:s21] =	ssyncset.done $0x0  }
0x8e: {  	s25 =	sshra.s32 s25, $0x2;
	[sflag:s21] =	ssyncadd.s32 $0xFFFFC000  }
0x8f: {  	[tilespmem:s20], [sflag:$0x1] =	stream.indirect.gather [hbm4b:s1+s22], $0x80, s25, s22, $0xb8;
	[tilespmem:$0x1DC00] =	vst v63  }
0x90: {  	_ =	swait.ge [sflag:s23], $0x4000  }
0x91: {  	[sflag:s23] =	ssyncset.done $0x0  }
.Ltmp4:
0x92: {  	s25 =	sadd.s32 $0x3000, s25;
	[sflag:s23] =	ssyncadd.s32 $0xFFFFC000;
	(pc) =	sbr.rel @p0 .LBB2_9-.Ltmp4, $4  }
0x93: {  	[spmem:s3] =	stream.indirect.scatter.add.f32 [tilespmem:s20], [sflag:$0x2], $0x80, s25, s22, $0xb8;
	[tilespmem:$0x1DC00] =	vst v63  }
0x94: {  	_ =	swait.ge [sflag:s21], $0x4000  }
0x95: {  	[sflag:s21] =	ssyncset.done $0x0  }
0x96: {  	[sflag:s21] =	ssyncadd.s32 $0xFFFFC000  }
0x97: {  	s25 =	simm.s32 $0x2100  }
0x98: {  	[tilespmem:s20], [sflag:$0x1] =	stream.indirect.gather [hbm4b:s1+s22], $0x80, s25, s22, $0xb8;
	[tilespmem:$0x1DC00] =	vst v63  }
0x99: {  	_ =	swait.ge [sflag:s23], $0x4000  }
0x9a: {  	[sflag:s23] =	ssyncset.done $0x0  }
0x9b: {  	s31 =	simm.s32 $0x5100;
	[sflag:s23] =	ssyncadd.s32 $0xFFFFC000  }
0x9c: {  	[spmem:s3] =	stream.indirect.scatter.add.f32 [tilespmem:s20], [sflag:$0x2], $0x80, s31, s22, $0xb8;
	[tilespmem:$0x1DC00] =	vst v63  }
0x9d: {  	_ =	swait.ge [sflag:s21], $0x4000  }
0x9e: {  	s26 =	simm.s32 $0x400;
	s25 =	simm.s32 $0x80;
	[sflag:s21] =	ssyncset.done $0x0  }
.LBB2_7:
0x9f: {  	s28 =	sadd.s32 $0x2100, s25  }
0xa0: {  	[sflag:s21] =	ssyncadd.s32 $0xFFFFC000;
	s29 =	smov.u32 s26;
	s30 =	sadd.s32 $0x200, s26  }
0xa1: {  	[tilespmem:s20], [sflag:$0x1] =	stream.indirect.gather [hbm4b:s1+s22], $0x80, s28, s22, $0xb8;
	[tilespmem:$0x1DC00] =	vst v63  }
0xa2: {  	p1 =	sne.s32 s26, $0x3000;
	_ =	swait.ge [sflag:s23], $0x4000  }
.Ltmp5:
0xa3: {  	[sflag:s23] =	ssyncset.done $0x0;
	(pc) =	sbr.rel @p1 .LBB2_7-.Ltmp5, $4  }
0xa4: {  	s25 =	sadd.s32 $0x5100, s25;
	[sflag:s23] =	ssyncadd.s32 $0xFFFFC000  }
0xa5: {  	[spmem:s3] =	stream.indirect.scatter.add.f32 [tilespmem:s20], [sflag:$0x2], $0x80, s25, s22, $0xb8;
	[tilespmem:$0x1DC00] =	vst v63  }
0xa6: {  	_ =	swait.ge [sflag:s21], $0x4000  }
0xa7: {  	s26 =	smov.u32 s30;
	s25 =	sshra.s32 s29, $0x2;
	[sflag:s21] =	ssyncset.done $0x0  }
.Ltmp6:
0xa8: {  	_ = 	snop;
	(pc) =	sbr.rel .LBB2_8-.Ltmp6, $1  }
0xa9: {  	_ =	sdelay $0x3  }
.LBB2_10:
0xaa: {  	_ =	sfence.sel $0x180000  }
0xab: {  	[bflag:$0x0] =	sbarrier.arrive $0xFFFF  }
0xac: {  	p0 =	sne.s32 s2, $0x0;
	_ =	strace $0x9000004A  }
0xad: {  	s0 =	sadd.s32 @!p0 $0x100000, s0;
	[bflag:$0x2] =	sbarrier.arrive $0xFFFF  }
0xae: {  	[sflag:s0] =	ssyncadd.tile.s32 @!p0 $0x1;
	_ =	shalt  }
.Lfunc_end2:
_tile_overlayer_lowered:
.L_overlay_start_2:
0xaf: {  	(tag) =	ssettag $0x2  }
0xb0: {  	s0 =	rddreg [dreg:$0x0];
	s2 =	stileid.u32  }
0xb1: {  	s1 =	rddreg [dreg:$0x1];
	p0 =	sne.s32 s2, $0x0  }
0xb2: {  	s3 =	rddreg [dreg:$0x2];
	[bflag:$0x3] =	sbarrier.arrive $0xFFFF;
	s2 =	simm.s32 @!p0 $0x1C02  }
0xb3: {  	[timem:s3], [sflag:s2] =	dma.local @!p0 [hbm:s0], s1  }
0xb4: {  	s0 =	simm.s32 @!p0 $0x2  }
0xb5: {  	_ =	swait.ge @!p0 [sflag:s0], s1  }
0xb6: {  	s1 =	ssub.s32 @!p0 $0x0, s1;
	[sflag:s0] =	ssyncset.done @!p0 $0x0  }
0xb7: {  	[sflag:s0] =	ssyncadd.s32 @!p0 s1  }
0xb8: {  	[bflag:$0x3] =	sbarrier.arrive $0xFFFF  }
0xb9: {  	_ =	shalt  }

// kernel: kernel.15.cloned.1.call-start
scs
__scs_entry_jumppad:
0x0: {  	(pc) =	sbr.rel $0x88, $3  }
0x1: {  	(tag) =	ssettag $0x0;
	lr =	simm.s32 $0x1  }
0x2: {  	[smem:$0x3F9C] =	sst lr;
	_ =	strace $0xD0000000  }
0x3: {  	_ = 	snop  }
0x4: {  	_ = 	snop  }
0x5: {  	_ = 	snop  }
0x6: {  	_ = 	snop  }
0x7: {  	_ = 	snop  }
__scs_overlays_trampoline_lowered:
0x8: {  	[smem:$0x3FAB] =	sst s0  }
0x9: {  	[smem:$0x3FAC] =	sst s1  }
0xa: {  	[smem:$0x3FAD] =	sst s2  }
0xb: {  	[smem:$0x3FAE] =	sst s3  }
0xc: {  	[smem:$0x3FAF] =	sst s4  }
0xd: {  	[smem:$0x3FB0] =	sst s5  }
0xe: {  	[smem:$0x3FB1] =	sst s6  }
0xf: {  	[smem:$0x3FB2] =	sst s7  }
0x10: {  	[smem:$0x3FB3] =	sst s8  }
0x11: {  	[smem:$0x3FB4] =	sst s9;
	s0 =	simm.s32 @!p0 $0x0  }
0x12: {  	s1 =	sld [smem:$0x3F9A];
	s0 =	simm.s32 @p0 $0x1  }
0x13: {  	[smem:$0x3FB5] =	sst s0;
	s0 =	simm.s32 @!p1 $0x0  }
0x14: {  	s2 =	sld [smem:$0x3F99];
	s0 =	simm.s32 @p1 $0x1  }
0x15: {  	[smem:$0x3FB6] =	sst s0;
	s0 =	simm.s32 @!p2 $0x0  }
0x16: {  	s3 =	sld [smem:$0x3FDB];
	s0 =	simm.s32 @p2 $0x1  }
0x17: {  	s4 =	simm.s32 $0x1BF5;
	[smem:$0x3FB8] =	sst s0  }
0x18: {  	s0 =	sld [smem:$0x3F9B];
	_ =	swait.ge [sflag:s4], $0x0  }
0x19: {  	s7 =	sld [smem:$0x3F9C]  }
0x1a: {  	s8 =	sadd.s32 $0xFFFFE003, lr  }
0x1b: {  	s9 =	sadd.s32 $0xFFFFFEF7, lr;
	s5 =	simm.s32 $0xFFFFFFFF;
	p2 =	slt.u32 s8, $0xFFFFF086  }
0x1c: {  	p1 =	slt.u32 s9, $0xF7A;
	s5 =	simm.s32 @!p2 $0x0  }
0x1d: {  	s5 =	simm.s32 @p1 $0x1;
	p0 =	seq.s32 s7, s2  }
0x1e: {  	s7 =	smul.u32 @!p0 $0xF7A, s2;
	p2 =	seq.s32 @!p0 s5, $0x0  }
0x1f: {  	s9 =	smul.u32 $0xF7A, s1;
	s8 =	simm.s32 @!p0 $0x1BF5;
	p2 =	por !p2, p0  }
0x20: {  	[sflag:s8] =	ssyncset.s32 @!p0 $0xFFFFF086;
	s6 =	sadd.s32 @!p0 s3, s7;
	s7 =	simm.s32 @!p0 $0x108  }
0x21: {  	s3 =	sadd.s32 s3, s9;
	s6 =	sadd.s32 @!p0 $0x88, s6;
	s7 =	simm.s32 @p2 $0x1082  }
0x22: {  	[simem:s7], [sflag:s8] =	dma.local @!p0 [hbm:s6], $0xF7A  }
0x23: {  	s9 =	sor.u32 $0xD0000000, s2;
	s6 =	simm.s32 $0x108;
	_ =	swait.ge @!p0 [sflag:s8], $0x0  }
0x24: {  	s3 =	sadd.s32 $0x88, s3;
	s6 =	simm.s32 @!p1 $0x1082;
	[sflag:s4] =	ssyncset.s32 $0xFFFFF086  }
0x25: {  	[simem:s6], [sflag:s4] =	dma.local [hbm:s3], $0xF7A  }
0x26: {  	[smem:$0x3F9C] =	sst s1;
	(tag) =	ssettag s2;
	_ =	strace s9  }
0x27: {  	s1 =	sld [smem:$0x3FAC]  }
0x28: {  	s2 =	sld [smem:$0x3FAD]  }
0x29: {  	s4 =	sld [smem:$0x3FAF]  }
0x2a: {  	p0 =	seq.s32 s5, $0x0;
	s5 =	sld [smem:$0x3FB0]  }
0x2b: {  	s6 =	sld [smem:$0x3FB1]  }
0x2c: {  	s7 =	sld [smem:$0x3FB2]  }
0x2d: {  	s3 =	simm.s32 $0x108;
	s8 =	sld [smem:$0x3FB3]  }
0x2e: {  	s3 =	simm.s32 @!p0 $0x1082;
	s9 =	sld [smem:$0x3FB4]  }
0x2f: {  	lr =	sadd.s32 s0, s3;
	s0 =	sld [smem:$0x3FAB]  }
0x30: {  	s3 =	sld [smem:$0x3FAE]  }
0x31: {  	[smem:$0x3FB7] =	sst s10  }
0x32: {  	s10 =	sld [smem:$0x3FB5];
	_ =	sdelay $0x3  }
0x33: {  	p0 =	seq.s32 s10, $0x1;
	s10 =	sld [smem:$0x3FB7];
	_ =	sdelay $0x3  }
0x34: {  	[smem:$0x3FB7] =	sst s10  }
0x35: {  	s10 =	sld [smem:$0x3FB6];
	_ =	sdelay $0x3  }
0x36: {  	p1 =	seq.s32 s10, $0x1;
	s10 =	sld [smem:$0x3FB7];
	_ =	sdelay $0x3  }
0x37: {  	[smem:$0x3FB7] =	sst s10  }
0x38: {  	s10 =	sld [smem:$0x3FB8]  }
0x39: {  	_ = 	snop;
	(pc) =	sbr.ind lr, $3  }
0x3a: {  	_ = 	snop  }
0x3b: {  	_ = 	snop  }
0x3c: {  	p2 =	seq.s32 s10, $0x1;
	s10 =	sld [smem:$0x3FB7]  }
0x3d: {  	_ =	shalt  }
0x3e: {  	_ =	shalt  }
0x3f: {  	_ =	shalt  }
0x40: {  	_ =	shalt  }
0x41: {  	_ =	shalt  }
0x42: {  	_ =	shalt  }
0x43: {  	_ =	shalt  }
0x44: {  	_ =	shalt  }
0x45: {  	_ =	shalt  }
0x46: {  	_ =	shalt  }
0x47: {  	_ =	shalt  }
0x48: {  	_ =	shalt  }
0x49: {  	_ =	shalt  }
0x4a: {  	_ =	shalt  }
0x4b: {  	_ =	shalt  }
0x4c: {  	_ =	shalt  }
0x4d: {  	_ =	shalt  }
0x4e: {  	_ =	shalt  }
0x4f: {  	_ =	shalt  }
0x50: {  	_ =	shalt  }
0x51: {  	_ =	shalt  }
0x52: {  	_ =	shalt  }
0x53: {  	_ =	shalt  }
0x54: {  	_ =	shalt  }
0x55: {  	_ =	shalt  }
0x56: {  	_ =	shalt  }
0x57: {  	_ =	shalt  }
0x58: {  	_ =	shalt  }
0x59: {  	_ =	shalt  }
0x5a: {  	_ =	shalt  }
0x5b: {  	_ =	shalt  }
0x5c: {  	_ =	shalt  }
0x5d: {  	_ =	shalt  }
0x5e: {  	_ =	shalt  }
0x5f: {  	_ =	shalt  }
0x60: {  	_ =	shalt  }
0x61: {  	_ =	shalt  }
0x62: {  	_ =	shalt  }
0x63: {  	_ =	shalt  }
0x64: {  	_ =	shalt  }
0x65: {  	_ =	shalt  }
0x66: {  	_ =	shalt  }
0x67: {  	_ =	shalt  }
0x68: {  	_ =	shalt  }
0x69: {  	_ =	shalt  }
0x6a: {  	_ =	shalt  }
0x6b: {  	_ =	shalt  }
0x6c: {  	_ =	shalt  }
0x6d: {  	_ =	shalt  }
0x6e: {  	_ =	shalt  }
0x6f: {  	_ =	shalt  }
0x70: {  	_ =	shalt  }
0x71: {  	_ =	shalt  }
0x72: {  	_ =	shalt  }
0x73: {  	_ =	shalt  }
0x74: {  	_ =	shalt  }
0x75: {  	_ =	shalt  }
0x76: {  	_ =	shalt  }
0x77: {  	_ =	shalt  }
0x78: {  	_ =	shalt  }
0x79: {  	_ =	shalt  }
0x7a: {  	_ =	shalt  }
0x7b: {  	_ =	shalt  }
0x7c: {  	_ =	shalt  }
0x7d: {  	_ =	shalt  }
0x7e: {  	_ =	shalt  }
0x7f: {  	_ =	shalt  }
0x80: {  	_ =	shalt  }
0x81: {  	_ =	shalt  }
0x82: {  	_ =	shalt  }
0x83: {  	_ =	shalt  }
0x84: {  	_ =	shalt  }
0x85: {  	_ =	shalt  }
0x86: {  	_ =	shalt  }
0x87: {  	_ =	shalt  }
.Lfunc_end0:
.L_simem_size_0:
called_computation.2_lowered:
.L_overlay_start_0:
0x88: {  	s2 =	sld [smem:$0x3FD9]  }
0x89: {  	s3 =	sld [smem:$0x3FFE];
	_ =	sdelay $0x1  }
0x8a: {  	s1 =	srdreg.scid  }
0x8b: {  	s0 =	sand.u32 $0x1, s1  }
0x8c: {  	s14 =	sshll.u32 s0, $0xA;
	s2 =	sadd.s32 s3, s2  }
0x8d: {  	s2 =	sadd.s32 s2, s14  }
0x8e: {  	[smem:$0x3FC3] =	sst s2  }
0x8f: {  	_ = 	snop  }
0x90: {  	s2 =	sld [smem:$0x3FD0];
	_ =	sdelay $0x2  }
0x91: {  	s15 =	simm.s32 $0xA;
	s4 =	simm.s32 $0x10  }
0x92: {  	[smem:s4], [sflag:s15] =	dma.local [hbm:s2], $0x1  }
0x93: {  	_ =	swait.eq [sflag:s15], $0x1  }
0x94: {  	[sflag:s15] =	ssyncset.done $0x0  }
0x95: {  	[sflag:s15] =	ssyncadd.s32 $0xFFFFFFFF  }
0x96: {  	s16 =	sld [smem:$0x10];
	(tm) =	ssettm $0x1  }
0x97: {  	s17 =	sld [smem:$0x3FFB];
	_ =	sdelay $0x3  }
0x98: {  	_ =	strace s17  }
0x99: {  	s3 =	sld [smem:$0x3FFC];
	_ =	sdelay $0x3  }
0x9a: {  	_ =	strace s3  }
0x9b: {  	s3 =	sld [smem:$0x3FFD];
	_ =	sdelay $0x3  }
0x9c: {  	_ =	strace s3  }
0x9d: {  	_ =	strace $0x8FFFFFFF  }
0x9e: {  	s18 =	sld [smem:$0x3FDB];
	_ =	sdelay $0x1  }
0x9f: {  	s19 =	simm.s32 $_scs_section_size  }
0xa0: {  	s5 =	simm.s32 $_size__tile_overlayer_lowered;
	s6 =	simm.s32 $_tile_overlayer_lowered  }
0xa1: {  	s22 =	simm.s32 $0x1BFF;
	s21 =	sshll.u32 s6, $0x1;
	s3 =	sadd.s32 s19, s18  }
0xa2: {  	s7 =	simm.s32 $0x0;
	s20 =	sshll.u32 s5, $0x1;
	s5 =	sadd.s32 s21, s3  }
0xa3: {  	[timem:s7], [sflag:s22] =	dma.local [hbm:s5], s20  }
0xa4: {  	_ =	swait.ge [sflag:s22], s20  }
0xa5: {  	s4 =	ssub.s32 $0x0, s20;
	[sflag:s22] =	ssyncset.done $0x0  }
0xa6: {  	[sflag:s22] =	ssyncadd.s32 s4;
	_ =	sdelay $0x1  }
0xa7: {  	s23 =	simm.s32 $0x1B8B  }
0xa8: {  	_ =	swait.ge [sflag:s23], $0x1  }
0xa9: {  	[sflag:s23] =	ssyncset.done $0x0  }
0xaa: {  	s25 =	simm.s32 $0x1B8E;
	s24 =	sld [smem:$0x3FFE];
	[sflag:s23] =	ssyncadd.s32 $0xFFFFFFFF  }
0xab: {  	s26 =	simm.s32 $execute0_lowered;
	[smem:$0x3FD2] =	sst s25  }
0xac: {  	s5 =	sshll.u32 s26, $0x1;
	_ =	strace $0x8000004C;
	[dreg:$0x1] =	wrdreg $0xFFFFFFFF  }
0xad: {  	s28 =	simm.s32 $_size_execute0_lowered;
	s3 =	sadd.s32 s3, s5;
	[dreg:$0x0] =	wrdreg $0x0  }
0xae: {  	s5 =	sshll.u32 s28, $0x1;
	[dreg:$0x2] =	wrdreg s3  }
0xaf: {  	[dreg:$0x3] =	wrdreg s5  }
0xb0: {  	[dreg:$0x4] =	wrdreg $0xC0  }
0xb1: {  	_ =	task [dreg:s7], $0x5FFFF  }
0xb2: {  	[dreg:$0x1] =	wrdreg $0xFFFFFFFF  }
0xb3: {  	[dreg:$0x0] =	wrdreg $0x60  }
0xb4: {  	[dreg:$0x2] =	wrdreg s16  }
0xb5: {  	[dreg:$0x3] =	wrdreg s24  }
0xb6: {  	[dreg:$0x4] =	wrdreg $0xA0000  }
0xb7: {  	[dreg:$0x5] =	wrdreg $0x9  }
0xb8: {  	_ =	task.clear_ibuf [dreg:s7], $0x6FFFF;
	_ =	strace $0x9000004C  }
0xb9: {  	s29 =	simm.s32 $0x9;
	_ =	strace $0x8000004E  }
0xba: {  	_ =	swait.ge [sflag:s29], $0x1  }
0xbb: {  	[sflag:s29] =	ssyncadd.s32 $0xFFFFFFFF  }
0xbc: {  	_ =	strace $0x9000004E  }
0xbd: {  	_ =	sfence  }
0xbe: {  	s30 =	sld [smem:$0x0];
	_ =	sdelay $0x2  }
0xbf: {  	s31 =	sshll.u32 s1, $0xD;
	s1 =	sshrl.u32 s1, $0x2  }
0xc0: {  	s3 =	sand.u32 $0x4000, s31;
	s1 =	sadd.s32 s1, s30  }
0xc1: {  	s0 =	sor.u32 s3, s0;
	s1 =	sshll.u32 s1, $0x11  }
0xc2: {  	s0 =	sor.u32 s1, s0  }
0xc3: {  	s0 =	sadd.s32 $0x8F2B, s0  }
0xc4: {  	[sflag:s0] =	ssyncadd.remote.s32 $0x1  }
0xc5: {  	_ =	sfence.sel $0xFFFF  }
0xc6: {  	[dreg:$0x0] =	wrdreg $0xFFFFFFFF;
	(pc) =	sbr.abs _section_cstart, $3  }
0xc7: {  	[dreg:$0x1] =	wrdreg $0xFFFFFFFF  }
0xc8: {  	_ =	task.clear_ibuf [dreg:s7], $0x2FFFF;
	_ =	strace $0x9FFFFFFF  }
0xc9: {  	(tm) =	ssettm $0x7FFFFFFF  }
tec
execute0_lowered:
.L_overlay_start_1:
0x0: {  	(tag) =	ssettag $0x1  }
0x1: {  	s1 =	rddreg [dreg:$0x0]  }
0x2: {  	s5 =	rddreg [dreg:$0x1]  }
0x3: {  	s3 =	rddreg [dreg:$0x2];
	s2 =	stileid.u32  }
0x4: {  	s0 =	rddreg [dreg:$0x3];
	s4 =	simm.s32 $0x0;
	s6 =	smul.u32 $0x600, s2  }
0x5: {  	s7 =	srdreg.scid;
	s23 =	simm.s32 $0x1;
	s8 =	smul.u32 $0x480, s2  }
0x6: {  	s24 =	simm.s32 $0x0;
	[smem:$0x7FF] =	sst s4;
	s29 =	smul.u32 $0x4F000, s2  }
0x7: {  	s20 =	sand.u32 $0x1, s7;
	s14 =	smul.u32 $0x13C00, s2;
	s18 =	sadd.s32 $0x16A00, s5  }
0x8: {  	_ =	strace $0x8000004D;
	s28 =	ssub.s32 $0x2, s20;
	s22 =	smul.u32 $0x13C000, s20  }
0x9: {  	p0 =	sne.s32 s20, $0x0;
	s20 =	simm.s32 $0x6000;
	s13 =	sadd.s32 s6, s5  }
0xa: {  	s11 =	sadd.s32 s8, s5;
	s30 =	sshrl.u32 s28, $0x1;
	s31 =	sshrl.u32 s29, $0x2  }
0xb: {  	s15 =	sadd.s32 $0x4000, s14;
	s16 =	sadd.s32 $0x8000, s14;
	s17 =	sadd.s32 $0xC000, s14  }
0xc: {  	s21 =	sadd.s32 $0x10000, s14;
	s19 =	ssub.s32 s28, s30;
	s5 =	sadd.s32 s31, s3  }
0xd: {  	s6 =	sadd.s32 s15, s3;
	s7 =	sadd.s32 s16, s3;
	s8 =	sadd.s32 s17, s3  }
0xe: {  	s9 =	sadd.s32 s21, s3;
	s10 =	sadd.s32 $0x1A00, s11;
	s11 =	sadd.s32 $0x6200, s11  }
0xf: {  	s12 =	sadd.s32 $0xAA00, s13;
	s14 =	sadd.s32 s14, s22;
	s15 =	sadd.s32 s22, s15  }
0x10: {  	s13 =	sadd.s32 $0x10A00, s13;
	s16 =	sadd.s32 s22, s16;
	s17 =	sadd.s32 s22, s17  }
.Ltmp0:
0x11: {  	s21 =	sadd.s32 s22, s21;
	s22 =	simm.s32 $0x80;
	(pc) =	sbr.rel .LBB2_1-.Ltmp0, $4  }
0x12: {  	s14 =	sshrl.u32 s14, $0x3;
	s15 =	sshrl.u32 s15, $0x3;
	s16 =	sshrl.u32 s16, $0x3  }
0x13: {  	s17 =	sshrl.u32 s17, $0x3;
	s21 =	sshrl.u32 s21, $0x3;
	s19 =	smax.u32 s19, $0x1  }
0x14: {  	s14 =	sadd.s32 s18, s14;
	s15 =	sadd.s32 s18, s15;
	s16 =	sadd.s32 s18, s16  }
0x15: {  	v0 =	vimm.f32 $0.0e+00;
	s17 =	sadd.s32 s18, s17;
	s18 =	sadd.s32 s18, s21;
	s21 =	simm.s32 $0x2  }
.LBB2_8:
0x16: {  	s26 =	sadd.s32 $0x2100, s25;
	[sflag:s21] =	ssyncadd.s32 $0xFFFFC000  }
0x17: {  	[tilespmem:s20], [sflag:$0x1] =	stream.indirect.gather [hbm4b:s1+s22], $0x80, s26, s22, $0xb8;
	[tilespmem:$0x1DC00] =	vst v63  }
0x18: {  	_ =	swait.ge [sflag:s23], $0x4000  }
0x19: {  	[sflag:s23] =	ssyncset.done $0x0  }
0x1a: {  	s31 =	sadd.s32 $0x5100, s25;
	[sflag:s23] =	ssyncadd.s32 $0xFFFFC000  }
0x1b: {  	[spmem:s3] =	stream.indirect.scatter.add.f32 [tilespmem:s20], [sflag:$0x2], $0x80, s31, s22, $0xb8;
	[tilespmem:$0x1DC00] =	vst v63  }
0x1c: {  	_ =	swait.ge [sflag:s21], $0x4000  }
0x1d: {  	[sflag:s21] =	ssyncset.done $0x0  }
0x1e: {  	[sflag:s21] =	ssyncadd.s32 $0xFFFFC000  }
.LBB2_9:
0x1f: {  	[bflag:$0x0] =	sbarrier.arrive $0xFFFF  }
0x20: {  	[tilespmem:s20], [sflag:$0x2] =	stream.linear.gather [spmem:s5], $0x4000, $0x38;
	[tilespmem:$0x1DC00] =	vst v63  }
0x21: {  	_ =	swait.ge [sflag:s21], $0x4000  }
0x22: {  	[sflag:s21] =	ssyncset.done $0x0  }
0x23: {  	[sflag:s21] =	ssyncadd.s32 $0xFFFFC000  }
0x24: {  	[hbm4b:s14+s4] =	stream.linear.scatter [tilespmem:s20], [sflag:$0x2], $0x4000, $0x38;
	[tilespmem:$0x1DC00] =	vst v63  }
0x25: {  	_ =	swait.ge [sflag:s21], $0x4000  }
0x26: {  	[sflag:s21] =	ssyncset.done $0x0  }
0x27: {  	[sflag:s21] =	ssyncadd.s32 $0xFFFFC000  }
0x28: {  	[tilespmem:s20], [sflag:$0x2] =	stream.linear.gather [spmem:s6], $0x4000, $0x38;
	[tilespmem:$0x1DC00] =	vst v63  }
0x29: {  	_ =	swait.ge [sflag:s21], $0x4000  }
0x2a: {  	[sflag:s21] =	ssyncset.done $0x0  }
0x2b: {  	[sflag:s21] =	ssyncadd.s32 $0xFFFFC000  }
0x2c: {  	[hbm4b:s15+s4] =	stream.linear.scatter [tilespmem:s20], [sflag:$0x2], $0x4000, $0x38;
	[tilespmem:$0x1DC00] =	vst v63  }
0x2d: {  	_ =	swait.ge [sflag:s21], $0x4000  }
0x2e: {  	[sflag:s21] =	ssyncset.done $0x0  }
0x2f: {  	[sflag:s21] =	ssyncadd.s32 $0xFFFFC000  }
0x30: {  	[tilespmem:s20], [sflag:$0x2] =	stream.linear.gather [spmem:s7], $0x4000, $0x38;
	[tilespmem:$0x1DC00] =	vst v63  }
0x31: {  	_ =	swait.ge [sflag:s21], $0x4000  }
0x32: {  	[sflag:s21] =	ssyncset.done $0x0  }
0x33: {  	[sflag:s21] =	ssyncadd.s32 $0xFFFFC000  }
0x34: {  	[hbm4b:s16+s4] =	stream.linear.scatter [tilespmem:s20], [sflag:$0x2], $0x4000, $0x38;
	[tilespmem:$0x1DC00] =	vst v63  }
0x35: {  	_ =	swait.ge [sflag:s21], $0x4000  }
0x36: {  	[sflag:s21] =	ssyncset.done $0x0  }
0x37: {  	[sflag:s21] =	ssyncadd.s32 $0xFFFFC000  }
0x38: {  	[tilespmem:s20], [sflag:$0x2] =	stream.linear.gather [spmem:s8], $0x4000, $0x38;
	[tilespmem:$0x1DC00] =	vst v63  }
0x39: {  	_ =	swait.ge [sflag:s21], $0x4000  }
0x3a: {  	[sflag:s21] =	ssyncset.done $0x0  }
0x3b: {  	[sflag:s21] =	ssyncadd.s32 $0xFFFFC000  }
0x3c: {  	[hbm4b:s17+s4] =	stream.linear.scatter [tilespmem:s20], [sflag:$0x2], $0x4000, $0x38;
	[tilespmem:$0x1DC00] =	vst v63  }
0x3d: {  	_ =	swait.ge [sflag:s21], $0x4000  }
0x3e: {  	[sflag:s21] =	ssyncset.done $0x0  }
0x3f: {  	[sflag:s21] =	ssyncadd.s32 $0xFFFFC000  }
0x40: {  	[tilespmem:s20], [sflag:$0x2] =	stream.linear.gather [spmem:s9], $0x3C00, $0x38;
	[tilespmem:$0x1DC00] =	vst v63  }
0x41: {  	s24 =	sadd.s32 $0x1, s24;
	_ =	swait.ge [sflag:s21], $0x3C00  }
0x42: {  	p1 =	sne.s32 s24, s19;
	[sflag:s21] =	ssyncset.done $0x0  }
.Ltmp1:
0x43: {  	[sflag:s21] =	ssyncadd.s32 $0xFFFFC400;
	(pc) =	sbr.rel @!p1 .LBB2_10-.Ltmp1, $4  }
0x44: {  	[hbm4b:s18+s4] =	stream.linear.scatter [tilespmem:s20], [sflag:$0x2], $0x3C00, $0x38;
	[tilespmem:$0x1DC00] =	vst v63  }
0x45: {  	_ =	swait.ge [sflag:s21], $0x3C00  }
0x46: {  	[sflag:s21] =	ssyncset.done $0x0  }
0x47: {  	[sflag:s21] =	ssyncadd.s32 $0xFFFFC400  }
.LBB2_1:
0x48: {  	s25 =	simm.s32 $0x0;
	s26 =	simm.s32 $0x200  }
.LBB2_2:
0x49: {  	p1 =	sne.s32 s26, $0xFE00;
	[tilespmem:s25+$0x6070] =	vst v0  }
0x4a: {  	[tilespmem:s25+$0x6000] =	vst v0  }
0x4b: {  	[tilespmem:s25+$0x6010] =	vst v0  }
.Ltmp2:
0x4c: {  	[tilespmem:s25+$0x6020] =	vst v0;
	(pc) =	sbr.rel @p1 .LBB2_2-.Ltmp2, $4  }
0x4d: {  	[tilespmem:s25+$0x6030] =	vst v0  }
0x4e: {  	[tilespmem:s25+$0x6040] =	vst v0  }
0x4f: {  	[tilespmem:s25+$0x6050] =	vst v0  }
0x50: {  	[tilespmem:s25+$0x6060] =	vst v0;
	s25 =	sshra.s32 s26, $0x2;
	s26 =	sadd.s32 $0x200, s26  }
0x51: {  	[tilespmem:s25+$0x6070] =	vst v0  }
0x52: {  	[tilespmem:s25+$0x6000] =	vst v0  }
0x53: {  	[tilespmem:s25+$0x6010] =	vst v0  }
0x54: {  	[tilespmem:s25+$0x6020] =	vst v0  }
0x55: {  	[tilespmem:s25+$0x6030] =	vst v0  }
0x56: {  	[tilespmem:s25+$0x6040] =	vst v0  }
0x57: {  	[tilespmem:s25+$0x6050] =	vst v0  }
0x58: {  	[tilespmem:s25+$0x6060] =	vst v0  }
0x59: {  	[spmem:s5] =	stream.linear.scatter [tilespmem:s20], [sflag:$0x2], $0x4000, $0x38;
	[tilespmem:$0x1DC00] =	vst v63  }
0x5a: {  	_ =	swait.ge [sflag:s21], $0x4000  }
0x5b: {  	[sflag:s21] =	ssyncset.done $0x0  }
0x5c: {  	[sflag:s21] =	ssyncadd.s32 $0xFFFFC000  }
0x5d: {  	[spmem:s6] =	stream.linear.scatter [tilespmem:s20], [sflag:$0x2], $0x4000, $0x38;
	[tilespmem:$0x1DC00] =	vst v63  }
0x5e: {  	_ =	swait.ge [sflag:s21], $0x4000  }
0x5f: {  	[sflag:s21] =	ssyncset.done $0x0  }
0x60: {  	[sflag:s21] =	ssyncadd.s32 $0xFFFFC000  }
0x61: {  	[spmem:s7] =	stream.linear.scatter [tilespmem:s20], [sflag:$0x2], $0x4000, $0x38;
	[tilespmem:$0x1DC00] =	vst v63  }
0x62: {  	_ =	swait.ge [sflag:s21], $0x4000  }
0x63: {  	[sflag:s21] =	ssyncset.done $0x0  }
0x64: {  	[sflag:s21] =	ssyncadd.s32 $0xFFFFC000  }
0x65: {  	[spmem:s8] =	stream.linear.scatter [tilespmem:s20], [sflag:$0x2], $0x4000, $0x38;
	[tilespmem:$0x1DC00] =	vst v63  }
0x66: {  	_ =	swait.ge [sflag:s21], $0x4000  }
0x67: {  	[sflag:s21] =	ssyncset.done $0x0  }
0x68: {  	[sflag:s21] =	ssyncadd.s32 $0xFFFFC000  }
0x69: {  	[spmem:s9] =	stream.linear.scatter [tilespmem:s20], [sflag:$0x2], $0x3C00, $0x38;
	[tilespmem:$0x1DC00] =	vst v63  }
0x6a: {  	_ =	swait.ge [sflag:s21], $0x3C00  }
0x6b: {  	[sflag:s21] =	ssyncset.done $0x0  }
0x6c: {  	s25 =	simm.s32 @p0 $0x0;
	s26 =	simm.s32 @p0 $0x2;
	[sflag:s21] =	ssyncadd.s32 $0xFFFFC400  }
0x6d: {  	[tilespmem:s25], [sflag:$0x2] =	stream.linear.gather @p0 [hbm4b:s10+s25], $0x2100, $0x38;
	[tilespmem:$0x1DC00] =	vst v63  }
0x6e: {  	_ =	swait.ge @p0 [sflag:s26], $0x2100  }
0x6f: {  	[sflag:s26] =	ssyncset.done @p0 $0x0  }
0x70: {  	s28 =	simm.s32 @p0 $0x3000;
	[sflag:s26] =	ssyncadd.s32 @p0 $0xFFFFDF00  }
0x71: {  	[tilespmem:s28], [sflag:$0x2] =	stream.linear.gather @p0 [hbm4b:s11+s25], $0x2100, $0x38;
	[tilespmem:$0x1DC00] =	vst v63  }
0x72: {  	_ =	swait.ge @p0 [sflag:s26], $0x2100  }
0x73: {  	[sflag:s26] =	ssyncset.done @p0 $0x0  }
0x74: {  	s25 =	simm.s32 @!p0 $0x0;
	[sflag:s26] =	ssyncadd.s32 @p0 $0xFFFFDF00;
	s26 =	simm.s32 @!p0 $0x2  }
0x75: {  	[tilespmem:s25], [sflag:$0x2] =	stream.linear.gather @!p0 [hbm4b:s12+s25], $0x2D80, $0x38;
	[tilespmem:$0x1DC00] =	vst v63  }
0x76: {  	_ =	swait.ge @!p0 [sflag:s26], $0x2D80  }
0x77: {  	[sflag:s26] =	ssyncset.done @!p0 $0x0  }
0x78: {  	s28 =	simm.s32 @!p0 $0x3000;
	[sflag:s26] =	ssyncadd.s32 @!p0 $0xFFFFD280  }
0x79: {  	[tilespmem:s28], [sflag:$0x2] =	stream.linear.gather @!p0 [hbm4b:s13+s25], $0x2D80, $0x38;
	[tilespmem:$0x1DC00] =	vst v63  }
0x7a: {  	_ =	swait.ge @!p0 [sflag:s26], $0x2D80  }
0x7b: {  	[sflag:s26] =	ssyncset.done @!p0 $0x0  }
0x7c: {  	[sflag:s26] =	ssyncadd.s32 @!p0 $0xFFFFD280  }
0x7d: {  	s30 =	simm.s32 $0x0;
	[bflag:$0x0] =	sbarrier.arrive $0xFFFF  }
0x7e: {  	[tilespmem:s20], [sflag:$0x1] =	stream.indirect.gather [hbm4b:s1+s22], $0x80, s30, s22, $0xb8;
	[tilespmem:$0x1DC00] =	vst v63  }
0x7f: {  	_ =	swait.ge [sflag:s23], $0x4000  }
0x80: {  	[sflag:s23] =	ssyncset.done $0x0  }
0x81: {  	s31 =	simm.s32 $0x3000;
	[sflag:s23] =	ssyncadd.s32 $0xFFFFC000  }
0x82: {  	[spmem:s3] =	stream.indirect.scatter.add.f32 [tilespmem:s20], [sflag:$0x2], $0x80, s31, s22, $0xb8;
	[tilespmem:$0x1DC00] =	vst v63  }
0x83: {  	_ =	swait.ge [sflag:s21], $0x4000  }
0x84: {  	s25 =	simm.s32 $0x200;
	s26 =	simm.s32 $0x400;
	[sflag:s21] =	ssyncset.done $0x0  }
.LBB2_4:
0x85: {  	s28 =	sshra.s32 s25, $0x2  }
0x86: {  	[sflag:s21] =	ssyncadd.s32 $0xFFFFC000;
	s25 =	smov.u32 s26;
	s29 =	sadd.s32 $0x200, s26  }
0x87: {  	[tilespmem:s20], [sflag:$0x1] =	stream.indirect.gather [hbm4b:s1+s22], $0x80, s28, s22, $0xb8;
	[tilespmem:$0x1DC00] =	vst v63  }
0x88: {  	p1 =	sne.s32 s26, $0x8200;
	_ =	swait.ge [sflag:s23], $0x4000  }
.Ltmp3:
0x89: {  	[sflag:s23] =	ssyncset.done $0x0;
	(pc) =	sbr.rel @p1 .LBB2_4-.Ltmp3, $4  }
0x8a: {  	s26 =	sadd.s32 $0x3000, s28;
	[sflag:s23] =	ssyncadd.s32 $0xFFFFC000  }
0x8b: {  	[spmem:s3] =	stream.indirect.scatter.add.f32 [tilespmem:s20], [sflag:$0x2], $0x80, s26, s22, $0xb8;
	[tilespmem:$0x1DC00] =	vst v63  }
0x8c: {  	_ =	swait.ge [sflag:s21], $0x4000  }
0x8d: {  	s26 =	smov.u32 s29;
	[sflag:s21] =	ssyncset.done $0x0  }
0x8e: {  	s25 =	sshra.s32 s25, $0x2;
	[sflag:s21] =	ssyncadd.s32 $0xFFFFC000  }
0x8f: {  	[tilespmem:s20], [sflag:$0x1] =	stream.indirect.gather [hbm4b:s1+s22], $0x80, s25, s22, $0xb8;
	[tilespmem:$0x1DC00] =	vst v63  }
0x90: {  	_ =	swait.ge [sflag:s23], $0x4000  }
0x91: {  	[sflag:s23] =	ssyncset.done $0x0  }
.Ltmp4:
0x92: {  	s25 =	sadd.s32 $0x3000, s25;
	[sflag:s23] =	ssyncadd.s32 $0xFFFFC000;
	(pc) =	sbr.rel @p0 .LBB2_9-.Ltmp4, $4  }
0x93: {  	[spmem:s3] =	stream.indirect.scatter.add.f32 [tilespmem:s20], [sflag:$0x2], $0x80, s25, s22, $0xb8;
	[tilespmem:$0x1DC00] =	vst v63  }
0x94: {  	_ =	swait.ge [sflag:s21], $0x4000  }
0x95: {  	[sflag:s21] =	ssyncset.done $0x0  }
0x96: {  	[sflag:s21] =	ssyncadd.s32 $0xFFFFC000  }
0x97: {  	s25 =	simm.s32 $0x2100  }
0x98: {  	[tilespmem:s20], [sflag:$0x1] =	stream.indirect.gather [hbm4b:s1+s22], $0x80, s25, s22, $0xb8;
	[tilespmem:$0x1DC00] =	vst v63  }
0x99: {  	_ =	swait.ge [sflag:s23], $0x4000  }
0x9a: {  	[sflag:s23] =	ssyncset.done $0x0  }
0x9b: {  	s31 =	simm.s32 $0x5100;
	[sflag:s23] =	ssyncadd.s32 $0xFFFFC000  }
0x9c: {  	[spmem:s3] =	stream.indirect.scatter.add.f32 [tilespmem:s20], [sflag:$0x2], $0x80, s31, s22, $0xb8;
	[tilespmem:$0x1DC00] =	vst v63  }
0x9d: {  	_ =	swait.ge [sflag:s21], $0x4000  }
0x9e: {  	s26 =	simm.s32 $0x400;
	s25 =	simm.s32 $0x80;
	[sflag:s21] =	ssyncset.done $0x0  }
.LBB2_7:
0x9f: {  	s28 =	sadd.s32 $0x2100, s25  }
0xa0: {  	[sflag:s21] =	ssyncadd.s32 $0xFFFFC000;
	s29 =	smov.u32 s26;
	s30 =	sadd.s32 $0x200, s26  }
0xa1: {  	[tilespmem:s20], [sflag:$0x1] =	stream.indirect.gather [hbm4b:s1+s22], $0x80, s28, s22, $0xb8;
	[tilespmem:$0x1DC00] =	vst v63  }
0xa2: {  	p1 =	sne.s32 s26, $0x3000;
	_ =	swait.ge [sflag:s23], $0x4000  }
.Ltmp5:
0xa3: {  	[sflag:s23] =	ssyncset.done $0x0;
	(pc) =	sbr.rel @p1 .LBB2_7-.Ltmp5, $4  }
0xa4: {  	s25 =	sadd.s32 $0x5100, s25;
	[sflag:s23] =	ssyncadd.s32 $0xFFFFC000  }
0xa5: {  	[spmem:s3] =	stream.indirect.scatter.add.f32 [tilespmem:s20], [sflag:$0x2], $0x80, s25, s22, $0xb8;
	[tilespmem:$0x1DC00] =	vst v63  }
0xa6: {  	_ =	swait.ge [sflag:s21], $0x4000  }
0xa7: {  	s26 =	smov.u32 s30;
	s25 =	sshra.s32 s29, $0x2;
	[sflag:s21] =	ssyncset.done $0x0  }
.Ltmp6:
0xa8: {  	_ = 	snop;
	(pc) =	sbr.rel .LBB2_8-.Ltmp6, $1  }
0xa9: {  	_ =	sdelay $0x3  }
.LBB2_10:
0xaa: {  	_ =	sfence.sel $0x180000  }
0xab: {  	[bflag:$0x0] =	sbarrier.arrive $0xFFFF  }
0xac: {  	p0 =	sne.s32 s2, $0x0;
	_ =	strace $0x9000004D  }
0xad: {  	s0 =	sadd.s32 @!p0 $0x100000, s0;
	[bflag:$0x2] =	sbarrier.arrive $0xFFFF  }
0xae: {  	[sflag:s0] =	ssyncadd.tile.s32 @!p0 $0x1;
	_ =	shalt  }
.Lfunc_end2:
_tile_overlayer_lowered:
.L_overlay_start_2:
0xaf: {  	(tag) =	ssettag $0x2  }
0xb0: {  	s0 =	rddreg [dreg:$0x0];
	s2 =	stileid.u32  }
0xb1: {  	s1 =	rddreg [dreg:$0x1];
	p0 =	sne.s32 s2, $0x0  }
0xb2: {  	s3 =	rddreg [dreg:$0x2];
	[bflag:$0x3] =	sbarrier.arrive $0xFFFF;
	s2 =	simm.s32 @!p0 $0x1C02  }
0xb3: {  	[timem:s3], [sflag:s2] =	dma.local @!p0 [hbm:s0], s1  }
0xb4: {  	s0 =	simm.s32 @!p0 $0x2  }
0xb5: {  	_ =	swait.ge @!p0 [sflag:s0], s1  }
0xb6: {  	s1 =	ssub.s32 @!p0 $0x0, s1;
	[sflag:s0] =	ssyncset.done @!p0 $0x0  }
0xb7: {  	[sflag:s0] =	ssyncadd.s32 @!p0 s1  }
0xb8: {  	[bflag:$0x3] =	sbarrier.arrive $0xFFFF  }
0xb9: {  	_ =	shalt  }

// kernel: kernel.9.cloned.1.call-start
scs
__scs_entry_jumppad:
0x0: {  	(pc) =	sbr.rel $0x88, $3  }
0x1: {  	(tag) =	ssettag $0x0;
	lr =	simm.s32 $0x1  }
0x2: {  	[smem:$0x3F9C] =	sst lr;
	_ =	strace $0xD0000000  }
0x3: {  	_ = 	snop  }
0x4: {  	_ = 	snop  }
0x5: {  	_ = 	snop  }
0x6: {  	_ = 	snop  }
0x7: {  	_ = 	snop  }
__scs_overlays_trampoline_lowered:
0x8: {  	[smem:$0x3FAB] =	sst s0  }
0x9: {  	[smem:$0x3FAC] =	sst s1  }
0xa: {  	[smem:$0x3FAD] =	sst s2  }
0xb: {  	[smem:$0x3FAE] =	sst s3  }
0xc: {  	[smem:$0x3FAF] =	sst s4  }
0xd: {  	[smem:$0x3FB0] =	sst s5  }
0xe: {  	[smem:$0x3FB1] =	sst s6  }
0xf: {  	[smem:$0x3FB2] =	sst s7  }
0x10: {  	[smem:$0x3FB3] =	sst s8  }
0x11: {  	[smem:$0x3FB4] =	sst s9;
	s0 =	simm.s32 @!p0 $0x0  }
0x12: {  	s1 =	sld [smem:$0x3F9A];
	s0 =	simm.s32 @p0 $0x1  }
0x13: {  	[smem:$0x3FB5] =	sst s0;
	s0 =	simm.s32 @!p1 $0x0  }
0x14: {  	s2 =	sld [smem:$0x3F99];
	s0 =	simm.s32 @p1 $0x1  }
0x15: {  	[smem:$0x3FB6] =	sst s0;
	s0 =	simm.s32 @!p2 $0x0  }
0x16: {  	s3 =	sld [smem:$0x3FDB];
	s0 =	simm.s32 @p2 $0x1  }
0x17: {  	s4 =	simm.s32 $0x1BF5;
	[smem:$0x3FB8] =	sst s0  }
0x18: {  	s0 =	sld [smem:$0x3F9B];
	_ =	swait.ge [sflag:s4], $0x0  }
0x19: {  	s7 =	sld [smem:$0x3F9C]  }
0x1a: {  	s8 =	sadd.s32 $0xFFFFE003, lr  }
0x1b: {  	s9 =	sadd.s32 $0xFFFFFEF7, lr;
	s5 =	simm.s32 $0xFFFFFFFF;
	p2 =	slt.u32 s8, $0xFFFFF086  }
0x1c: {  	p1 =	slt.u32 s9, $0xF7A;
	s5 =	simm.s32 @!p2 $0x0  }
0x1d: {  	s5 =	simm.s32 @p1 $0x1;
	p0 =	seq.s32 s7, s2  }
0x1e: {  	s7 =	smul.u32 @!p0 $0xF7A, s2;
	p2 =	seq.s32 @!p0 s5, $0x0  }
0x1f: {  	s9 =	smul.u32 $0xF7A, s1;
	s8 =	simm.s32 @!p0 $0x1BF5;
	p2 =	por !p2, p0  }
0x20: {  	[sflag:s8] =	ssyncset.s32 @!p0 $0xFFFFF086;
	s6 =	sadd.s32 @!p0 s3, s7;
	s7 =	simm.s32 @!p0 $0x108  }
0x21: {  	s3 =	sadd.s32 s3, s9;
	s6 =	sadd.s32 @!p0 $0x88, s6;
	s7 =	simm.s32 @p2 $0x1082  }
0x22: {  	[simem:s7], [sflag:s8] =	dma.local @!p0 [hbm:s6], $0xF7A  }
0x23: {  	s9 =	sor.u32 $0xD0000000, s2;
	s6 =	simm.s32 $0x108;
	_ =	swait.ge @!p0 [sflag:s8], $0x0  }
0x24: {  	s3 =	sadd.s32 $0x88, s3;
	s6 =	simm.s32 @!p1 $0x1082;
	[sflag:s4] =	ssyncset.s32 $0xFFFFF086  }
0x25: {  	[simem:s6], [sflag:s4] =	dma.local [hbm:s3], $0xF7A  }
0x26: {  	[smem:$0x3F9C] =	sst s1;
	(tag) =	ssettag s2;
	_ =	strace s9  }
0x27: {  	s1 =	sld [smem:$0x3FAC]  }
0x28: {  	s2 =	sld [smem:$0x3FAD]  }
0x29: {  	s4 =	sld [smem:$0x3FAF]  }
0x2a: {  	p0 =	seq.s32 s5, $0x0;
	s5 =	sld [smem:$0x3FB0]  }
0x2b: {  	s6 =	sld [smem:$0x3FB1]  }
0x2c: {  	s7 =	sld [smem:$0x3FB2]  }
0x2d: {  	s3 =	simm.s32 $0x108;
	s8 =	sld [smem:$0x3FB3]  }
0x2e: {  	s3 =	simm.s32 @!p0 $0x1082;
	s9 =	sld [smem:$0x3FB4]  }
0x2f: {  	lr =	sadd.s32 s0, s3;
	s0 =	sld [smem:$0x3FAB]  }
0x30: {  	s3 =	sld [smem:$0x3FAE]  }
0x31: {  	[smem:$0x3FB7] =	sst s10  }
0x32: {  	s10 =	sld [smem:$0x3FB5];
	_ =	sdelay $0x3  }
0x33: {  	p0 =	seq.s32 s10, $0x1;
	s10 =	sld [smem:$0x3FB7];
	_ =	sdelay $0x3  }
0x34: {  	[smem:$0x3FB7] =	sst s10  }
0x35: {  	s10 =	sld [smem:$0x3FB6];
	_ =	sdelay $0x3  }
0x36: {  	p1 =	seq.s32 s10, $0x1;
	s10 =	sld [smem:$0x3FB7];
	_ =	sdelay $0x3  }
0x37: {  	[smem:$0x3FB7] =	sst s10  }
0x38: {  	s10 =	sld [smem:$0x3FB8]  }
0x39: {  	_ = 	snop;
	(pc) =	sbr.ind lr, $3  }
0x3a: {  	_ = 	snop  }
0x3b: {  	_ = 	snop  }
0x3c: {  	p2 =	seq.s32 s10, $0x1;
	s10 =	sld [smem:$0x3FB7]  }
0x3d: {  	_ =	shalt  }
0x3e: {  	_ =	shalt  }
0x3f: {  	_ =	shalt  }
0x40: {  	_ =	shalt  }
0x41: {  	_ =	shalt  }
0x42: {  	_ =	shalt  }
0x43: {  	_ =	shalt  }
0x44: {  	_ =	shalt  }
0x45: {  	_ =	shalt  }
0x46: {  	_ =	shalt  }
0x47: {  	_ =	shalt  }
0x48: {  	_ =	shalt  }
0x49: {  	_ =	shalt  }
0x4a: {  	_ =	shalt  }
0x4b: {  	_ =	shalt  }
0x4c: {  	_ =	shalt  }
0x4d: {  	_ =	shalt  }
0x4e: {  	_ =	shalt  }
0x4f: {  	_ =	shalt  }
0x50: {  	_ =	shalt  }
0x51: {  	_ =	shalt  }
0x52: {  	_ =	shalt  }
0x53: {  	_ =	shalt  }
0x54: {  	_ =	shalt  }
0x55: {  	_ =	shalt  }
0x56: {  	_ =	shalt  }
0x57: {  	_ =	shalt  }
0x58: {  	_ =	shalt  }
0x59: {  	_ =	shalt  }
0x5a: {  	_ =	shalt  }
0x5b: {  	_ =	shalt  }
0x5c: {  	_ =	shalt  }
0x5d: {  	_ =	shalt  }
0x5e: {  	_ =	shalt  }
0x5f: {  	_ =	shalt  }
0x60: {  	_ =	shalt  }
0x61: {  	_ =	shalt  }
0x62: {  	_ =	shalt  }
0x63: {  	_ =	shalt  }
0x64: {  	_ =	shalt  }
0x65: {  	_ =	shalt  }
0x66: {  	_ =	shalt  }
0x67: {  	_ =	shalt  }
0x68: {  	_ =	shalt  }
0x69: {  	_ =	shalt  }
0x6a: {  	_ =	shalt  }
0x6b: {  	_ =	shalt  }
0x6c: {  	_ =	shalt  }
0x6d: {  	_ =	shalt  }
0x6e: {  	_ =	shalt  }
0x6f: {  	_ =	shalt  }
0x70: {  	_ =	shalt  }
0x71: {  	_ =	shalt  }
0x72: {  	_ =	shalt  }
0x73: {  	_ =	shalt  }
0x74: {  	_ =	shalt  }
0x75: {  	_ =	shalt  }
0x76: {  	_ =	shalt  }
0x77: {  	_ =	shalt  }
0x78: {  	_ =	shalt  }
0x79: {  	_ =	shalt  }
0x7a: {  	_ =	shalt  }
0x7b: {  	_ =	shalt  }
0x7c: {  	_ =	shalt  }
0x7d: {  	_ =	shalt  }
0x7e: {  	_ =	shalt  }
0x7f: {  	_ =	shalt  }
0x80: {  	_ =	shalt  }
0x81: {  	_ =	shalt  }
0x82: {  	_ =	shalt  }
0x83: {  	_ =	shalt  }
0x84: {  	_ =	shalt  }
0x85: {  	_ =	shalt  }
0x86: {  	_ =	shalt  }
0x87: {  	_ =	shalt  }
.Lfunc_end0:
.L_simem_size_0:
called_computation_lowered:
.L_overlay_start_0:
0x88: {  	s2 =	sld [smem:$0x3FD9]  }
0x89: {  	s3 =	sld [smem:$0x3FFE];
	_ =	sdelay $0x1  }
0x8a: {  	s1 =	srdreg.scid  }
0x8b: {  	s0 =	sand.u32 $0x1, s1  }
0x8c: {  	s14 =	sshll.u32 s0, $0xA;
	s2 =	sadd.s32 s3, s2  }
0x8d: {  	s2 =	sadd.s32 s2, s14  }
0x8e: {  	[smem:$0x3FC3] =	sst s2  }
0x8f: {  	_ = 	snop  }
0x90: {  	s2 =	sld [smem:$0x3FD0];
	_ =	sdelay $0x2  }
0x91: {  	s15 =	simm.s32 $0xA;
	s4 =	simm.s32 $0x10  }
0x92: {  	[smem:s4], [sflag:s15] =	dma.local [hbm:s2], $0x1  }
0x93: {  	_ =	swait.eq [sflag:s15], $0x1  }
0x94: {  	[sflag:s15] =	ssyncset.done $0x0  }
0x95: {  	[sflag:s15] =	ssyncadd.s32 $0xFFFFFFFF  }
0x96: {  	s16 =	sld [smem:$0x10];
	(tm) =	ssettm $0x1  }
0x97: {  	s17 =	sld [smem:$0x3FFB];
	_ =	sdelay $0x3  }
0x98: {  	_ =	strace s17  }
0x99: {  	s3 =	sld [smem:$0x3FFC];
	_ =	sdelay $0x3  }
0x9a: {  	_ =	strace s3  }
0x9b: {  	s3 =	sld [smem:$0x3FFD];
	_ =	sdelay $0x3  }
0x9c: {  	_ =	strace s3  }
0x9d: {  	_ =	strace $0x8FFFFFFF  }
0x9e: {  	s18 =	sld [smem:$0x3FDB];
	_ =	sdelay $0x1  }
0x9f: {  	s19 =	simm.s32 $_scs_section_size  }
0xa0: {  	s5 =	simm.s32 $_size__tile_overlayer_lowered;
	s6 =	simm.s32 $_tile_overlayer_lowered  }
0xa1: {  	s22 =	simm.s32 $0x1BFF;
	s21 =	sshll.u32 s6, $0x1;
	s3 =	sadd.s32 s19, s18  }
0xa2: {  	s7 =	simm.s32 $0x0;
	s20 =	sshll.u32 s5, $0x1;
	s5 =	sadd.s32 s21, s3  }
0xa3: {  	[timem:s7], [sflag:s22] =	dma.local [hbm:s5], s20  }
0xa4: {  	_ =	swait.ge [sflag:s22], s20  }
0xa5: {  	s4 =	ssub.s32 $0x0, s20;
	[sflag:s22] =	ssyncset.done $0x0  }
0xa6: {  	[sflag:s22] =	ssyncadd.s32 s4;
	_ =	sdelay $0x1  }
0xa7: {  	s23 =	simm.s32 $0x1B8B  }
0xa8: {  	_ =	swait.ge [sflag:s23], $0x1  }
0xa9: {  	[sflag:s23] =	ssyncset.done $0x0  }
0xaa: {  	s25 =	simm.s32 $0x1B8E;
	s24 =	sld [smem:$0x3FFE];
	[sflag:s23] =	ssyncadd.s32 $0xFFFFFFFF  }
0xab: {  	s26 =	simm.s32 $execute0_lowered;
	[smem:$0x3FD2] =	sst s25  }
0xac: {  	s5 =	sshll.u32 s26, $0x1;
	_ =	strace $0x80000046;
	[dreg:$0x1] =	wrdreg $0xFFFFFFFF  }
0xad: {  	s28 =	simm.s32 $_size_execute0_lowered;
	s3 =	sadd.s32 s3, s5;
	[dreg:$0x0] =	wrdreg $0x0  }
0xae: {  	s5 =	sshll.u32 s28, $0x1;
	[dreg:$0x2] =	wrdreg s3  }
0xaf: {  	[dreg:$0x3] =	wrdreg s5  }
0xb0: {  	[dreg:$0x4] =	wrdreg $0xC0  }
0xb1: {  	_ =	task [dreg:s7], $0x5FFFF  }
0xb2: {  	[dreg:$0x1] =	wrdreg $0xFFFFFFFF  }
0xb3: {  	[dreg:$0x0] =	wrdreg $0x60  }
0xb4: {  	[dreg:$0x2] =	wrdreg s16  }
0xb5: {  	[dreg:$0x3] =	wrdreg s24  }
0xb6: {  	[dreg:$0x4] =	wrdreg $0xA0000  }
0xb7: {  	[dreg:$0x5] =	wrdreg $0x9  }
0xb8: {  	_ =	task.clear_ibuf [dreg:s7], $0x6FFFF;
	_ =	strace $0x90000046  }
0xb9: {  	s29 =	simm.s32 $0x9;
	_ =	strace $0x80000048  }
0xba: {  	_ =	swait.ge [sflag:s29], $0x1  }
0xbb: {  	[sflag:s29] =	ssyncadd.s32 $0xFFFFFFFF  }
0xbc: {  	_ =	strace $0x90000048  }
0xbd: {  	_ =	sfence  }
0xbe: {  	s30 =	sld [smem:$0x0];
	_ =	sdelay $0x2  }
0xbf: {  	s31 =	sshll.u32 s1, $0xD;
	s1 =	sshrl.u32 s1, $0x2  }
0xc0: {  	s3 =	sand.u32 $0x4000, s31;
	s1 =	sadd.s32 s1, s30  }
0xc1: {  	s0 =	sor.u32 s3, s0;
	s1 =	sshll.u32 s1, $0x11  }
0xc2: {  	s0 =	sor.u32 s1, s0  }
0xc3: {  	s0 =	sadd.s32 $0x8F2B, s0  }
0xc4: {  	[sflag:s0] =	ssyncadd.remote.s32 $0x1  }
0xc5: {  	_ =	sfence.sel $0xFFFF  }
0xc6: {  	[dreg:$0x0] =	wrdreg $0xFFFFFFFF;
	(pc) =	sbr.abs _section_cstart, $3  }
0xc7: {  	[dreg:$0x1] =	wrdreg $0xFFFFFFFF  }
0xc8: {  	_ =	task.clear_ibuf [dreg:s7], $0x2FFFF;
	_ =	strace $0x9FFFFFFF  }
0xc9: {  	(tm) =	ssettm $0x7FFFFFFF  }
tec
execute0_lowered:
.L_overlay_start_1:
0x0: {  	(tag) =	ssettag $0x1  }
0x1: {  	s1 =	rddreg [dreg:$0x0]  }
0x2: {  	s5 =	rddreg [dreg:$0x1]  }
0x3: {  	s3 =	rddreg [dreg:$0x2];
	s2 =	stileid.u32  }
0x4: {  	s0 =	rddreg [dreg:$0x3];
	s4 =	simm.s32 $0x0;
	s6 =	smul.u32 $0x600, s2  }
0x5: {  	s7 =	srdreg.scid;
	s23 =	simm.s32 $0x1;
	s8 =	smul.u32 $0x480, s2  }
0x6: {  	s24 =	simm.s32 $0x0;
	[smem:$0x7FF] =	sst s4;
	s29 =	smul.u32 $0x4F000, s2  }
0x7: {  	s20 =	sand.u32 $0x1, s7;
	s14 =	smul.u32 $0x13C00, s2;
	s18 =	sadd.s32 $0x16A00, s5  }
0x8: {  	_ =	strace $0x80000047;
	s28 =	ssub.s32 $0x2, s20;
	s22 =	smul.u32 $0x13C000, s20  }
0x9: {  	p0 =	sne.s32 s20, $0x0;
	s20 =	simm.s32 $0x6000;
	s13 =	sadd.s32 s6, s5  }
0xa: {  	s11 =	sadd.s32 s8, s5;
	s30 =	sshrl.u32 s28, $0x1;
	s31 =	sshrl.u32 s29, $0x2  }
0xb: {  	s15 =	sadd.s32 $0x4000, s14;
	s16 =	sadd.s32 $0x8000, s14;
	s17 =	sadd.s32 $0xC000, s14  }
0xc: {  	s21 =	sadd.s32 $0x10000, s14;
	s19 =	ssub.s32 s28, s30;
	s5 =	sadd.s32 s31, s3  }
0xd: {  	s6 =	sadd.s32 s15, s3;
	s7 =	sadd.s32 s16, s3;
	s8 =	sadd.s32 s17, s3  }
0xe: {  	s9 =	sadd.s32 s21, s3;
	s10 =	sadd.s32 $0x1A00, s11;
	s11 =	sadd.s32 $0x6200, s11  }
0xf: {  	s12 =	sadd.s32 $0xAA00, s13;
	s14 =	sadd.s32 s14, s22;
	s15 =	sadd.s32 s22, s15  }
0x10: {  	s13 =	sadd.s32 $0x10A00, s13;
	s16 =	sadd.s32 s22, s16;
	s17 =	sadd.s32 s22, s17  }
.Ltmp0:
0x11: {  	s21 =	sadd.s32 s22, s21;
	s22 =	simm.s32 $0x80;
	(pc) =	sbr.rel .LBB2_1-.Ltmp0, $4  }
0x12: {  	s14 =	sshrl.u32 s14, $0x3;
	s15 =	sshrl.u32 s15, $0x3;
	s16 =	sshrl.u32 s16, $0x3  }
0x13: {  	s17 =	sshrl.u32 s17, $0x3;
	s21 =	sshrl.u32 s21, $0x3;
	s19 =	smax.u32 s19, $0x1  }
0x14: {  	s14 =	sadd.s32 s18, s14;
	s15 =	sadd.s32 s18, s15;
	s16 =	sadd.s32 s18, s16  }
0x15: {  	v0 =	vimm.f32 $0.0e+00;
	s17 =	sadd.s32 s18, s17;
	s18 =	sadd.s32 s18, s21;
	s21 =	simm.s32 $0x2  }
.LBB2_8:
0x16: {  	s26 =	sadd.s32 $0x2100, s25;
	[sflag:s21] =	ssyncadd.s32 $0xFFFFC000  }
0x17: {  	[tilespmem:s20], [sflag:$0x1] =	stream.indirect.gather [hbm4b:s1+s22], $0x80, s26, s22, $0xb8;
	[tilespmem:$0x1DC00] =	vst v63  }
0x18: {  	_ =	swait.ge [sflag:s23], $0x4000  }
0x19: {  	[sflag:s23] =	ssyncset.done $0x0  }
0x1a: {  	s31 =	sadd.s32 $0x5100, s25;
	[sflag:s23] =	ssyncadd.s32 $0xFFFFC000  }
0x1b: {  	[spmem:s3] =	stream.indirect.scatter.add.f32 [tilespmem:s20], [sflag:$0x2], $0x80, s31, s22, $0xb8;
	[tilespmem:$0x1DC00] =	vst v63  }
0x1c: {  	_ =	swait.ge [sflag:s21], $0x4000  }
0x1d: {  	[sflag:s21] =	ssyncset.done $0x0  }
0x1e: {  	[sflag:s21] =	ssyncadd.s32 $0xFFFFC000  }
.LBB2_9:
0x1f: {  	[bflag:$0x0] =	sbarrier.arrive $0xFFFF  }
0x20: {  	[tilespmem:s20], [sflag:$0x2] =	stream.linear.gather [spmem:s5], $0x4000, $0x38;
	[tilespmem:$0x1DC00] =	vst v63  }
0x21: {  	_ =	swait.ge [sflag:s21], $0x4000  }
0x22: {  	[sflag:s21] =	ssyncset.done $0x0  }
0x23: {  	[sflag:s21] =	ssyncadd.s32 $0xFFFFC000  }
0x24: {  	[hbm4b:s14+s4] =	stream.linear.scatter [tilespmem:s20], [sflag:$0x2], $0x4000, $0x38;
	[tilespmem:$0x1DC00] =	vst v63  }
0x25: {  	_ =	swait.ge [sflag:s21], $0x4000  }
0x26: {  	[sflag:s21] =	ssyncset.done $0x0  }
0x27: {  	[sflag:s21] =	ssyncadd.s32 $0xFFFFC000  }
0x28: {  	[tilespmem:s20], [sflag:$0x2] =	stream.linear.gather [spmem:s6], $0x4000, $0x38;
	[tilespmem:$0x1DC00] =	vst v63  }
0x29: {  	_ =	swait.ge [sflag:s21], $0x4000  }
0x2a: {  	[sflag:s21] =	ssyncset.done $0x0  }
0x2b: {  	[sflag:s21] =	ssyncadd.s32 $0xFFFFC000  }
0x2c: {  	[hbm4b:s15+s4] =	stream.linear.scatter [tilespmem:s20], [sflag:$0x2], $0x4000, $0x38;
	[tilespmem:$0x1DC00] =	vst v63  }
0x2d: {  	_ =	swait.ge [sflag:s21], $0x4000  }
0x2e: {  	[sflag:s21] =	ssyncset.done $0x0  }
0x2f: {  	[sflag:s21] =	ssyncadd.s32 $0xFFFFC000  }
0x30: {  	[tilespmem:s20], [sflag:$0x2] =	stream.linear.gather [spmem:s7], $0x4000, $0x38;
	[tilespmem:$0x1DC00] =	vst v63  }
0x31: {  	_ =	swait.ge [sflag:s21], $0x4000  }
0x32: {  	[sflag:s21] =	ssyncset.done $0x0  }
0x33: {  	[sflag:s21] =	ssyncadd.s32 $0xFFFFC000  }
0x34: {  	[hbm4b:s16+s4] =	stream.linear.scatter [tilespmem:s20], [sflag:$0x2], $0x4000, $0x38;
	[tilespmem:$0x1DC00] =	vst v63  }
0x35: {  	_ =	swait.ge [sflag:s21], $0x4000  }
0x36: {  	[sflag:s21] =	ssyncset.done $0x0  }
0x37: {  	[sflag:s21] =	ssyncadd.s32 $0xFFFFC000  }
0x38: {  	[tilespmem:s20], [sflag:$0x2] =	stream.linear.gather [spmem:s8], $0x4000, $0x38;
	[tilespmem:$0x1DC00] =	vst v63  }
0x39: {  	_ =	swait.ge [sflag:s21], $0x4000  }
0x3a: {  	[sflag:s21] =	ssyncset.done $0x0  }
0x3b: {  	[sflag:s21] =	ssyncadd.s32 $0xFFFFC000  }
0x3c: {  	[hbm4b:s17+s4] =	stream.linear.scatter [tilespmem:s20], [sflag:$0x2], $0x4000, $0x38;
	[tilespmem:$0x1DC00] =	vst v63  }
0x3d: {  	_ =	swait.ge [sflag:s21], $0x4000  }
0x3e: {  	[sflag:s21] =	ssyncset.done $0x0  }
0x3f: {  	[sflag:s21] =	ssyncadd.s32 $0xFFFFC000  }
0x40: {  	[tilespmem:s20], [sflag:$0x2] =	stream.linear.gather [spmem:s9], $0x3C00, $0x38;
	[tilespmem:$0x1DC00] =	vst v63  }
0x41: {  	s24 =	sadd.s32 $0x1, s24;
	_ =	swait.ge [sflag:s21], $0x3C00  }
0x42: {  	p1 =	sne.s32 s24, s19;
	[sflag:s21] =	ssyncset.done $0x0  }
.Ltmp1:
0x43: {  	[sflag:s21] =	ssyncadd.s32 $0xFFFFC400;
	(pc) =	sbr.rel @!p1 .LBB2_10-.Ltmp1, $4  }
0x44: {  	[hbm4b:s18+s4] =	stream.linear.scatter [tilespmem:s20], [sflag:$0x2], $0x3C00, $0x38;
	[tilespmem:$0x1DC00] =	vst v63  }
0x45: {  	_ =	swait.ge [sflag:s21], $0x3C00  }
0x46: {  	[sflag:s21] =	ssyncset.done $0x0  }
0x47: {  	[sflag:s21] =	ssyncadd.s32 $0xFFFFC400  }
.LBB2_1:
0x48: {  	s25 =	simm.s32 $0x0;
	s26 =	simm.s32 $0x200  }
.LBB2_2:
0x49: {  	p1 =	sne.s32 s26, $0xFE00;
	[tilespmem:s25+$0x6070] =	vst v0  }
0x4a: {  	[tilespmem:s25+$0x6000] =	vst v0  }
0x4b: {  	[tilespmem:s25+$0x6010] =	vst v0  }
.Ltmp2:
0x4c: {  	[tilespmem:s25+$0x6020] =	vst v0;
	(pc) =	sbr.rel @p1 .LBB2_2-.Ltmp2, $4  }
0x4d: {  	[tilespmem:s25+$0x6030] =	vst v0  }
0x4e: {  	[tilespmem:s25+$0x6040] =	vst v0  }
0x4f: {  	[tilespmem:s25+$0x6050] =	vst v0  }
0x50: {  	[tilespmem:s25+$0x6060] =	vst v0;
	s25 =	sshra.s32 s26, $0x2;
	s26 =	sadd.s32 $0x200, s26  }
0x51: {  	[tilespmem:s25+$0x6070] =	vst v0  }
0x52: {  	[tilespmem:s25+$0x6000] =	vst v0  }
0x53: {  	[tilespmem:s25+$0x6010] =	vst v0  }
0x54: {  	[tilespmem:s25+$0x6020] =	vst v0  }
0x55: {  	[tilespmem:s25+$0x6030] =	vst v0  }
0x56: {  	[tilespmem:s25+$0x6040] =	vst v0  }
0x57: {  	[tilespmem:s25+$0x6050] =	vst v0  }
0x58: {  	[tilespmem:s25+$0x6060] =	vst v0  }
0x59: {  	[spmem:s5] =	stream.linear.scatter [tilespmem:s20], [sflag:$0x2], $0x4000, $0x38;
	[tilespmem:$0x1DC00] =	vst v63  }
0x5a: {  	_ =	swait.ge [sflag:s21], $0x4000  }
0x5b: {  	[sflag:s21] =	ssyncset.done $0x0  }
0x5c: {  	[sflag:s21] =	ssyncadd.s32 $0xFFFFC000  }
0x5d: {  	[spmem:s6] =	stream.linear.scatter [tilespmem:s20], [sflag:$0x2], $0x4000, $0x38;
	[tilespmem:$0x1DC00] =	vst v63  }
0x5e: {  	_ =	swait.ge [sflag:s21], $0x4000  }
0x5f: {  	[sflag:s21] =	ssyncset.done $0x0  }
0x60: {  	[sflag:s21] =	ssyncadd.s32 $0xFFFFC000  }
0x61: {  	[spmem:s7] =	stream.linear.scatter [tilespmem:s20], [sflag:$0x2], $0x4000, $0x38;
	[tilespmem:$0x1DC00] =	vst v63  }
0x62: {  	_ =	swait.ge [sflag:s21], $0x4000  }
0x63: {  	[sflag:s21] =	ssyncset.done $0x0  }
0x64: {  	[sflag:s21] =	ssyncadd.s32 $0xFFFFC000  }
0x65: {  	[spmem:s8] =	stream.linear.scatter [tilespmem:s20], [sflag:$0x2], $0x4000, $0x38;
	[tilespmem:$0x1DC00] =	vst v63  }
0x66: {  	_ =	swait.ge [sflag:s21], $0x4000  }
0x67: {  	[sflag:s21] =	ssyncset.done $0x0  }
0x68: {  	[sflag:s21] =	ssyncadd.s32 $0xFFFFC000  }
0x69: {  	[spmem:s9] =	stream.linear.scatter [tilespmem:s20], [sflag:$0x2], $0x3C00, $0x38;
	[tilespmem:$0x1DC00] =	vst v63  }
0x6a: {  	_ =	swait.ge [sflag:s21], $0x3C00  }
0x6b: {  	[sflag:s21] =	ssyncset.done $0x0  }
0x6c: {  	s25 =	simm.s32 @p0 $0x0;
	s26 =	simm.s32 @p0 $0x2;
	[sflag:s21] =	ssyncadd.s32 $0xFFFFC400  }
0x6d: {  	[tilespmem:s25], [sflag:$0x2] =	stream.linear.gather @p0 [hbm4b:s10+s25], $0x2100, $0x38;
	[tilespmem:$0x1DC00] =	vst v63  }
0x6e: {  	_ =	swait.ge @p0 [sflag:s26], $0x2100  }
0x6f: {  	[sflag:s26] =	ssyncset.done @p0 $0x0  }
0x70: {  	s28 =	simm.s32 @p0 $0x3000;
	[sflag:s26] =	ssyncadd.s32 @p0 $0xFFFFDF00  }
0x71: {  	[tilespmem:s28], [sflag:$0x2] =	stream.linear.gather @p0 [hbm4b:s11+s25], $0x2100, $0x38;
	[tilespmem:$0x1DC00] =	vst v63  }
0x72: {  	_ =	swait.ge @p0 [sflag:s26], $0x2100  }
0x73: {  	[sflag:s26] =	ssyncset.done @p0 $0x0  }
0x74: {  	s25 =	simm.s32 @!p0 $0x0;
	[sflag:s26] =	ssyncadd.s32 @p0 $0xFFFFDF00;
	s26 =	simm.s32 @!p0 $0x2  }
0x75: {  	[tilespmem:s25], [sflag:$0x2] =	stream.linear.gather @!p0 [hbm4b:s12+s25], $0x2D80, $0x38;
	[tilespmem:$0x1DC00] =	vst v63  }
0x76: {  	_ =	swait.ge @!p0 [sflag:s26], $0x2D80  }
0x77: {  	[sflag:s26] =	ssyncset.done @!p0 $0x0  }
0x78: {  	s28 =	simm.s32 @!p0 $0x3000;
	[sflag:s26] =	ssyncadd.s32 @!p0 $0xFFFFD280  }
0x79: {  	[tilespmem:s28], [sflag:$0x2] =	stream.linear.gather @!p0 [hbm4b:s13+s25], $0x2D80, $0x38;
	[tilespmem:$0x1DC00] =	vst v63  }
0x7a: {  	_ =	swait.ge @!p0 [sflag:s26], $0x2D80  }
0x7b: {  	[sflag:s26] =	ssyncset.done @!p0 $0x0  }
0x7c: {  	[sflag:s26] =	ssyncadd.s32 @!p0 $0xFFFFD280  }
0x7d: {  	s30 =	simm.s32 $0x0;
	[bflag:$0x0] =	sbarrier.arrive $0xFFFF  }
0x7e: {  	[tilespmem:s20], [sflag:$0x1] =	stream.indirect.gather [hbm4b:s1+s22], $0x80, s30, s22, $0xb8;
	[tilespmem:$0x1DC00] =	vst v63  }
0x7f: {  	_ =	swait.ge [sflag:s23], $0x4000  }
0x80: {  	[sflag:s23] =	ssyncset.done $0x0  }
0x81: {  	s31 =	simm.s32 $0x3000;
	[sflag:s23] =	ssyncadd.s32 $0xFFFFC000  }
0x82: {  	[spmem:s3] =	stream.indirect.scatter.add.f32 [tilespmem:s20], [sflag:$0x2], $0x80, s31, s22, $0xb8;
	[tilespmem:$0x1DC00] =	vst v63  }
0x83: {  	_ =	swait.ge [sflag:s21], $0x4000  }
0x84: {  	s25 =	simm.s32 $0x200;
	s26 =	simm.s32 $0x400;
	[sflag:s21] =	ssyncset.done $0x0  }
.LBB2_4:
0x85: {  	s28 =	sshra.s32 s25, $0x2  }
0x86: {  	[sflag:s21] =	ssyncadd.s32 $0xFFFFC000;
	s25 =	smov.u32 s26;
	s29 =	sadd.s32 $0x200, s26  }
0x87: {  	[tilespmem:s20], [sflag:$0x1] =	stream.indirect.gather [hbm4b:s1+s22], $0x80, s28, s22, $0xb8;
	[tilespmem:$0x1DC00] =	vst v63  }
0x88: {  	p1 =	sne.s32 s26, $0x8200;
	_ =	swait.ge [sflag:s23], $0x4000  }
.Ltmp3:
0x89: {  	[sflag:s23] =	ssyncset.done $0x0;
	(pc) =	sbr.rel @p1 .LBB2_4-.Ltmp3, $4  }
0x8a: {  	s26 =	sadd.s32 $0x3000, s28;
	[sflag:s23] =	ssyncadd.s32 $0xFFFFC000  }
0x8b: {  	[spmem:s3] =	stream.indirect.scatter.add.f32 [tilespmem:s20], [sflag:$0x2], $0x80, s26, s22, $0xb8;
	[tilespmem:$0x1DC00] =	vst v63  }
0x8c: {  	_ =	swait.ge [sflag:s21], $0x4000  }
0x8d: {  	s26 =	smov.u32 s29;
	[sflag:s21] =	ssyncset.done $0x0  }
0x8e: {  	s25 =	sshra.s32 s25, $0x2;
	[sflag:s21] =	ssyncadd.s32 $0xFFFFC000  }
0x8f: {  	[tilespmem:s20], [sflag:$0x1] =	stream.indirect.gather [hbm4b:s1+s22], $0x80, s25, s22, $0xb8;
	[tilespmem:$0x1DC00] =	vst v63  }
0x90: {  	_ =	swait.ge [sflag:s23], $0x4000  }
0x91: {  	[sflag:s23] =	ssyncset.done $0x0  }
.Ltmp4:
0x92: {  	s25 =	sadd.s32 $0x3000, s25;
	[sflag:s23] =	ssyncadd.s32 $0xFFFFC000;
	(pc) =	sbr.rel @p0 .LBB2_9-.Ltmp4, $4  }
0x93: {  	[spmem:s3] =	stream.indirect.scatter.add.f32 [tilespmem:s20], [sflag:$0x2], $0x80, s25, s22, $0xb8;
	[tilespmem:$0x1DC00] =	vst v63  }
0x94: {  	_ =	swait.ge [sflag:s21], $0x4000  }
0x95: {  	[sflag:s21] =	ssyncset.done $0x0  }
0x96: {  	[sflag:s21] =	ssyncadd.s32 $0xFFFFC000  }
0x97: {  	s25 =	simm.s32 $0x2100  }
0x98: {  	[tilespmem:s20], [sflag:$0x1] =	stream.indirect.gather [hbm4b:s1+s22], $0x80, s25, s22, $0xb8;
	[tilespmem:$0x1DC00] =	vst v63  }
0x99: {  	_ =	swait.ge [sflag:s23], $0x4000  }
0x9a: {  	[sflag:s23] =	ssyncset.done $0x0  }
0x9b: {  	s31 =	simm.s32 $0x5100;
	[sflag:s23] =	ssyncadd.s32 $0xFFFFC000  }
0x9c: {  	[spmem:s3] =	stream.indirect.scatter.add.f32 [tilespmem:s20], [sflag:$0x2], $0x80, s31, s22, $0xb8;
	[tilespmem:$0x1DC00] =	vst v63  }
0x9d: {  	_ =	swait.ge [sflag:s21], $0x4000  }
0x9e: {  	s26 =	simm.s32 $0x400;
	s25 =	simm.s32 $0x80;
	[sflag:s21] =	ssyncset.done $0x0  }
.LBB2_7:
0x9f: {  	s28 =	sadd.s32 $0x2100, s25  }
0xa0: {  	[sflag:s21] =	ssyncadd.s32 $0xFFFFC000;
	s29 =	smov.u32 s26;
	s30 =	sadd.s32 $0x200, s26  }
0xa1: {  	[tilespmem:s20], [sflag:$0x1] =	stream.indirect.gather [hbm4b:s1+s22], $0x80, s28, s22, $0xb8;
	[tilespmem:$0x1DC00] =	vst v63  }
0xa2: {  	p1 =	sne.s32 s26, $0x3000;
	_ =	swait.ge [sflag:s23], $0x4000  }
.Ltmp5:
0xa3: {  	[sflag:s23] =	ssyncset.done $0x0;
	(pc) =	sbr.rel @p1 .LBB2_7-.Ltmp5, $4  }
0xa4: {  	s25 =	sadd.s32 $0x5100, s25;
	[sflag:s23] =	ssyncadd.s32 $0xFFFFC000  }
0xa5: {  	[spmem:s3] =	stream.indirect.scatter.add.f32 [tilespmem:s20], [sflag:$0x2], $0x80, s25, s22, $0xb8;
	[tilespmem:$0x1DC00] =	vst v63  }
0xa6: {  	_ =	swait.ge [sflag:s21], $0x4000  }
0xa7: {  	s26 =	smov.u32 s30;
	s25 =	sshra.s32 s29, $0x2;
	[sflag:s21] =	ssyncset.done $0x0  }
.Ltmp6:
0xa8: {  	_ = 	snop;
	(pc) =	sbr.rel .LBB2_8-.Ltmp6, $1  }
0xa9: {  	_ =	sdelay $0x3  }
.LBB2_10:
0xaa: {  	_ =	sfence.sel $0x180000  }
0xab: {  	[bflag:$0x0] =	sbarrier.arrive $0xFFFF  }
0xac: {  	p0 =	sne.s32 s2, $0x0;
	_ =	strace $0x90000047  }
0xad: {  	s0 =	sadd.s32 @!p0 $0x100000, s0;
	[bflag:$0x2] =	sbarrier.arrive $0xFFFF  }
0xae: {  	[sflag:s0] =	ssyncadd.tile.s32 @!p0 $0x1;
	_ =	shalt  }
.Lfunc_end2:
_tile_overlayer_lowered:
.L_overlay_start_2:
0xaf: {  	(tag) =	ssettag $0x2  }
0xb0: {  	s0 =	rddreg [dreg:$0x0];
	s2 =	stileid.u32  }
0xb1: {  	s1 =	rddreg [dreg:$0x1];
	p0 =	sne.s32 s2, $0x0  }
0xb2: {  	s3 =	rddreg [dreg:$0x2];
	[bflag:$0x3] =	sbarrier.arrive $0xFFFF;
	s2 =	simm.s32 @!p0 $0x1C02  }
0xb3: {  	[timem:s3], [sflag:s2] =	dma.local @!p0 [hbm:s0], s1  }
0xb4: {  	s0 =	simm.s32 @!p0 $0x2  }
0xb5: {  	_ =	swait.ge @!p0 [sflag:s0], s1  }
0xb6: {  	s1 =	ssub.s32 @!p0 $0x0, s1;
	[sflag:s0] =	ssyncset.done @!p0 $0x0  }
0xb7: {  	[sflag:s0] =	ssyncadd.s32 @!p0 s1  }
0xb8: {  	[bflag:$0x3] =	sbarrier.arrive $0xFFFF  }
0xb9: {  	_ =	shalt  }

</sc_bundles>
